<compile_context>
chip_gen: v7x
topology: tpu7x:2x2x1
jax: 0.10.2.dev20260603
libtpu: 0.0.44.dev20260713+nightly
codegen_flags: <defaults>
</compile_context>

<pallas_src>
import functools

import jax
import jax.numpy as jnp
from jax import lax
from jax.experimental import pallas as pl
from jax.experimental.pallas import tpu as pltpu
from jax.experimental.pallas import tpu_sc as plsc

NUM_CORES = 2
NUM_SUBCORES = 16
NUM_WORKERS = NUM_CORES * NUM_SUBCORES
LANES = 16
CHUNK = 16
TBUF = 3
PBUF = 2


def _emb_body(B, T, D, ids_hbm, tok_hbm, pos_hbm, out_hbm, *rest):
    idx_v = rest[0]
    tok_bufs = rest[1:1 + TBUF]
    pos_bufs = rest[1 + TBUF:1 + TBUF + PBUF]
    gsems = rest[1 + TBUF + PBUF:1 + 2 * TBUF + PBUF]
    osems = rest[1 + 2 * TBUF + PBUF:1 + 3 * TBUF + PBUF]
    psems = rest[1 + 3 * TBUF + PBUF:1 + 3 * TBUF + 2 * PBUF]

    t_per_w = T // NUM_WORKERS
    nh = t_per_w // CHUNK
    nch = nh * B
    wid = lax.axis_index("s") * NUM_CORES + lax.axis_index("c")
    t0 = wid * t_per_w

    for b in range(B):
        pltpu.sync_copy(ids_hbm.at[pl.ds(b * T + t0, t_per_w)], idx_v.at[b])

    pos_d = [None] * nh
    gat = [None] * nch
    out = [None] * nch
    pos_d[0] = pltpu.async_copy(
        pos_hbm.at[pl.ds(t0, CHUNK)], pos_bufs[0], psems[0]
    )
    for t in range(nch + 1):
        g = t
        if g < nch:
            if g >= TBUF:
                out[g - TBUF].wait()
            h, b = divmod(g, B)
            gat[g] = pltpu.async_copy(
                tok_hbm.at[idx_v.at[b, pl.ds(h * CHUNK, CHUNK)]],
                tok_bufs[g % TBUF],
                gsems[g % TBUF],
            )
        g = t - 1
        if 0 <= g < nch:
            h, b = divmod(g, B)
            if b == 0:
                pos_d[h].wait()
                if h + 1 < nh:
                    pos_d[h + 1] = pltpu.async_copy(
                        pos_hbm.at[pl.ds(t0 + (h + 1) * CHUNK, CHUNK)],
                        pos_bufs[(h + 1) % PBUF],
                        psems[(h + 1) % PBUF],
                    )
            gat[g].wait()
            tok_v = tok_bufs[g % TBUF]
            pos_v = pos_bufs[h % PBUF]

            @pl.loop(0, CHUNK)
            def _row(r):
                @plsc.parallel_loop(0, D, step=LANES, unroll=8)
                def _col(c):
                    tok_v[r, pl.ds(c, LANES)] = (
                        tok_v[r, pl.ds(c, LANES)] + pos_v[r, pl.ds(c, LANES)]
                    )

            out[g] = pltpu.async_copy(
                tok_v,
                out_hbm.at[pl.ds(b * T + t0 + h * CHUNK, CHUNK)],
                osems[g % TBUF],
            )
    for g in range(max(0, nch - TBUF), nch):
        out[g].wait()


def kernel(input_ids, tok_table, pos_table):
    B, T = input_ids.shape
    D = tok_table.shape[1]
    ids = input_ids.reshape(-1).astype(jnp.int32)
    t_per_w = T // NUM_WORKERS
    mesh = plsc.VectorSubcoreMesh(core_axis_name="c", subcore_axis_name="s")
    scratch = [pltpu.VMEM((B, t_per_w), jnp.int32)]
    scratch += [pltpu.VMEM((CHUNK, D), jnp.float32) for _ in range(TBUF)]
    scratch += [pltpu.VMEM((CHUNK, D), jnp.float32) for _ in range(PBUF)]
    scratch += [pltpu.SemaphoreType.DMA for _ in range(2 * TBUF + 2 * PBUF)]
    k = pl.kernel(
        functools.partial(_emb_body, B, T, D),
        out_type=jax.ShapeDtypeStruct((B * T, D), jnp.float32),
        mesh=mesh,
        scratch_types=scratch,
    )
    out = k(ids, tok_table, pos_table)
    return out.reshape(B, T, D)

# --- scband reference (transcript-rebuilt; emitter-appended) ---
"""Pipeline reference for scband-gpt2-embeddings-87557203297210 (READ-ONLY COPY).

The authoritative reference and input builder live on the scoring server;
editing this copy changes nothing except your own understanding.
"""

import jax, jax.numpy as jnp
import numpy as np

VOCAB = 100000
D_MODEL = 1024
BLOCK = 2048
B, T = 4, 2048

def setup_inputs(seed: int = 0) -> dict:
    key = jax.random.key(seed)
    k1, k2, k3 = jax.random.split(key, 3)
    input_ids = jax.random.randint(k1, (B, T), 0, VOCAB, dtype=jnp.int64 if jax.config.jax_enable_x64 else jnp.int32)
    tok_table = jax.random.normal(k2, (VOCAB, D_MODEL), dtype=jnp.float32) * 0.02
    pos_table = jax.random.normal(k3, (BLOCK, D_MODEL), dtype=jnp.float32) * 0.02
    return {"input_ids": input_ids, "tok_table": tok_table, "pos_table": pos_table}

def reference(input_ids, tok_table, pos_table):
    bsz, seq_len = input_ids.shape
    tok = jnp.take(tok_table, input_ids, axis=0)  # [B, T, d_model]
    pos_ids = jnp.arange(seq_len)  # [T]
    pos = jnp.take(pos_table, pos_ids, axis=0)  # [T, d_model]
    out = tok + pos[None, :, :]  # broadcast over batch
    # dropout p=0.0 / eval mode -> identity
    return out

if __name__ == "__main__":
    import jax
    _d = setup_inputs()
    print(jax.jit(kernel)(*tuple(_d.values())))

</pallas_src>

<mosaic_0001>
#map = affine_map<(d0, d1) -> (0)>
#map1 = affine_map<(d0, d1) -> (0, 0)>
module attributes {stable_mosaic.version = 14 : i64} {
  func.func @_emb_body(%arg0: i32, %arg1: i32, %arg2: memref<8192xi32, #tpu.memory_space<hbm>>, %arg3: memref<100000x1024xf32, #tpu.memory_space<hbm>>, %arg4: memref<2048x1024xf32, #tpu.memory_space<hbm>>, %arg5: memref<8192x1024xf32, #tpu.memory_space<hbm>>, %arg6: memref<4x64xi32, #tpu.memory_space<vmem>>, %arg7: memref<16x1024xf32, #tpu.memory_space<vmem>>, %arg8: memref<16x1024xf32, #tpu.memory_space<vmem>>, %arg9: memref<16x1024xf32, #tpu.memory_space<vmem>>, %arg10: memref<16x1024xf32, #tpu.memory_space<vmem>>, %arg11: memref<16x1024xf32, #tpu.memory_space<vmem>>, %arg12: memref<!tpu.dma_semaphore, #tpu.memory_space<semaphore_mem>>, %arg13: memref<!tpu.dma_semaphore, #tpu.memory_space<semaphore_mem>>, %arg14: memref<!tpu.dma_semaphore, #tpu.memory_space<semaphore_mem>>, %arg15: memref<!tpu.dma_semaphore, #tpu.memory_space<semaphore_mem>>, %arg16: memref<!tpu.dma_semaphore, #tpu.memory_space<semaphore_mem>>, %arg17: memref<!tpu.dma_semaphore, #tpu.memory_space<semaphore_mem>>, %arg18: memref<!tpu.dma_semaphore, #tpu.memory_space<semaphore_mem>>, %arg19: memref<!tpu.dma_semaphore, #tpu.memory_space<semaphore_mem>>, %arg20: memref<!tpu.dma_semaphore, #tpu.memory_space<semaphore_mem>>, %arg21: memref<!tpu.dma_semaphore, #tpu.memory_space<semaphore_mem>>) attributes {dimension_semantics = [#tpu.dimension_semantics<core_parallel>, #tpu.dimension_semantics<subcore_parallel>], iteration_bounds = array<i64: 2, 16>, scalar_prefetch = 0 : i64, scratch_operands = 16 : i64, tpu.core_type = #tpu.core_type<sc_vector_subcore>, window_params = [{transform_indices = #map}, {transform_indices = #map1}, {transform_indices = #map1}, {transform_indices = #map1}]} {
    %mul3A = arith.constant 2 : i32
    %mul3A_0 = arith.muli %arg1, %mul3A : i32
    %add3A = arith.addi %mul3A_0, %arg0 : i32
    %mul3A_1 = arith.constant 64 : i32
    %mul3A_2 = arith.muli %add3A, %mul3A_1 : i32
    %add3A_3 = arith.constant 0 : i32
    %add3A_4 = arith.addi %add3A_3, %mul3A_2 : i32
    %run_scoped3A = arith.constant 0 : i32
    "tpu.region"() ({
      %run_scoped3A_545 = tpu.sem_alloc : memref<!tpu.dma_semaphore, #tpu.memory_space<semaphore_mem>>
      %dma_start3A_546 = arith.constant 0 : i32
      %dma_start3A_547 = tpu.memref_slice %arg6[%run_scoped3A, %dma_start3A_546] : memref<4x64xi32, #tpu.memory_space<vmem>> -> memref<1x64xi32, #tpu.memory_space<vmem>>
      %dma_start3A_548 = tpu.memref_squeeze %dma_start3A_547 : memref<1x64xi32, #tpu.memory_space<vmem>> -> memref<64xi32, #tpu.memory_space<vmem>>
      %dma_start3A_549 = tpu.memref_slice %arg2[%add3A_4] : memref<8192xi32, #tpu.memory_space<hbm>> -> memref<64xi32, #tpu.memory_space<hbm>>
      %dma_start3A_550 = arith.constant 0 : i32
      %dma_start3A_551 = tpu.memref_slice %arg6[%run_scoped3A, %dma_start3A_550] : memref<4x64xi32, #tpu.memory_space<vmem>> -> memref<1x64xi32, #tpu.memory_space<vmem>>
      %dma_start3A_552 = tpu.memref_squeeze %dma_start3A_551 : memref<1x64xi32, #tpu.memory_space<vmem>> -> memref<64xi32, #tpu.memory_space<vmem>>
      %dma_start3A_553 = tpu.memref_slice %arg2[%add3A_4] : memref<8192xi32, #tpu.memory_space<hbm>> -> memref<64xi32, #tpu.memory_space<hbm>>
      tpu.enqueue_dma source(%dma_start3A_553 : memref<64xi32, #tpu.memory_space<hbm>>) target(%dma_start3A_552 : memref<64xi32, #tpu.memory_space<vmem>>) target_semaphore(%run_scoped3A_545 : memref<!tpu.dma_semaphore, #tpu.memory_space<semaphore_mem>>)
      %dma_wait3A_554 = arith.constant 0 : i32
      %dma_wait3A_555 = tpu.memref_slice %arg6[%run_scoped3A, %dma_wait3A_554] : memref<4x64xi32, #tpu.memory_space<vmem>> -> memref<1x64xi32, #tpu.memory_space<vmem>>
      %dma_wait3A_556 = tpu.memref_squeeze %dma_wait3A_555 : memref<1x64xi32, #tpu.memory_space<vmem>> -> memref<64xi32, #tpu.memory_space<vmem>>
      %dma_wait3A_557 = tpu.memref_slice %arg2[%add3A_4] : memref<8192xi32, #tpu.memory_space<hbm>> -> memref<64xi32, #tpu.memory_space<hbm>>
      %dma_wait3A_558 = arith.constant 0 : i32
      %dma_wait3A_559 = tpu.memref_slice %arg6[%run_scoped3A, %dma_wait3A_558] : memref<4x64xi32, #tpu.memory_space<vmem>> -> memref<1x64xi32, #tpu.memory_space<vmem>>
      %dma_wait3A_560 = tpu.memref_squeeze %dma_wait3A_559 : memref<1x64xi32, #tpu.memory_space<vmem>> -> memref<64xi32, #tpu.memory_space<vmem>>
      %dma_wait3A_561 = tpu.memref_slice %arg2[%add3A_4] : memref<8192xi32, #tpu.memory_space<hbm>> -> memref<64xi32, #tpu.memory_space<hbm>>
      tpu.wait_dma2 semaphore(%run_scoped3A_545 : memref<!tpu.dma_semaphore, #tpu.memory_space<semaphore_mem>>) src(%dma_wait3A_561 : memref<64xi32, #tpu.memory_space<hbm>>) dst(%dma_wait3A_560 : memref<64xi32, #tpu.memory_space<vmem>>)
      tpu.yield
    }) : () -> ()
    %add3A_5 = arith.constant 2048 : i32
    %add3A_6 = arith.addi %add3A_5, %mul3A_2 : i32
    %run_scoped3A_7 = arith.constant 1 : i32
    "tpu.region"() ({
      %run_scoped3A_545 = tpu.sem_alloc : memref<!tpu.dma_semaphore, #tpu.memory_space<semaphore_mem>>
      %dma_start3A_546 = arith.constant 0 : i32
      %dma_start3A_547 = tpu.memref_slice %arg6[%run_scoped3A_7, %dma_start3A_546] : memref<4x64xi32, #tpu.memory_space<vmem>> -> memref<1x64xi32, #tpu.memory_space<vmem>>
      %dma_start3A_548 = tpu.memref_squeeze %dma_start3A_547 : memref<1x64xi32, #tpu.memory_space<vmem>> -> memref<64xi32, #tpu.memory_space<vmem>>
      %dma_start3A_549 = tpu.memref_slice %arg2[%add3A_6] : memref<8192xi32, #tpu.memory_space<hbm>> -> memref<64xi32, #tpu.memory_space<hbm>>
      %dma_start3A_550 = arith.constant 0 : i32
      %dma_start3A_551 = tpu.memref_slice %arg6[%run_scoped3A_7, %dma_start3A_550] : memref<4x64xi32, #tpu.memory_space<vmem>> -> memref<1x64xi32, #tpu.memory_space<vmem>>
      %dma_start3A_552 = tpu.memref_squeeze %dma_start3A_551 : memref<1x64xi32, #tpu.memory_space<vmem>> -> memref<64xi32, #tpu.memory_space<vmem>>
      %dma_start3A_553 = tpu.memref_slice %arg2[%add3A_6] : memref<8192xi32, #tpu.memory_space<hbm>> -> memref<64xi32, #tpu.memory_space<hbm>>
      tpu.enqueue_dma source(%dma_start3A_553 : memref<64xi32, #tpu.memory_space<hbm>>) target(%dma_start3A_552 : memref<64xi32, #tpu.memory_space<vmem>>) target_semaphore(%run_scoped3A_545 : memref<!tpu.dma_semaphore, #tpu.memory_space<semaphore_mem>>)
      %dma_wait3A_554 = arith.constant 0 : i32
      %dma_wait3A_555 = tpu.memref_slice %arg6[%run_scoped3A_7, %dma_wait3A_554] : memref<4x64xi32, #tpu.memory_space<vmem>> -> memref<1x64xi32, #tpu.memory_space<vmem>>
      %dma_wait3A_556 = tpu.memref_squeeze %dma_wait3A_555 : memref<1x64xi32, #tpu.memory_space<vmem>> -> memref<64xi32, #tpu.memory_space<vmem>>
      %dma_wait3A_557 = tpu.memref_slice %arg2[%add3A_6] : memref<8192xi32, #tpu.memory_space<hbm>> -> memref<64xi32, #tpu.memory_space<hbm>>
      %dma_wait3A_558 = arith.constant 0 : i32
      %dma_wait3A_559 = tpu.memref_slice %arg6[%run_scoped3A_7, %dma_wait3A_558] : memref<4x64xi32, #tpu.memory_space<vmem>> -> memref<1x64xi32, #tpu.memory_space<vmem>>
      %dma_wait3A_560 = tpu.memref_squeeze %dma_wait3A_559 : memref<1x64xi32, #tpu.memory_space<vmem>> -> memref<64xi32, #tpu.memory_space<vmem>>
      %dma_wait3A_561 = tpu.memref_slice %arg2[%add3A_6] : memref<8192xi32, #tpu.memory_space<hbm>> -> memref<64xi32, #tpu.memory_space<hbm>>
      tpu.wait_dma2 semaphore(%run_scoped3A_545 : memref<!tpu.dma_semaphore, #tpu.memory_space<semaphore_mem>>) src(%dma_wait3A_561 : memref<64xi32, #tpu.memory_space<hbm>>) dst(%dma_wait3A_560 : memref<64xi32, #tpu.memory_space<vmem>>)
      tpu.yield
    }) : () -> ()
    %add3A_8 = arith.constant 4096 : i32
    %add3A_9 = arith.addi %add3A_8, %mul3A_2 : i32
    %run_scoped3A_10 = arith.constant 2 : i32
    "tpu.region"() ({
      %run_scoped3A_545 = tpu.sem_alloc : memref<!tpu.dma_semaphore, #tpu.memory_space<semaphore_mem>>
      %dma_start3A_546 = arith.constant 0 : i32
      %dma_start3A_547 = tpu.memref_slice %arg6[%run_scoped3A_10, %dma_start3A_546] : memref<4x64xi32, #tpu.memory_space<vmem>> -> memref<1x64xi32, #tpu.memory_space<vmem>>
      %dma_start3A_548 = tpu.memref_squeeze %dma_start3A_547 : memref<1x64xi32, #tpu.memory_space<vmem>> -> memref<64xi32, #tpu.memory_space<vmem>>
      %dma_start3A_549 = tpu.memref_slice %arg2[%add3A_9] : memref<8192xi32, #tpu.memory_space<hbm>> -> memref<64xi32, #tpu.memory_space<hbm>>
      %dma_start3A_550 = arith.constant 0 : i32
      %dma_start3A_551 = tpu.memref_slice %arg6[%run_scoped3A_10, %dma_start3A_550] : memref<4x64xi32, #tpu.memory_space<vmem>> -> memref<1x64xi32, #tpu.memory_space<vmem>>
      %dma_start3A_552 = tpu.memref_squeeze %dma_start3A_551 : memref<1x64xi32, #tpu.memory_space<vmem>> -> memref<64xi32, #tpu.memory_space<vmem>>
      %dma_start3A_553 = tpu.memref_slice %arg2[%add3A_9] : memref<8192xi32, #tpu.memory_space<hbm>> -> memref<64xi32, #tpu.memory_space<hbm>>
      tpu.enqueue_dma source(%dma_start3A_553 : memref<64xi32, #tpu.memory_space<hbm>>) target(%dma_start3A_552 : memref<64xi32, #tpu.memory_space<vmem>>) target_semaphore(%run_scoped3A_545 : memref<!tpu.dma_semaphore, #tpu.memory_space<semaphore_mem>>)
      %dma_wait3A_554 = arith.constant 0 : i32
      %dma_wait3A_555 = tpu.memref_slice %arg6[%run_scoped3A_10, %dma_wait3A_554] : memref<4x64xi32, #tpu.memory_space<vmem>> -> memref<1x64xi32, #tpu.memory_space<vmem>>
      %dma_wait3A_556 = tpu.memref_squeeze %dma_wait3A_555 : memref<1x64xi32, #tpu.memory_space<vmem>> -> memref<64xi32, #tpu.memory_space<vmem>>
      %dma_wait3A_557 = tpu.memref_slice %arg2[%add3A_9] : memref<8192xi32, #tpu.memory_space<hbm>> -> memref<64xi32, #tpu.memory_space<hbm>>
      %dma_wait3A_558 = arith.constant 0 : i32
      %dma_wait3A_559 = tpu.memref_slice %arg6[%run_scoped3A_10, %dma_wait3A_558] : memref<4x64xi32, #tpu.memory_space<vmem>> -> memref<1x64xi32, #tpu.memory_space<vmem>>
      %dma_wait3A_560 = tpu.memref_squeeze %dma_wait3A_559 : memref<1x64xi32, #tpu.memory_space<vmem>> -> memref<64xi32, #tpu.memory_space<vmem>>
      %dma_wait3A_561 = tpu.memref_slice %arg2[%add3A_9] : memref<8192xi32, #tpu.memory_space<hbm>> -> memref<64xi32, #tpu.memory_space<hbm>>
      tpu.wait_dma2 semaphore(%run_scoped3A_545 : memref<!tpu.dma_semaphore, #tpu.memory_space<semaphore_mem>>) src(%dma_wait3A_561 : memref<64xi32, #tpu.memory_space<hbm>>) dst(%dma_wait3A_560 : memref<64xi32, #tpu.memory_space<vmem>>)
      tpu.yield
    }) : () -> ()
    %add3A_11 = arith.constant 6144 : i32
    %add3A_12 = arith.addi %add3A_11, %mul3A_2 : i32
    %run_scoped3A_13 = arith.constant 3 : i32
    "tpu.region"() ({
      %run_scoped3A_545 = tpu.sem_alloc : memref<!tpu.dma_semaphore, #tpu.memory_space<semaphore_mem>>
      %dma_start3A_546 = arith.constant 0 : i32
      %dma_start3A_547 = tpu.memref_slice %arg6[%run_scoped3A_13, %dma_start3A_546] : memref<4x64xi32, #tpu.memory_space<vmem>> -> memref<1x64xi32, #tpu.memory_space<vmem>>
      %dma_start3A_548 = tpu.memref_squeeze %dma_start3A_547 : memref<1x64xi32, #tpu.memory_space<vmem>> -> memref<64xi32, #tpu.memory_space<vmem>>
      %dma_start3A_549 = tpu.memref_slice %arg2[%add3A_12] : memref<8192xi32, #tpu.memory_space<hbm>> -> memref<64xi32, #tpu.memory_space<hbm>>
      %dma_start3A_550 = arith.constant 0 : i32
      %dma_start3A_551 = tpu.memref_slice %arg6[%run_scoped3A_13, %dma_start3A_550] : memref<4x64xi32, #tpu.memory_space<vmem>> -> memref<1x64xi32, #tpu.memory_space<vmem>>
      %dma_start3A_552 = tpu.memref_squeeze %dma_start3A_551 : memref<1x64xi32, #tpu.memory_space<vmem>> -> memref<64xi32, #tpu.memory_space<vmem>>
      %dma_start3A_553 = tpu.memref_slice %arg2[%add3A_12] : memref<8192xi32, #tpu.memory_space<hbm>> -> memref<64xi32, #tpu.memory_space<hbm>>
      tpu.enqueue_dma source(%dma_start3A_553 : memref<64xi32, #tpu.memory_space<hbm>>) target(%dma_start3A_552 : memref<64xi32, #tpu.memory_space<vmem>>) target_semaphore(%run_scoped3A_545 : memref<!tpu.dma_semaphore, #tpu.memory_space<semaphore_mem>>)
      %dma_wait3A_554 = arith.constant 0 : i32
      %dma_wait3A_555 = tpu.memref_slice %arg6[%run_scoped3A_13, %dma_wait3A_554] : memref<4x64xi32, #tpu.memory_space<vmem>> -> memref<1x64xi32, #tpu.memory_space<vmem>>
      %dma_wait3A_556 = tpu.memref_squeeze %dma_wait3A_555 : memref<1x64xi32, #tpu.memory_space<vmem>> -> memref<64xi32, #tpu.memory_space<vmem>>
      %dma_wait3A_557 = tpu.memref_slice %arg2[%add3A_12] : memref<8192xi32, #tpu.memory_space<hbm>> -> memref<64xi32, #tpu.memory_space<hbm>>
      %dma_wait3A_558 = arith.constant 0 : i32
      %dma_wait3A_559 = tpu.memref_slice %arg6[%run_scoped3A_13, %dma_wait3A_558] : memref<4x64xi32, #tpu.memory_space<vmem>> -> memref<1x64xi32, #tpu.memory_space<vmem>>
      %dma_wait3A_560 = tpu.memref_squeeze %dma_wait3A_559 : memref<1x64xi32, #tpu.memory_space<vmem>> -> memref<64xi32, #tpu.memory_space<vmem>>
      %dma_wait3A_561 = tpu.memref_slice %arg2[%add3A_12] : memref<8192xi32, #tpu.memory_space<hbm>> -> memref<64xi32, #tpu.memory_space<hbm>>
      tpu.wait_dma2 semaphore(%run_scoped3A_545 : memref<!tpu.dma_semaphore, #tpu.memory_space<semaphore_mem>>) src(%dma_wait3A_561 : memref<64xi32, #tpu.memory_space<hbm>>) dst(%dma_wait3A_560 : memref<64xi32, #tpu.memory_space<vmem>>)
      tpu.yield
    }) : () -> ()
    %dma_start3A = arith.constant 0 : i32
    %dma_start3A_14 = tpu.memref_slice %arg4[%mul3A_2, %dma_start3A] : memref<2048x1024xf32, #tpu.memory_space<hbm>> -> memref<16x1024xf32, #tpu.memory_space<hbm>>
    %dma_start3A_15 = arith.constant 0 : i32
    %dma_start3A_16 = tpu.memref_slice %arg4[%mul3A_2, %dma_start3A_15] : memref<2048x1024xf32, #tpu.memory_space<hbm>> -> memref<16x1024xf32, #tpu.memory_space<hbm>>
    tpu.enqueue_dma source(%dma_start3A_16 : memref<16x1024xf32, #tpu.memory_space<hbm>>) target(%arg10 : memref<16x1024xf32, #tpu.memory_space<vmem>>) target_semaphore(%arg18 : memref<!tpu.dma_semaphore, #tpu.memory_space<semaphore_mem>>)
    %dma_start3A_17 = arith.constant 0 : i32
    %dma_start3A_18 = arith.constant 0 : i32
    %dma_start3A_19 = tpu.memref_slice %arg6[%dma_start3A_17, %dma_start3A_18] : memref<4x64xi32, #tpu.memory_space<vmem>> -> memref<1x16xi32, #tpu.memory_space<vmem>>
    %dma_start3A_20 = tpu.memref_squeeze %dma_start3A_19 : memref<1x16xi32, #tpu.memory_space<vmem>> -> memref<16xi32, #tpu.memory_space<vmem>>
    %dma_start3A_21 = arith.constant 0 : i32
    %dma_start3A_22 = arith.constant 0 : i32
    %dma_start3A_23 = tpu.memref_slice %arg3[%dma_start3A_21, %dma_start3A_22] : memref<100000x1024xf32, #tpu.memory_space<hbm>> -> memref<100000x1024xf32, #tpu.memory_space<hbm>>
    tpu.enqueue_indirect_dma source(%dma_start3A_23 : memref<100000x1024xf32, #tpu.memory_space<hbm>>) target(%arg7 : memref<16x1024xf32, #tpu.memory_space<vmem>>) offsets(%dma_start3A_20 : memref<16xi32, #tpu.memory_space<vmem>>) semaphore(%arg12 : memref<!tpu.dma_semaphore, #tpu.memory_space<semaphore_mem>>)
    %dma_start3A_24 = arith.constant 1 : i32
    %dma_start3A_25 = arith.constant 0 : i32
    %dma_start3A_26 = tpu.memref_slice %arg6[%dma_start3A_24, %dma_start3A_25] : memref<4x64xi32, #tpu.memory_space<vmem>> -> memref<1x16xi32, #tpu.memory_space<vmem>>
    %dma_start3A_27 = tpu.memref_squeeze %dma_start3A_26 : memref<1x16xi32, #tpu.memory_space<vmem>> -> memref<16xi32, #tpu.memory_space<vmem>>
    %dma_start3A_28 = arith.constant 0 : i32
    %dma_start3A_29 = arith.constant 0 : i32
    %dma_start3A_30 = tpu.memref_slice %arg3[%dma_start3A_28, %dma_start3A_29] : memref<100000x1024xf32, #tpu.memory_space<hbm>> -> memref<100000x1024xf32, #tpu.memory_space<hbm>>
    tpu.enqueue_indirect_dma source(%dma_start3A_30 : memref<100000x1024xf32, #tpu.memory_space<hbm>>) target(%arg8 : memref<16x1024xf32, #tpu.memory_space<vmem>>) offsets(%dma_start3A_27 : memref<16xi32, #tpu.memory_space<vmem>>) semaphore(%arg13 : memref<!tpu.dma_semaphore, #tpu.memory_space<semaphore_mem>>)
    %dma_wait3A = arith.constant 0 : i32
    %dma_wait3A_31 = tpu.memref_slice %arg4[%mul3A_2, %dma_wait3A] : memref<2048x1024xf32, #tpu.memory_space<hbm>> -> memref<16x1024xf32, #tpu.memory_space<hbm>>
    %dma_wait3A_32 = arith.constant 0 : i32
    %dma_wait3A_33 = tpu.memref_slice %arg4[%mul3A_2, %dma_wait3A_32] : memref<2048x1024xf32, #tpu.memory_space<hbm>> -> memref<16x1024xf32, #tpu.memory_space<hbm>>
    tpu.wait_dma2 semaphore(%arg18 : memref<!tpu.dma_semaphore, #tpu.memory_space<semaphore_mem>>) src(%dma_wait3A_33 : memref<16x1024xf32, #tpu.memory_space<hbm>>) dst(%arg10 : memref<16x1024xf32, #tpu.memory_space<vmem>>)
    %add3A_34 = arith.constant 16 : i32
    %add3A_35 = arith.addi %mul3A_2, %add3A_34 : i32
    %dma_start3A_36 = arith.constant 0 : i32
    %dma_start3A_37 = tpu.memref_slice %arg4[%add3A_35, %dma_start3A_36] : memref<2048x1024xf32, #tpu.memory_space<hbm>> -> memref<16x1024xf32, #tpu.memory_space<hbm>>
    %dma_start3A_38 = arith.constant 0 : i32
    %dma_start3A_39 = tpu.memref_slice %arg4[%add3A_35, %dma_start3A_38] : memref<2048x1024xf32, #tpu.memory_space<hbm>> -> memref<16x1024xf32, #tpu.memory_space<hbm>>
    tpu.enqueue_dma source(%dma_start3A_39 : memref<16x1024xf32, #tpu.memory_space<hbm>>) target(%arg11 : memref<16x1024xf32, #tpu.memory_space<vmem>>) target_semaphore(%arg19 : memref<!tpu.dma_semaphore, #tpu.memory_space<semaphore_mem>>)
    %dma_wait3A_40 = arith.constant 0 : i32
    %dma_wait3A_41 = arith.constant 0 : i32
    %dma_wait3A_42 = tpu.memref_slice %arg6[%dma_wait3A_40, %dma_wait3A_41] : memref<4x64xi32, #tpu.memory_space<vmem>> -> memref<1x16xi32, #tpu.memory_space<vmem>>
    %dma_wait3A_43 = tpu.memref_squeeze %dma_wait3A_42 : memref<1x16xi32, #tpu.memory_space<vmem>> -> memref<16xi32, #tpu.memory_space<vmem>>
    %dma_wait3A_44 = arith.constant 0 : i32
    %dma_wait3A_45 = arith.constant 0 : i32
    %dma_wait3A_46 = tpu.memref_slice %arg3[%dma_wait3A_44, %dma_wait3A_45] : memref<100000x1024xf32, #tpu.memory_space<hbm>> -> memref<100000x1024xf32, #tpu.memory_space<hbm>>
    tpu.wait_indirect_dma semaphore(%arg12 : memref<!tpu.dma_semaphore, #tpu.memory_space<semaphore_mem>>) src(%dma_wait3A_46 : memref<100000x1024xf32, #tpu.memory_space<hbm>>) dst(%arg7 : memref<16x1024xf32, #tpu.memory_space<vmem>>)
    %scan3A = arith.constant 0 : i32
    %scan3A_47 = arith.constant 16 : i32
    %scan3A_48 = arith.addi %scan3A, %scan3A_47 : i32
    %scan3A_49 = arith.constant 1 : i32
    scf.for %scan3A_545 = %scan3A to %scan3A_48 step %scan3A_49  : i32 {
      %mul3A_546 = arith.constant 1 : i32
      %mul3A_547 = arith.muli %scan3A_545, %mul3A_546 : i32
      %add3A_548 = arith.constant 0 : i32
      %add3A_549 = arith.addi %add3A_548, %mul3A_547 : i32
      %parallel_loop3A = arith.constant 0 : i32
      %parallel_loop3A_550 = arith.constant 1024 : i32
      %parallel_loop3A_551 = arith.constant 16 : i32
      scf.for %parallel_loop3A_552 = %parallel_loop3A to %parallel_loop3A_550 step %parallel_loop3A_551  : i32 {
        %parallel_loop3A_553 = arith.index_cast %add3A_549 : i32 to index
        %parallel_loop3A_554 = arith.index_cast %parallel_loop3A_552 : i32 to index
        %parallel_loop3A_555 = tpu.vector_load %arg7[%parallel_loop3A_553, %parallel_loop3A_554] {strides = array<i32>} : memref<16x1024xf32, #tpu.memory_space<vmem>>, vector<1x16xf32>,
        %parallel_loop3A_556 = vector.shape_cast %parallel_loop3A_555 : vector<1x16xf32> to vector<16xf32>
        %parallel_loop3A_557 = arith.index_cast %add3A_549 : i32 to index
        %parallel_loop3A_558 = arith.index_cast %parallel_loop3A_552 : i32 to index
        %parallel_loop3A_559 = tpu.vector_load %arg10[%parallel_loop3A_557, %parallel_loop3A_558] {strides = array<i32>} : memref<16x1024xf32, #tpu.memory_space<vmem>>, vector<1x16xf32>,
        %parallel_loop3A_560 = vector.shape_cast %parallel_loop3A_559 : vector<1x16xf32> to vector<16xf32>
        %parallel_loop3A_561 = arith.addf %parallel_loop3A_556, %parallel_loop3A_560 : vector<16xf32>
        %parallel_loop3A_562 = arith.index_cast %add3A_549 : i32 to index
        %parallel_loop3A_563 = arith.index_cast %parallel_loop3A_552 : i32 to index
        %parallel_loop3A_564 = tpu.vector_load %arg7[%parallel_loop3A_562, %parallel_loop3A_563] {strides = array<i32>} : memref<16x1024xf32, #tpu.memory_space<vmem>>, vector<1x16xf32>,
        %parallel_loop3A_565 = vector.shape_cast %parallel_loop3A_564 : vector<1x16xf32> to vector<16xf32>
        %parallel_loop3A_566 = vector.shape_cast %parallel_loop3A_561 : vector<16xf32> to vector<1x16xf32>
        tpu.vector_store %arg7[%parallel_loop3A_562, %parallel_loop3A_563], %parallel_loop3A_566 {strides = array<i32>} : memref<16x1024xf32, #tpu.memory_space<vmem>>, vector<1x16xf32>,
      } {sc.loop_unroll_factor = 8 : i64, sc.parallel_access}
    }
    %scan3A_50 = arith.constant 16 : i32
    %add3A_51 = arith.constant 0 : i32
    %add3A_52 = arith.addi %add3A_51, %mul3A_2 : i32
    %add3A_53 = arith.constant 0 : i32
    %add3A_54 = arith.addi %add3A_52, %add3A_53 : i32
    %dma_start3A_55 = arith.constant 0 : i32
    %dma_start3A_56 = tpu.memref_slice %arg5[%add3A_54, %dma_start3A_55] : memref<8192x1024xf32, #tpu.memory_space<hbm>> -> memref<16x1024xf32, #tpu.memory_space<hbm>>
    %dma_start3A_57 = arith.constant 0 : i32
    %dma_start3A_58 = tpu.memref_slice %arg5[%add3A_54, %dma_start3A_57] : memref<8192x1024xf32, #tpu.memory_space<hbm>> -> memref<16x1024xf32, #tpu.memory_space<hbm>>
    tpu.enqueue_dma source(%arg7 : memref<16x1024xf32, #tpu.memory_space<vmem>>) target(%dma_start3A_58 : memref<16x1024xf32, #tpu.memory_space<hbm>>) target_semaphore(%arg15 : memref<!tpu.dma_semaphore, #tpu.memory_space<semaphore_mem>>)
    %dma_start3A_59 = arith.constant 2 : i32
    %dma_start3A_60 = arith.constant 0 : i32
    %dma_start3A_61 = tpu.memref_slice %arg6[%dma_start3A_59, %dma_start3A_60] : memref<4x64xi32, #tpu.memory_space<vmem>> -> memref<1x16xi32, #tpu.memory_space<vmem>>
    %dma_start3A_62 = tpu.memref_squeeze %dma_start3A_61 : memref<1x16xi32, #tpu.memory_space<vmem>> -> memref<16xi32, #tpu.memory_space<vmem>>
    %dma_start3A_63 = arith.constant 0 : i32
    %dma_start3A_64 = arith.constant 0 : i32
    %dma_start3A_65 = tpu.memref_slice %arg3[%dma_start3A_63, %dma_start3A_64] : memref<100000x1024xf32, #tpu.memory_space<hbm>> -> memref<100000x1024xf32, #tpu.memory_space<hbm>>
    tpu.enqueue_indirect_dma source(%dma_start3A_65 : memref<100000x1024xf32, #tpu.memory_space<hbm>>) target(%arg9 : memref<16x1024xf32, #tpu.memory_space<vmem>>) offsets(%dma_start3A_62 : memref<16xi32, #tpu.memory_space<vmem>>) semaphore(%arg14 : memref<!tpu.dma_semaphore, #tpu.memory_space<semaphore_mem>>)
    %dma_wait3A_66 = arith.constant 1 : i32
    %dma_wait3A_67 = arith.constant 0 : i32
    %dma_wait3A_68 = tpu.memref_slice %arg6[%dma_wait3A_66, %dma_wait3A_67] : memref<4x64xi32, #tpu.memory_space<vmem>> -> memref<1x16xi32, #tpu.memory_space<vmem>>
    %dma_wait3A_69 = tpu.memref_squeeze %dma_wait3A_68 : memref<1x16xi32, #tpu.memory_space<vmem>> -> memref<16xi32, #tpu.memory_space<vmem>>
    %dma_wait3A_70 = arith.constant 0 : i32
    %dma_wait3A_71 = arith.constant 0 : i32
    %dma_wait3A_72 = tpu.memref_slice %arg3[%dma_wait3A_70, %dma_wait3A_71] : memref<100000x1024xf32, #tpu.memory_space<hbm>> -> memref<100000x1024xf32, #tpu.memory_space<hbm>>
    tpu.wait_indirect_dma semaphore(%arg13 : memref<!tpu.dma_semaphore, #tpu.memory_space<semaphore_mem>>) src(%dma_wait3A_72 : memref<100000x1024xf32, #tpu.memory_space<hbm>>) dst(%arg8 : memref<16x1024xf32, #tpu.memory_space<vmem>>)
    %scan3A_73 = arith.constant 0 : i32
    %scan3A_74 = arith.constant 16 : i32
    %scan3A_75 = arith.addi %scan3A_73, %scan3A_74 : i32
    %scan3A_76 = arith.constant 1 : i32
    scf.for %scan3A_545 = %scan3A_73 to %scan3A_75 step %scan3A_76  : i32 {
      %mul3A_546 = arith.constant 1 : i32
      %mul3A_547 = arith.muli %scan3A_545, %mul3A_546 : i32
      %add3A_548 = arith.constant 0 : i32
      %add3A_549 = arith.addi %add3A_548, %mul3A_547 : i32
      %parallel_loop3A = arith.constant 0 : i32
      %parallel_loop3A_550 = arith.constant 1024 : i32
      %parallel_loop3A_551 = arith.constant 16 : i32
      scf.for %parallel_loop3A_552 = %parallel_loop3A to %parallel_loop3A_550 step %parallel_loop3A_551  : i32 {
        %parallel_loop3A_553 = arith.index_cast %add3A_549 : i32 to index
        %parallel_loop3A_554 = arith.index_cast %parallel_loop3A_552 : i32 to index
        %parallel_loop3A_555 = tpu.vector_load %arg8[%parallel_loop3A_553, %parallel_loop3A_554] {strides = array<i32>} : memref<16x1024xf32, #tpu.memory_space<vmem>>, vector<1x16xf32>,
        %parallel_loop3A_556 = vector.shape_cast %parallel_loop3A_555 : vector<1x16xf32> to vector<16xf32>
        %parallel_loop3A_557 = arith.index_cast %add3A_549 : i32 to index
        %parallel_loop3A_558 = arith.index_cast %parallel_loop3A_552 : i32 to index
        %parallel_loop3A_559 = tpu.vector_load %arg10[%parallel_loop3A_557, %parallel_loop3A_558] {strides = array<i32>} : memref<16x1024xf32, #tpu.memory_space<vmem>>, vector<1x16xf32>,
        %parallel_loop3A_560 = vector.shape_cast %parallel_loop3A_559 : vector<1x16xf32> to vector<16xf32>
        %parallel_loop3A_561 = arith.addf %parallel_loop3A_556, %parallel_loop3A_560 : vector<16xf32>
        %parallel_loop3A_562 = arith.index_cast %add3A_549 : i32 to index
        %parallel_loop3A_563 = arith.index_cast %parallel_loop3A_552 : i32 to index
        %parallel_loop3A_564 = tpu.vector_load %arg8[%parallel_loop3A_562, %parallel_loop3A_563] {strides = array<i32>} : memref<16x1024xf32, #tpu.memory_space<vmem>>, vector<1x16xf32>,
        %parallel_loop3A_565 = vector.shape_cast %parallel_loop3A_564 : vector<1x16xf32> to vector<16xf32>
        %parallel_loop3A_566 = vector.shape_cast %parallel_loop3A_561 : vector<16xf32> to vector<1x16xf32>
        tpu.vector_store %arg8[%parallel_loop3A_562, %parallel_loop3A_563], %parallel_loop3A_566 {strides = array<i32>} : memref<16x1024xf32, #tpu.memory_space<vmem>>, vector<1x16xf32>,
      } {sc.loop_unroll_factor = 8 : i64, sc.parallel_access}
    }
    %scan3A_77 = arith.constant 16 : i32
    %add3A_78 = arith.constant 2048 : i32
    %add3A_79 = arith.addi %add3A_78, %mul3A_2 : i32
    %add3A_80 = arith.constant 0 : i32
    %add3A_81 = arith.addi %add3A_79, %add3A_80 : i32
    %dma_start3A_82 = arith.constant 0 : i32
    %dma_start3A_83 = tpu.memref_slice %arg5[%add3A_81, %dma_start3A_82] : memref<8192x1024xf32, #tpu.memory_space<hbm>> -> memref<16x1024xf32, #tpu.memory_space<hbm>>
    %dma_start3A_84 = arith.constant 0 : i32
    %dma_start3A_85 = tpu.memref_slice %arg5[%add3A_81, %dma_start3A_84] : memref<8192x1024xf32, #tpu.memory_space<hbm>> -> memref<16x1024xf32, #tpu.memory_space<hbm>>
    tpu.enqueue_dma source(%arg8 : memref<16x1024xf32, #tpu.memory_space<vmem>>) target(%dma_start3A_85 : memref<16x1024xf32, #tpu.memory_space<hbm>>) target_semaphore(%arg16 : memref<!tpu.dma_semaphore, #tpu.memory_space<semaphore_mem>>)
    %dma_wait3A_86 = arith.constant 0 : i32
    %dma_wait3A_87 = tpu.memref_slice %arg5[%add3A_54, %dma_wait3A_86] : memref<8192x1024xf32, #tpu.memory_space<hbm>> -> memref<16x1024xf32, #tpu.memory_space<hbm>>
    %dma_wait3A_88 = arith.constant 0 : i32
    %dma_wait3A_89 = tpu.memref_slice %arg5[%add3A_54, %dma_wait3A_88] : memref<8192x1024xf32, #tpu.memory_space<hbm>> -> memref<16x1024xf32, #tpu.memory_space<hbm>>
    tpu.wait_dma2 semaphore(%arg15 : memref<!tpu.dma_semaphore, #tpu.memory_space<semaphore_mem>>) src(%arg7 : memref<16x1024xf32, #tpu.memory_space<vmem>>) dst(%dma_wait3A_89 : memref<16x1024xf32, #tpu.memory_space<hbm>>)
    %dma_start3A_90 = arith.constant 3 : i32
    %dma_start3A_91 = arith.constant 0 : i32
    %dma_start3A_92 = tpu.memref_slice %arg6[%dma_start3A_90, %dma_start3A_91] : memref<4x64xi32, #tpu.memory_space<vmem>> -> memref<1x16xi32, #tpu.memory_space<vmem>>
    %dma_start3A_93 = tpu.memref_squeeze %dma_start3A_92 : memref<1x16xi32, #tpu.memory_space<vmem>> -> memref<16xi32, #tpu.memory_space<vmem>>
    %dma_start3A_94 = arith.constant 0 : i32
    %dma_start3A_95 = arith.constant 0 : i32
    %dma_start3A_96 = tpu.memref_slice %arg3[%dma_start3A_94, %dma_start3A_95] : memref<100000x1024xf32, #tpu.memory_space<hbm>> -> memref<100000x1024xf32, #tpu.memory_space<hbm>>
    tpu.enqueue_indirect_dma source(%dma_start3A_96 : memref<100000x1024xf32, #tpu.memory_space<hbm>>) target(%arg7 : memref<16x1024xf32, #tpu.memory_space<vmem>>) offsets(%dma_start3A_93 : memref<16xi32, #tpu.memory_space<vmem>>) semaphore(%arg12 : memref<!tpu.dma_semaphore, #tpu.memory_space<semaphore_mem>>)
    %dma_wait3A_97 = arith.constant 2 : i32
    %dma_wait3A_98 = arith.constant 0 : i32
    %dma_wait3A_99 = tpu.memref_slice %arg6[%dma_wait3A_97, %dma_wait3A_98] : memref<4x64xi32, #tpu.memory_space<vmem>> -> memref<1x16xi32, #tpu.memory_space<vmem>>
    %dma_wait3A_100 = tpu.memref_squeeze %dma_wait3A_99 : memref<1x16xi32, #tpu.memory_space<vmem>> -> memref<16xi32, #tpu.memory_space<vmem>>
    %dma_wait3A_101 = arith.constant 0 : i32
    %dma_wait3A_102 = arith.constant 0 : i32
    %dma_wait3A_103 = tpu.memref_slice %arg3[%dma_wait3A_101, %dma_wait3A_102] : memref<100000x1024xf32, #tpu.memory_space<hbm>> -> memref<100000x1024xf32, #tpu.memory_space<hbm>>
    tpu.wait_indirect_dma semaphore(%arg14 : memref<!tpu.dma_semaphore, #tpu.memory_space<semaphore_mem>>) src(%dma_wait3A_103 : memref<100000x1024xf32, #tpu.memory_space<hbm>>) dst(%arg9 : memref<16x1024xf32, #tpu.memory_space<vmem>>)
    %scan3A_104 = arith.constant 0 : i32
    %scan3A_105 = arith.constant 16 : i32
    %scan3A_106 = arith.addi %scan3A_104, %scan3A_105 : i32
    %scan3A_107 = arith.constant 1 : i32
    scf.for %scan3A_545 = %scan3A_104 to %scan3A_106 step %scan3A_107  : i32 {
      %mul3A_546 = arith.constant 1 : i32
      %mul3A_547 = arith.muli %scan3A_545, %mul3A_546 : i32
      %add3A_548 = arith.constant 0 : i32
      %add3A_549 = arith.addi %add3A_548, %mul3A_547 : i32
      %parallel_loop3A = arith.constant 0 : i32
      %parallel_loop3A_550 = arith.constant 1024 : i32
      %parallel_loop3A_551 = arith.constant 16 : i32
      scf.for %parallel_loop3A_552 = %parallel_loop3A to %parallel_loop3A_550 step %parallel_loop3A_551  : i32 {
        %parallel_loop3A_553 = arith.index_cast %add3A_549 : i32 to index
        %parallel_loop3A_554 = arith.index_cast %parallel_loop3A_552 : i32 to index
        %parallel_loop3A_555 = tpu.vector_load %arg9[%parallel_loop3A_553, %parallel_loop3A_554] {strides = array<i32>} : memref<16x1024xf32, #tpu.memory_space<vmem>>, vector<1x16xf32>,
        %parallel_loop3A_556 = vector.shape_cast %parallel_loop3A_555 : vector<1x16xf32> to vector<16xf32>
        %parallel_loop3A_557 = arith.index_cast %add3A_549 : i32 to index
        %parallel_loop3A_558 = arith.index_cast %parallel_loop3A_552 : i32 to index
        %parallel_loop3A_559 = tpu.vector_load %arg10[%parallel_loop3A_557, %parallel_loop3A_558] {strides = array<i32>} : memref<16x1024xf32, #tpu.memory_space<vmem>>, vector<1x16xf32>,
        %parallel_loop3A_560 = vector.shape_cast %parallel_loop3A_559 : vector<1x16xf32> to vector<16xf32>
        %parallel_loop3A_561 = arith.addf %parallel_loop3A_556, %parallel_loop3A_560 : vector<16xf32>
        %parallel_loop3A_562 = arith.index_cast %add3A_549 : i32 to index
        %parallel_loop3A_563 = arith.index_cast %parallel_loop3A_552 : i32 to index
        %parallel_loop3A_564 = tpu.vector_load %arg9[%parallel_loop3A_562, %parallel_loop3A_563] {strides = array<i32>} : memref<16x1024xf32, #tpu.memory_space<vmem>>, vector<1x16xf32>,
        %parallel_loop3A_565 = vector.shape_cast %parallel_loop3A_564 : vector<1x16xf32> to vector<16xf32>
        %parallel_loop3A_566 = vector.shape_cast %parallel_loop3A_561 : vector<16xf32> to vector<1x16xf32>
        tpu.vector_store %arg9[%parallel_loop3A_562, %parallel_loop3A_563], %parallel_loop3A_566 {strides = array<i32>} : memref<16x1024xf32, #tpu.memory_space<vmem>>, vector<1x16xf32>,
      } {sc.loop_unroll_factor = 8 : i64, sc.parallel_access}
    }
    %scan3A_108 = arith.constant 16 : i32
    %add3A_109 = arith.constant 4096 : i32
    %add3A_110 = arith.addi %add3A_109, %mul3A_2 : i32
    %add3A_111 = arith.constant 0 : i32
    %add3A_112 = arith.addi %add3A_110, %add3A_111 : i32
    %dma_start3A_113 = arith.constant 0 : i32
    %dma_start3A_114 = tpu.memref_slice %arg5[%add3A_112, %dma_start3A_113] : memref<8192x1024xf32, #tpu.memory_space<hbm>> -> memref<16x1024xf32, #tpu.memory_space<hbm>>
    %dma_start3A_115 = arith.constant 0 : i32
    %dma_start3A_116 = tpu.memref_slice %arg5[%add3A_112, %dma_start3A_115] : memref<8192x1024xf32, #tpu.memory_space<hbm>> -> memref<16x1024xf32, #tpu.memory_space<hbm>>
    tpu.enqueue_dma source(%arg9 : memref<16x1024xf32, #tpu.memory_space<vmem>>) target(%dma_start3A_116 : memref<16x1024xf32, #tpu.memory_space<hbm>>) target_semaphore(%arg17 : memref<!tpu.dma_semaphore, #tpu.memory_space<semaphore_mem>>)
    %dma_wait3A_117 = arith.constant 0 : i32
    %dma_wait3A_118 = tpu.memref_slice %arg5[%add3A_81, %dma_wait3A_117] : memref<8192x1024xf32, #tpu.memory_space<hbm>> -> memref<16x1024xf32, #tpu.memory_space<hbm>>
    %dma_wait3A_119 = arith.constant 0 : i32
    %dma_wait3A_120 = tpu.memref_slice %arg5[%add3A_81, %dma_wait3A_119] : memref<8192x1024xf32, #tpu.memory_space<hbm>> -> memref<16x1024xf32, #tpu.memory_space<hbm>>
    tpu.wait_dma2 semaphore(%arg16 : memref<!tpu.dma_semaphore, #tpu.memory_space<semaphore_mem>>) src(%arg8 : memref<16x1024xf32, #tpu.memory_space<vmem>>) dst(%dma_wait3A_120 : memref<16x1024xf32, #tpu.memory_space<hbm>>)
    %dma_start3A_121 = arith.constant 0 : i32
    %dma_start3A_122 = arith.constant 16 : i32
    %dma_start3A_123 = tpu.memref_slice %arg6[%dma_start3A_121, %dma_start3A_122] : memref<4x64xi32, #tpu.memory_space<vmem>> -> memref<1x16xi32, #tpu.memory_space<vmem>>
    %dma_start3A_124 = tpu.memref_squeeze %dma_start3A_123 : memref<1x16xi32, #tpu.memory_space<vmem>> -> memref<16xi32, #tpu.memory_space<vmem>>
    %dma_start3A_125 = arith.constant 0 : i32
    %dma_start3A_126 = arith.constant 0 : i32
    %dma_start3A_127 = tpu.memref_slice %arg3[%dma_start3A_125, %dma_start3A_126] : memref<100000x1024xf32, #tpu.memory_space<hbm>> -> memref<100000x1024xf32, #tpu.memory_space<hbm>>
    tpu.enqueue_indirect_dma source(%dma_start3A_127 : memref<100000x1024xf32, #tpu.memory_space<hbm>>) target(%arg8 : memref<16x1024xf32, #tpu.memory_space<vmem>>) offsets(%dma_start3A_124 : memref<16xi32, #tpu.memory_space<vmem>>) semaphore(%arg13 : memref<!tpu.dma_semaphore, #tpu.memory_space<semaphore_mem>>)
    %dma_wait3A_128 = arith.constant 3 : i32
    %dma_wait3A_129 = arith.constant 0 : i32
    %dma_wait3A_130 = tpu.memref_slice %arg6[%dma_wait3A_128, %dma_wait3A_129] : memref<4x64xi32, #tpu.memory_space<vmem>> -> memref<1x16xi32, #tpu.memory_space<vmem>>
    %dma_wait3A_131 = tpu.memref_squeeze %dma_wait3A_130 : memref<1x16xi32, #tpu.memory_space<vmem>> -> memref<16xi32, #tpu.memory_space<vmem>>
    %dma_wait3A_132 = arith.constant 0 : i32
    %dma_wait3A_133 = arith.constant 0 : i32
    %dma_wait3A_134 = tpu.memref_slice %arg3[%dma_wait3A_132, %dma_wait3A_133] : memref<100000x1024xf32, #tpu.memory_space<hbm>> -> memref<100000x1024xf32, #tpu.memory_space<hbm>>
    tpu.wait_indirect_dma semaphore(%arg12 : memref<!tpu.dma_semaphore, #tpu.memory_space<semaphore_mem>>) src(%dma_wait3A_134 : memref<100000x1024xf32, #tpu.memory_space<hbm>>) dst(%arg7 : memref<16x1024xf32, #tpu.memory_space<vmem>>)
    %scan3A_135 = arith.constant 0 : i32
    %scan3A_136 = arith.constant 16 : i32
    %scan3A_137 = arith.addi %scan3A_135, %scan3A_136 : i32
    %scan3A_138 = arith.constant 1 : i32
    scf.for %scan3A_545 = %scan3A_135 to %scan3A_137 step %scan3A_138  : i32 {
      %mul3A_546 = arith.constant 1 : i32
      %mul3A_547 = arith.muli %scan3A_545, %mul3A_546 : i32
      %add3A_548 = arith.constant 0 : i32
      %add3A_549 = arith.addi %add3A_548, %mul3A_547 : i32
      %parallel_loop3A = arith.constant 0 : i32
      %parallel_loop3A_550 = arith.constant 1024 : i32
      %parallel_loop3A_551 = arith.constant 16 : i32
      scf.for %parallel_loop3A_552 = %parallel_loop3A to %parallel_loop3A_550 step %parallel_loop3A_551  : i32 {
        %parallel_loop3A_553 = arith.index_cast %add3A_549 : i32 to index
        %parallel_loop3A_554 = arith.index_cast %parallel_loop3A_552 : i32 to index
        %parallel_loop3A_555 = tpu.vector_load %arg7[%parallel_loop3A_553, %parallel_loop3A_554] {strides = array<i32>} : memref<16x1024xf32, #tpu.memory_space<vmem>>, vector<1x16xf32>,
        %parallel_loop3A_556 = vector.shape_cast %parallel_loop3A_555 : vector<1x16xf32> to vector<16xf32>
        %parallel_loop3A_557 = arith.index_cast %add3A_549 : i32 to index
        %parallel_loop3A_558 = arith.index_cast %parallel_loop3A_552 : i32 to index
        %parallel_loop3A_559 = tpu.vector_load %arg10[%parallel_loop3A_557, %parallel_loop3A_558] {strides = array<i32>} : memref<16x1024xf32, #tpu.memory_space<vmem>>, vector<1x16xf32>,
        %parallel_loop3A_560 = vector.shape_cast %parallel_loop3A_559 : vector<1x16xf32> to vector<16xf32>
        %parallel_loop3A_561 = arith.addf %parallel_loop3A_556, %parallel_loop3A_560 : vector<16xf32>
        %parallel_loop3A_562 = arith.index_cast %add3A_549 : i32 to index
        %parallel_loop3A_563 = arith.index_cast %parallel_loop3A_552 : i32 to index
        %parallel_loop3A_564 = tpu.vector_load %arg7[%parallel_loop3A_562, %parallel_loop3A_563] {strides = array<i32>} : memref<16x1024xf32, #tpu.memory_space<vmem>>, vector<1x16xf32>,
        %parallel_loop3A_565 = vector.shape_cast %parallel_loop3A_564 : vector<1x16xf32> to vector<16xf32>
        %parallel_loop3A_566 = vector.shape_cast %parallel_loop3A_561 : vector<16xf32> to vector<1x16xf32>
        tpu.vector_store %arg7[%parallel_loop3A_562, %parallel_loop3A_563], %parallel_loop3A_566 {strides = array<i32>} : memref<16x1024xf32, #tpu.memory_space<vmem>>, vector<1x16xf32>,
      } {sc.loop_unroll_factor = 8 : i64, sc.parallel_access}
    }
    %scan3A_139 = arith.constant 16 : i32
    %add3A_140 = arith.constant 6144 : i32
    %add3A_141 = arith.addi %add3A_140, %mul3A_2 : i32
    %add3A_142 = arith.constant 0 : i32
    %add3A_143 = arith.addi %add3A_141, %add3A_142 : i32
    %dma_start3A_144 = arith.constant 0 : i32
    %dma_start3A_145 = tpu.memref_slice %arg5[%add3A_143, %dma_start3A_144] : memref<8192x1024xf32, #tpu.memory_space<hbm>> -> memref<16x1024xf32, #tpu.memory_space<hbm>>
    %dma_start3A_146 = arith.constant 0 : i32
    %dma_start3A_147 = tpu.memref_slice %arg5[%add3A_143, %dma_start3A_146] : memref<8192x1024xf32, #tpu.memory_space<hbm>> -> memref<16x1024xf32, #tpu.memory_space<hbm>>
    tpu.enqueue_dma source(%arg7 : memref<16x1024xf32, #tpu.memory_space<vmem>>) target(%dma_start3A_147 : memref<16x1024xf32, #tpu.memory_space<hbm>>) target_semaphore(%arg15 : memref<!tpu.dma_semaphore, #tpu.memory_space<semaphore_mem>>)
    %dma_wait3A_148 = arith.constant 0 : i32
    %dma_wait3A_149 = tpu.memref_slice %arg5[%add3A_112, %dma_wait3A_148] : memref<8192x1024xf32, #tpu.memory_space<hbm>> -> memref<16x1024xf32, #tpu.memory_space<hbm>>
    %dma_wait3A_150 = arith.constant 0 : i32
    %dma_wait3A_151 = tpu.memref_slice %arg5[%add3A_112, %dma_wait3A_150] : memref<8192x1024xf32, #tpu.memory_space<hbm>> -> memref<16x1024xf32, #tpu.memory_space<hbm>>
    tpu.wait_dma2 semaphore(%arg17 : memref<!tpu.dma_semaphore, #tpu.memory_space<semaphore_mem>>) src(%arg9 : memref<16x1024xf32, #tpu.memory_space<vmem>>) dst(%dma_wait3A_151 : memref<16x1024xf32, #tpu.memory_space<hbm>>)
    %dma_start3A_152 = arith.constant 1 : i32
    %dma_start3A_153 = arith.constant 16 : i32
    %dma_start3A_154 = tpu.memref_slice %arg6[%dma_start3A_152, %dma_start3A_153] : memref<4x64xi32, #tpu.memory_space<vmem>> -> memref<1x16xi32, #tpu.memory_space<vmem>>
    %dma_start3A_155 = tpu.memref_squeeze %dma_start3A_154 : memref<1x16xi32, #tpu.memory_space<vmem>> -> memref<16xi32, #tpu.memory_space<vmem>>
    %dma_start3A_156 = arith.constant 0 : i32
    %dma_start3A_157 = arith.constant 0 : i32
    %dma_start3A_158 = tpu.memref_slice %arg3[%dma_start3A_156, %dma_start3A_157] : memref<100000x1024xf32, #tpu.memory_space<hbm>> -> memref<100000x1024xf32, #tpu.memory_space<hbm>>
    tpu.enqueue_indirect_dma source(%dma_start3A_158 : memref<100000x1024xf32, #tpu.memory_space<hbm>>) target(%arg9 : memref<16x1024xf32, #tpu.memory_space<vmem>>) offsets(%dma_start3A_155 : memref<16xi32, #tpu.memory_space<vmem>>) semaphore(%arg14 : memref<!tpu.dma_semaphore, #tpu.memory_space<semaphore_mem>>)
    %dma_wait3A_159 = arith.constant 0 : i32
    %dma_wait3A_160 = tpu.memref_slice %arg4[%add3A_35, %dma_wait3A_159] : memref<2048x1024xf32, #tpu.memory_space<hbm>> -> memref<16x1024xf32, #tpu.memory_space<hbm>>
    %dma_wait3A_161 = arith.constant 0 : i32
    %dma_wait3A_162 = tpu.memref_slice %arg4[%add3A_35, %dma_wait3A_161] : memref<2048x1024xf32, #tpu.memory_space<hbm>> -> memref<16x1024xf32, #tpu.memory_space<hbm>>
    tpu.wait_dma2 semaphore(%arg19 : memref<!tpu.dma_semaphore, #tpu.memory_space<semaphore_mem>>) src(%dma_wait3A_162 : memref<16x1024xf32, #tpu.memory_space<hbm>>) dst(%arg11 : memref<16x1024xf32, #tpu.memory_space<vmem>>)
    %add3A_163 = arith.constant 32 : i32
    %add3A_164 = arith.addi %mul3A_2, %add3A_163 : i32
    %dma_start3A_165 = arith.constant 0 : i32
    %dma_start3A_166 = tpu.memref_slice %arg4[%add3A_164, %dma_start3A_165] : memref<2048x1024xf32, #tpu.memory_space<hbm>> -> memref<16x1024xf32, #tpu.memory_space<hbm>>
    %dma_start3A_167 = arith.constant 0 : i32
    %dma_start3A_168 = tpu.memref_slice %arg4[%add3A_164, %dma_start3A_167] : memref<2048x1024xf32, #tpu.memory_space<hbm>> -> memref<16x1024xf32, #tpu.memory_space<hbm>>
    tpu.enqueue_dma source(%dma_start3A_168 : memref<16x1024xf32, #tpu.memory_space<hbm>>) target(%arg10 : memref<16x1024xf32, #tpu.memory_space<vmem>>) target_semaphore(%arg18 : memref<!tpu.dma_semaphore, #tpu.memory_space<semaphore_mem>>)
    %dma_wait3A_169 = arith.constant 0 : i32
    %dma_wait3A_170 = arith.constant 16 : i32
    %dma_wait3A_171 = tpu.memref_slice %arg6[%dma_wait3A_169, %dma_wait3A_170] : memref<4x64xi32, #tpu.memory_space<vmem>> -> memref<1x16xi32, #tpu.memory_space<vmem>>
    %dma_wait3A_172 = tpu.memref_squeeze %dma_wait3A_171 : memref<1x16xi32, #tpu.memory_space<vmem>> -> memref<16xi32, #tpu.memory_space<vmem>>
    %dma_wait3A_173 = arith.constant 0 : i32
    %dma_wait3A_174 = arith.constant 0 : i32
    %dma_wait3A_175 = tpu.memref_slice %arg3[%dma_wait3A_173, %dma_wait3A_174] : memref<100000x1024xf32, #tpu.memory_space<hbm>> -> memref<100000x1024xf32, #tpu.memory_space<hbm>>
    tpu.wait_indirect_dma semaphore(%arg13 : memref<!tpu.dma_semaphore, #tpu.memory_space<semaphore_mem>>) src(%dma_wait3A_175 : memref<100000x1024xf32, #tpu.memory_space<hbm>>) dst(%arg8 : memref<16x1024xf32, #tpu.memory_space<vmem>>)
    %scan3A_176 = arith.constant 0 : i32
    %scan3A_177 = arith.constant 16 : i32
    %scan3A_178 = arith.addi %scan3A_176, %scan3A_177 : i32
    %scan3A_179 = arith.constant 1 : i32
    scf.for %scan3A_545 = %scan3A_176 to %scan3A_178 step %scan3A_179  : i32 {
      %mul3A_546 = arith.constant 1 : i32
      %mul3A_547 = arith.muli %scan3A_545, %mul3A_546 : i32
      %add3A_548 = arith.constant 0 : i32
      %add3A_549 = arith.addi %add3A_548, %mul3A_547 : i32
      %parallel_loop3A = arith.constant 0 : i32
      %parallel_loop3A_550 = arith.constant 1024 : i32
      %parallel_loop3A_551 = arith.constant 16 : i32
      scf.for %parallel_loop3A_552 = %parallel_loop3A to %parallel_loop3A_550 step %parallel_loop3A_551  : i32 {
        %parallel_loop3A_553 = arith.index_cast %add3A_549 : i32 to index
        %parallel_loop3A_554 = arith.index_cast %parallel_loop3A_552 : i32 to index
        %parallel_loop3A_555 = tpu.vector_load %arg8[%parallel_loop3A_553, %parallel_loop3A_554] {strides = array<i32>} : memref<16x1024xf32, #tpu.memory_space<vmem>>, vector<1x16xf32>,
        %parallel_loop3A_556 = vector.shape_cast %parallel_loop3A_555 : vector<1x16xf32> to vector<16xf32>
        %parallel_loop3A_557 = arith.index_cast %add3A_549 : i32 to index
        %parallel_loop3A_558 = arith.index_cast %parallel_loop3A_552 : i32 to index
        %parallel_loop3A_559 = tpu.vector_load %arg11[%parallel_loop3A_557, %parallel_loop3A_558] {strides = array<i32>} : memref<16x1024xf32, #tpu.memory_space<vmem>>, vector<1x16xf32>,
        %parallel_loop3A_560 = vector.shape_cast %parallel_loop3A_559 : vector<1x16xf32> to vector<16xf32>
        %parallel_loop3A_561 = arith.addf %parallel_loop3A_556, %parallel_loop3A_560 : vector<16xf32>
        %parallel_loop3A_562 = arith.index_cast %add3A_549 : i32 to index
        %parallel_loop3A_563 = arith.index_cast %parallel_loop3A_552 : i32 to index
        %parallel_loop3A_564 = tpu.vector_load %arg8[%parallel_loop3A_562, %parallel_loop3A_563] {strides = array<i32>} : memref<16x1024xf32, #tpu.memory_space<vmem>>, vector<1x16xf32>,
        %parallel_loop3A_565 = vector.shape_cast %parallel_loop3A_564 : vector<1x16xf32> to vector<16xf32>
        %parallel_loop3A_566 = vector.shape_cast %parallel_loop3A_561 : vector<16xf32> to vector<1x16xf32>
        tpu.vector_store %arg8[%parallel_loop3A_562, %parallel_loop3A_563], %parallel_loop3A_566 {strides = array<i32>} : memref<16x1024xf32, #tpu.memory_space<vmem>>, vector<1x16xf32>,
      } {sc.loop_unroll_factor = 8 : i64, sc.parallel_access}
    }
    %scan3A_180 = arith.constant 16 : i32
    %add3A_181 = arith.constant 0 : i32
    %add3A_182 = arith.addi %add3A_181, %mul3A_2 : i32
    %add3A_183 = arith.constant 16 : i32
    %add3A_184 = arith.addi %add3A_182, %add3A_183 : i32
    %dma_start3A_185 = arith.constant 0 : i32
    %dma_start3A_186 = tpu.memref_slice %arg5[%add3A_184, %dma_start3A_185] : memref<8192x1024xf32, #tpu.memory_space<hbm>> -> memref<16x1024xf32, #tpu.memory_space<hbm>>
    %dma_start3A_187 = arith.constant 0 : i32
    %dma_start3A_188 = tpu.memref_slice %arg5[%add3A_184, %dma_start3A_187] : memref<8192x1024xf32, #tpu.memory_space<hbm>> -> memref<16x1024xf32, #tpu.memory_space<hbm>>
    tpu.enqueue_dma source(%arg8 : memref<16x1024xf32, #tpu.memory_space<vmem>>) target(%dma_start3A_188 : memref<16x1024xf32, #tpu.memory_space<hbm>>) target_semaphore(%arg16 : memref<!tpu.dma_semaphore, #tpu.memory_space<semaphore_mem>>)
    %dma_wait3A_189 = arith.constant 0 : i32
    %dma_wait3A_190 = tpu.memref_slice %arg5[%add3A_143, %dma_wait3A_189] : memref<8192x1024xf32, #tpu.memory_space<hbm>> -> memref<16x1024xf32, #tpu.memory_space<hbm>>
    %dma_wait3A_191 = arith.constant 0 : i32
    %dma_wait3A_192 = tpu.memref_slice %arg5[%add3A_143, %dma_wait3A_191] : memref<8192x1024xf32, #tpu.memory_space<hbm>> -> memref<16x1024xf32, #tpu.memory_space<hbm>>
    tpu.wait_dma2 semaphore(%arg15 : memref<!tpu.dma_semaphore, #tpu.memory_space<semaphore_mem>>) src(%arg7 : memref<16x1024xf32, #tpu.memory_space<vmem>>) dst(%dma_wait3A_192 : memref<16x1024xf32, #tpu.memory_space<hbm>>)
    %dma_start3A_193 = arith.constant 2 : i32
    %dma_start3A_194 = arith.constant 16 : i32
    %dma_start3A_195 = tpu.memref_slice %arg6[%dma_start3A_193, %dma_start3A_194] : memref<4x64xi32, #tpu.memory_space<vmem>> -> memref<1x16xi32, #tpu.memory_space<vmem>>
    %dma_start3A_196 = tpu.memref_squeeze %dma_start3A_195 : memref<1x16xi32, #tpu.memory_space<vmem>> -> memref<16xi32, #tpu.memory_space<vmem>>
    %dma_start3A_197 = arith.constant 0 : i32
    %dma_start3A_198 = arith.constant 0 : i32
    %dma_start3A_199 = tpu.memref_slice %arg3[%dma_start3A_197, %dma_start3A_198] : memref<100000x1024xf32, #tpu.memory_space<hbm>> -> memref<100000x1024xf32, #tpu.memory_space<hbm>>
    tpu.enqueue_indirect_dma source(%dma_start3A_199 : memref<100000x1024xf32, #tpu.memory_space<hbm>>) target(%arg7 : memref<16x1024xf32, #tpu.memory_space<vmem>>) offsets(%dma_start3A_196 : memref<16xi32, #tpu.memory_space<vmem>>) semaphore(%arg12 : memref<!tpu.dma_semaphore, #tpu.memory_space<semaphore_mem>>)
    %dma_wait3A_200 = arith.constant 1 : i32
    %dma_wait3A_201 = arith.constant 16 : i32
    %dma_wait3A_202 = tpu.memref_slice %arg6[%dma_wait3A_200, %dma_wait3A_201] : memref<4x64xi32, #tpu.memory_space<vmem>> -> memref<1x16xi32, #tpu.memory_space<vmem>>
    %dma_wait3A_203 = tpu.memref_squeeze %dma_wait3A_202 : memref<1x16xi32, #tpu.memory_space<vmem>> -> memref<16xi32, #tpu.memory_space<vmem>>
    %dma_wait3A_204 = arith.constant 0 : i32
    %dma_wait3A_205 = arith.constant 0 : i32
    %dma_wait3A_206 = tpu.memref_slice %arg3[%dma_wait3A_204, %dma_wait3A_205] : memref<100000x1024xf32, #tpu.memory_space<hbm>> -> memref<100000x1024xf32, #tpu.memory_space<hbm>>
    tpu.wait_indirect_dma semaphore(%arg14 : memref<!tpu.dma_semaphore, #tpu.memory_space<semaphore_mem>>) src(%dma_wait3A_206 : memref<100000x1024xf32, #tpu.memory_space<hbm>>) dst(%arg9 : memref<16x1024xf32, #tpu.memory_space<vmem>>)
    %scan3A_207 = arith.constant 0 : i32
    %scan3A_208 = arith.constant 16 : i32
    %scan3A_209 = arith.addi %scan3A_207, %scan3A_208 : i32
    %scan3A_210 = arith.constant 1 : i32
    scf.for %scan3A_545 = %scan3A_207 to %scan3A_209 step %scan3A_210  : i32 {
      %mul3A_546 = arith.constant 1 : i32
      %mul3A_547 = arith.muli %scan3A_545, %mul3A_546 : i32
      %add3A_548 = arith.constant 0 : i32
      %add3A_549 = arith.addi %add3A_548, %mul3A_547 : i32
      %parallel_loop3A = arith.constant 0 : i32
      %parallel_loop3A_550 = arith.constant 1024 : i32
      %parallel_loop3A_551 = arith.constant 16 : i32
      scf.for %parallel_loop3A_552 = %parallel_loop3A to %parallel_loop3A_550 step %parallel_loop3A_551  : i32 {
        %parallel_loop3A_553 = arith.index_cast %add3A_549 : i32 to index
        %parallel_loop3A_554 = arith.index_cast %parallel_loop3A_552 : i32 to index
        %parallel_loop3A_555 = tpu.vector_load %arg9[%parallel_loop3A_553, %parallel_loop3A_554] {strides = array<i32>} : memref<16x1024xf32, #tpu.memory_space<vmem>>, vector<1x16xf32>,
        %parallel_loop3A_556 = vector.shape_cast %parallel_loop3A_555 : vector<1x16xf32> to vector<16xf32>
        %parallel_loop3A_557 = arith.index_cast %add3A_549 : i32 to index
        %parallel_loop3A_558 = arith.index_cast %parallel_loop3A_552 : i32 to index
        %parallel_loop3A_559 = tpu.vector_load %arg11[%parallel_loop3A_557, %parallel_loop3A_558] {strides = array<i32>} : memref<16x1024xf32, #tpu.memory_space<vmem>>, vector<1x16xf32>,
        %parallel_loop3A_560 = vector.shape_cast %parallel_loop3A_559 : vector<1x16xf32> to vector<16xf32>
        %parallel_loop3A_561 = arith.addf %parallel_loop3A_556, %parallel_loop3A_560 : vector<16xf32>
        %parallel_loop3A_562 = arith.index_cast %add3A_549 : i32 to index
        %parallel_loop3A_563 = arith.index_cast %parallel_loop3A_552 : i32 to index
        %parallel_loop3A_564 = tpu.vector_load %arg9[%parallel_loop3A_562, %parallel_loop3A_563] {strides = array<i32>} : memref<16x1024xf32, #tpu.memory_space<vmem>>, vector<1x16xf32>,
        %parallel_loop3A_565 = vector.shape_cast %parallel_loop3A_564 : vector<1x16xf32> to vector<16xf32>
        %parallel_loop3A_566 = vector.shape_cast %parallel_loop3A_561 : vector<16xf32> to vector<1x16xf32>
        tpu.vector_store %arg9[%parallel_loop3A_562, %parallel_loop3A_563], %parallel_loop3A_566 {strides = array<i32>} : memref<16x1024xf32, #tpu.memory_space<vmem>>, vector<1x16xf32>,
      } {sc.loop_unroll_factor = 8 : i64, sc.parallel_access}
    }
    %scan3A_211 = arith.constant 16 : i32
    %add3A_212 = arith.constant 2048 : i32
    %add3A_213 = arith.addi %add3A_212, %mul3A_2 : i32
    %add3A_214 = arith.constant 16 : i32
    %add3A_215 = arith.addi %add3A_213, %add3A_214 : i32
    %dma_start3A_216 = arith.constant 0 : i32
    %dma_start3A_217 = tpu.memref_slice %arg5[%add3A_215, %dma_start3A_216] : memref<8192x1024xf32, #tpu.memory_space<hbm>> -> memref<16x1024xf32, #tpu.memory_space<hbm>>
    %dma_start3A_218 = arith.constant 0 : i32
    %dma_start3A_219 = tpu.memref_slice %arg5[%add3A_215, %dma_start3A_218] : memref<8192x1024xf32, #tpu.memory_space<hbm>> -> memref<16x1024xf32, #tpu.memory_space<hbm>>
    tpu.enqueue_dma source(%arg9 : memref<16x1024xf32, #tpu.memory_space<vmem>>) target(%dma_start3A_219 : memref<16x1024xf32, #tpu.memory_space<hbm>>) target_semaphore(%arg17 : memref<!tpu.dma_semaphore, #tpu.memory_space<semaphore_mem>>)
    %dma_wait3A_220 = arith.constant 0 : i32
    %dma_wait3A_221 = tpu.memref_slice %arg5[%add3A_184, %dma_wait3A_220] : memref<8192x1024xf32, #tpu.memory_space<hbm>> -> memref<16x1024xf32, #tpu.memory_space<hbm>>
    %dma_wait3A_222 = arith.constant 0 : i32
    %dma_wait3A_223 = tpu.memref_slice %arg5[%add3A_184, %dma_wait3A_222] : memref<8192x1024xf32, #tpu.memory_space<hbm>> -> memref<16x1024xf32, #tpu.memory_space<hbm>>
    tpu.wait_dma2 semaphore(%arg16 : memref<!tpu.dma_semaphore, #tpu.memory_space<semaphore_mem>>) src(%arg8 : memref<16x1024xf32, #tpu.memory_space<vmem>>) dst(%dma_wait3A_223 : memref<16x1024xf32, #tpu.memory_space<hbm>>)
    %dma_start3A_224 = arith.constant 3 : i32
    %dma_start3A_225 = arith.constant 16 : i32
    %dma_start3A_226 = tpu.memref_slice %arg6[%dma_start3A_224, %dma_start3A_225] : memref<4x64xi32, #tpu.memory_space<vmem>> -> memref<1x16xi32, #tpu.memory_space<vmem>>
    %dma_start3A_227 = tpu.memref_squeeze %dma_start3A_226 : memref<1x16xi32, #tpu.memory_space<vmem>> -> memref<16xi32, #tpu.memory_space<vmem>>
    %dma_start3A_228 = arith.constant 0 : i32
    %dma_start3A_229 = arith.constant 0 : i32
    %dma_start3A_230 = tpu.memref_slice %arg3[%dma_start3A_228, %dma_start3A_229] : memref<100000x1024xf32, #tpu.memory_space<hbm>> -> memref<100000x1024xf32, #tpu.memory_space<hbm>>
    tpu.enqueue_indirect_dma source(%dma_start3A_230 : memref<100000x1024xf32, #tpu.memory_space<hbm>>) target(%arg8 : memref<16x1024xf32, #tpu.memory_space<vmem>>) offsets(%dma_start3A_227 : memref<16xi32, #tpu.memory_space<vmem>>) semaphore(%arg13 : memref<!tpu.dma_semaphore, #tpu.memory_space<semaphore_mem>>)
    %dma_wait3A_231 = arith.constant 2 : i32
    %dma_wait3A_232 = arith.constant 16 : i32
    %dma_wait3A_233 = tpu.memref_slice %arg6[%dma_wait3A_231, %dma_wait3A_232] : memref<4x64xi32, #tpu.memory_space<vmem>> -> memref<1x16xi32, #tpu.memory_space<vmem>>
    %dma_wait3A_234 = tpu.memref_squeeze %dma_wait3A_233 : memref<1x16xi32, #tpu.memory_space<vmem>> -> memref<16xi32, #tpu.memory_space<vmem>>
    %dma_wait3A_235 = arith.constant 0 : i32
    %dma_wait3A_236 = arith.constant 0 : i32
    %dma_wait3A_237 = tpu.memref_slice %arg3[%dma_wait3A_235, %dma_wait3A_236] : memref<100000x1024xf32, #tpu.memory_space<hbm>> -> memref<100000x1024xf32, #tpu.memory_space<hbm>>
    tpu.wait_indirect_dma semaphore(%arg12 : memref<!tpu.dma_semaphore, #tpu.memory_space<semaphore_mem>>) src(%dma_wait3A_237 : memref<100000x1024xf32, #tpu.memory_space<hbm>>) dst(%arg7 : memref<16x1024xf32, #tpu.memory_space<vmem>>)
    %scan3A_238 = arith.constant 0 : i32
    %scan3A_239 = arith.constant 16 : i32
    %scan3A_240 = arith.addi %scan3A_238, %scan3A_239 : i32
    %scan3A_241 = arith.constant 1 : i32
    scf.for %scan3A_545 = %scan3A_238 to %scan3A_240 step %scan3A_241  : i32 {
      %mul3A_546 = arith.constant 1 : i32
      %mul3A_547 = arith.muli %scan3A_545, %mul3A_546 : i32
      %add3A_548 = arith.constant 0 : i32
      %add3A_549 = arith.addi %add3A_548, %mul3A_547 : i32
      %parallel_loop3A = arith.constant 0 : i32
      %parallel_loop3A_550 = arith.constant 1024 : i32
      %parallel_loop3A_551 = arith.constant 16 : i32
      scf.for %parallel_loop3A_552 = %parallel_loop3A to %parallel_loop3A_550 step %parallel_loop3A_551  : i32 {
        %parallel_loop3A_553 = arith.index_cast %add3A_549 : i32 to index
        %parallel_loop3A_554 = arith.index_cast %parallel_loop3A_552 : i32 to index
        %parallel_loop3A_555 = tpu.vector_load %arg7[%parallel_loop3A_553, %parallel_loop3A_554] {strides = array<i32>} : memref<16x1024xf32, #tpu.memory_space<vmem>>, vector<1x16xf32>,
        %parallel_loop3A_556 = vector.shape_cast %parallel_loop3A_555 : vector<1x16xf32> to vector<16xf32>
        %parallel_loop3A_557 = arith.index_cast %add3A_549 : i32 to index
        %parallel_loop3A_558 = arith.index_cast %parallel_loop3A_552 : i32 to index
        %parallel_loop3A_559 = tpu.vector_load %arg11[%parallel_loop3A_557, %parallel_loop3A_558] {strides = array<i32>} : memref<16x1024xf32, #tpu.memory_space<vmem>>, vector<1x16xf32>,
        %parallel_loop3A_560 = vector.shape_cast %parallel_loop3A_559 : vector<1x16xf32> to vector<16xf32>
        %parallel_loop3A_561 = arith.addf %parallel_loop3A_556, %parallel_loop3A_560 : vector<16xf32>
        %parallel_loop3A_562 = arith.index_cast %add3A_549 : i32 to index
        %parallel_loop3A_563 = arith.index_cast %parallel_loop3A_552 : i32 to index
        %parallel_loop3A_564 = tpu.vector_load %arg7[%parallel_loop3A_562, %parallel_loop3A_563] {strides = array<i32>} : memref<16x1024xf32, #tpu.memory_space<vmem>>, vector<1x16xf32>,
        %parallel_loop3A_565 = vector.shape_cast %parallel_loop3A_564 : vector<1x16xf32> to vector<16xf32>
        %parallel_loop3A_566 = vector.shape_cast %parallel_loop3A_561 : vector<16xf32> to vector<1x16xf32>
        tpu.vector_store %arg7[%parallel_loop3A_562, %parallel_loop3A_563], %parallel_loop3A_566 {strides = array<i32>} : memref<16x1024xf32, #tpu.memory_space<vmem>>, vector<1x16xf32>,
      } {sc.loop_unroll_factor = 8 : i64, sc.parallel_access}
    }
    %scan3A_242 = arith.constant 16 : i32
    %add3A_243 = arith.constant 4096 : i32
    %add3A_244 = arith.addi %add3A_243, %mul3A_2 : i32
    %add3A_245 = arith.constant 16 : i32
    %add3A_246 = arith.addi %add3A_244, %add3A_245 : i32
    %dma_start3A_247 = arith.constant 0 : i32
    %dma_start3A_248 = tpu.memref_slice %arg5[%add3A_246, %dma_start3A_247] : memref<8192x1024xf32, #tpu.memory_space<hbm>> -> memref<16x1024xf32, #tpu.memory_space<hbm>>
    %dma_start3A_249 = arith.constant 0 : i32
    %dma_start3A_250 = tpu.memref_slice %arg5[%add3A_246, %dma_start3A_249] : memref<8192x1024xf32, #tpu.memory_space<hbm>> -> memref<16x1024xf32, #tpu.memory_space<hbm>>
    tpu.enqueue_dma source(%arg7 : memref<16x1024xf32, #tpu.memory_space<vmem>>) target(%dma_start3A_250 : memref<16x1024xf32, #tpu.memory_space<hbm>>) target_semaphore(%arg15 : memref<!tpu.dma_semaphore, #tpu.memory_space<semaphore_mem>>)
    %dma_wait3A_251 = arith.constant 0 : i32
    %dma_wait3A_252 = tpu.memref_slice %arg5[%add3A_215, %dma_wait3A_251] : memref<8192x1024xf32, #tpu.memory_space<hbm>> -> memref<16x1024xf32, #tpu.memory_space<hbm>>
    %dma_wait3A_253 = arith.constant 0 : i32
    %dma_wait3A_254 = tpu.memref_slice %arg5[%add3A_215, %dma_wait3A_253] : memref<8192x1024xf32, #tpu.memory_space<hbm>> -> memref<16x1024xf32, #tpu.memory_space<hbm>>
    tpu.wait_dma2 semaphore(%arg17 : memref<!tpu.dma_semaphore, #tpu.memory_space<semaphore_mem>>) src(%arg9 : memref<16x1024xf32, #tpu.memory_space<vmem>>) dst(%dma_wait3A_254 : memref<16x1024xf32, #tpu.memory_space<hbm>>)
    %dma_start3A_255 = arith.constant 0 : i32
    %dma_start3A_256 = arith.constant 32 : i32
    %dma_start3A_257 = tpu.memref_slice %arg6[%dma_start3A_255, %dma_start3A_256] : memref<4x64xi32, #tpu.memory_space<vmem>> -> memref<1x16xi32, #tpu.memory_space<vmem>>
    %dma_start3A_258 = tpu.memref_squeeze %dma_start3A_257 : memref<1x16xi32, #tpu.memory_space<vmem>> -> memref<16xi32, #tpu.memory_space<vmem>>
    %dma_start3A_259 = arith.constant 0 : i32
    %dma_start3A_260 = arith.constant 0 : i32
    %dma_start3A_261 = tpu.memref_slice %arg3[%dma_start3A_259, %dma_start3A_260] : memref<100000x1024xf32, #tpu.memory_space<hbm>> -> memref<100000x1024xf32, #tpu.memory_space<hbm>>
    tpu.enqueue_indirect_dma source(%dma_start3A_261 : memref<100000x1024xf32, #tpu.memory_space<hbm>>) target(%arg9 : memref<16x1024xf32, #tpu.memory_space<vmem>>) offsets(%dma_start3A_258 : memref<16xi32, #tpu.memory_space<vmem>>) semaphore(%arg14 : memref<!tpu.dma_semaphore, #tpu.memory_space<semaphore_mem>>)
    %dma_wait3A_262 = arith.constant 3 : i32
    %dma_wait3A_263 = arith.constant 16 : i32
    %dma_wait3A_264 = tpu.memref_slice %arg6[%dma_wait3A_262, %dma_wait3A_263] : memref<4x64xi32, #tpu.memory_space<vmem>> -> memref<1x16xi32, #tpu.memory_space<vmem>>
    %dma_wait3A_265 = tpu.memref_squeeze %dma_wait3A_264 : memref<1x16xi32, #tpu.memory_space<vmem>> -> memref<16xi32, #tpu.memory_space<vmem>>
    %dma_wait3A_266 = arith.constant 0 : i32
    %dma_wait3A_267 = arith.constant 0 : i32
    %dma_wait3A_268 = tpu.memref_slice %arg3[%dma_wait3A_266, %dma_wait3A_267] : memref<100000x1024xf32, #tpu.memory_space<hbm>> -> memref<100000x1024xf32, #tpu.memory_space<hbm>>
    tpu.wait_indirect_dma semaphore(%arg13 : memref<!tpu.dma_semaphore, #tpu.memory_space<semaphore_mem>>) src(%dma_wait3A_268 : memref<100000x1024xf32, #tpu.memory_space<hbm>>) dst(%arg8 : memref<16x1024xf32, #tpu.memory_space<vmem>>)
    %scan3A_269 = arith.constant 0 : i32
    %scan3A_270 = arith.constant 16 : i32
    %scan3A_271 = arith.addi %scan3A_269, %scan3A_270 : i32
    %scan3A_272 = arith.constant 1 : i32
    scf.for %scan3A_545 = %scan3A_269 to %scan3A_271 step %scan3A_272  : i32 {
      %mul3A_546 = arith.constant 1 : i32
      %mul3A_547 = arith.muli %scan3A_545, %mul3A_546 : i32
      %add3A_548 = arith.constant 0 : i32
      %add3A_549 = arith.addi %add3A_548, %mul3A_547 : i32
      %parallel_loop3A = arith.constant 0 : i32
      %parallel_loop3A_550 = arith.constant 1024 : i32
      %parallel_loop3A_551 = arith.constant 16 : i32
      scf.for %parallel_loop3A_552 = %parallel_loop3A to %parallel_loop3A_550 step %parallel_loop3A_551  : i32 {
        %parallel_loop3A_553 = arith.index_cast %add3A_549 : i32 to index
        %parallel_loop3A_554 = arith.index_cast %parallel_loop3A_552 : i32 to index
        %parallel_loop3A_555 = tpu.vector_load %arg8[%parallel_loop3A_553, %parallel_loop3A_554] {strides = array<i32>} : memref<16x1024xf32, #tpu.memory_space<vmem>>, vector<1x16xf32>,
        %parallel_loop3A_556 = vector.shape_cast %parallel_loop3A_555 : vector<1x16xf32> to vector<16xf32>
        %parallel_loop3A_557 = arith.index_cast %add3A_549 : i32 to index
        %parallel_loop3A_558 = arith.index_cast %parallel_loop3A_552 : i32 to index
        %parallel_loop3A_559 = tpu.vector_load %arg11[%parallel_loop3A_557, %parallel_loop3A_558] {strides = array<i32>} : memref<16x1024xf32, #tpu.memory_space<vmem>>, vector<1x16xf32>,
        %parallel_loop3A_560 = vector.shape_cast %parallel_loop3A_559 : vector<1x16xf32> to vector<16xf32>
        %parallel_loop3A_561 = arith.addf %parallel_loop3A_556, %parallel_loop3A_560 : vector<16xf32>
        %parallel_loop3A_562 = arith.index_cast %add3A_549 : i32 to index
        %parallel_loop3A_563 = arith.index_cast %parallel_loop3A_552 : i32 to index
        %parallel_loop3A_564 = tpu.vector_load %arg8[%parallel_loop3A_562, %parallel_loop3A_563] {strides = array<i32>} : memref<16x1024xf32, #tpu.memory_space<vmem>>, vector<1x16xf32>,
        %parallel_loop3A_565 = vector.shape_cast %parallel_loop3A_564 : vector<1x16xf32> to vector<16xf32>
        %parallel_loop3A_566 = vector.shape_cast %parallel_loop3A_561 : vector<16xf32> to vector<1x16xf32>
        tpu.vector_store %arg8[%parallel_loop3A_562, %parallel_loop3A_563], %parallel_loop3A_566 {strides = array<i32>} : memref<16x1024xf32, #tpu.memory_space<vmem>>, vector<1x16xf32>,
      } {sc.loop_unroll_factor = 8 : i64, sc.parallel_access}
    }
    %scan3A_273 = arith.constant 16 : i32
    %add3A_274 = arith.constant 6144 : i32
    %add3A_275 = arith.addi %add3A_274, %mul3A_2 : i32
    %add3A_276 = arith.constant 16 : i32
    %add3A_277 = arith.addi %add3A_275, %add3A_276 : i32
    %dma_start3A_278 = arith.constant 0 : i32
    %dma_start3A_279 = tpu.memref_slice %arg5[%add3A_277, %dma_start3A_278] : memref<8192x1024xf32, #tpu.memory_space<hbm>> -> memref<16x1024xf32, #tpu.memory_space<hbm>>
    %dma_start3A_280 = arith.constant 0 : i32
    %dma_start3A_281 = tpu.memref_slice %arg5[%add3A_277, %dma_start3A_280] : memref<8192x1024xf32, #tpu.memory_space<hbm>> -> memref<16x1024xf32, #tpu.memory_space<hbm>>
    tpu.enqueue_dma source(%arg8 : memref<16x1024xf32, #tpu.memory_space<vmem>>) target(%dma_start3A_281 : memref<16x1024xf32, #tpu.memory_space<hbm>>) target_semaphore(%arg16 : memref<!tpu.dma_semaphore, #tpu.memory_space<semaphore_mem>>)
    %dma_wait3A_282 = arith.constant 0 : i32
    %dma_wait3A_283 = tpu.memref_slice %arg5[%add3A_246, %dma_wait3A_282] : memref<8192x1024xf32, #tpu.memory_space<hbm>> -> memref<16x1024xf32, #tpu.memory_space<hbm>>
    %dma_wait3A_284 = arith.constant 0 : i32
    %dma_wait3A_285 = tpu.memref_slice %arg5[%add3A_246, %dma_wait3A_284] : memref<8192x1024xf32, #tpu.memory_space<hbm>> -> memref<16x1024xf32, #tpu.memory_space<hbm>>
    tpu.wait_dma2 semaphore(%arg15 : memref<!tpu.dma_semaphore, #tpu.memory_space<semaphore_mem>>) src(%arg7 : memref<16x1024xf32, #tpu.memory_space<vmem>>) dst(%dma_wait3A_285 : memref<16x1024xf32, #tpu.memory_space<hbm>>)
    %dma_start3A_286 = arith.constant 1 : i32
    %dma_start3A_287 = arith.constant 32 : i32
    %dma_start3A_288 = tpu.memref_slice %arg6[%dma_start3A_286, %dma_start3A_287] : memref<4x64xi32, #tpu.memory_space<vmem>> -> memref<1x16xi32, #tpu.memory_space<vmem>>
    %dma_start3A_289 = tpu.memref_squeeze %dma_start3A_288 : memref<1x16xi32, #tpu.memory_space<vmem>> -> memref<16xi32, #tpu.memory_space<vmem>>
    %dma_start3A_290 = arith.constant 0 : i32
    %dma_start3A_291 = arith.constant 0 : i32
    %dma_start3A_292 = tpu.memref_slice %arg3[%dma_start3A_290, %dma_start3A_291] : memref<100000x1024xf32, #tpu.memory_space<hbm>> -> memref<100000x1024xf32, #tpu.memory_space<hbm>>
    tpu.enqueue_indirect_dma source(%dma_start3A_292 : memref<100000x1024xf32, #tpu.memory_space<hbm>>) target(%arg7 : memref<16x1024xf32, #tpu.memory_space<vmem>>) offsets(%dma_start3A_289 : memref<16xi32, #tpu.memory_space<vmem>>) semaphore(%arg12 : memref<!tpu.dma_semaphore, #tpu.memory_space<semaphore_mem>>)
    %dma_wait3A_293 = arith.constant 0 : i32
    %dma_wait3A_294 = tpu.memref_slice %arg4[%add3A_164, %dma_wait3A_293] : memref<2048x1024xf32, #tpu.memory_space<hbm>> -> memref<16x1024xf32, #tpu.memory_space<hbm>>
    %dma_wait3A_295 = arith.constant 0 : i32
    %dma_wait3A_296 = tpu.memref_slice %arg4[%add3A_164, %dma_wait3A_295] : memref<2048x1024xf32, #tpu.memory_space<hbm>> -> memref<16x1024xf32, #tpu.memory_space<hbm>>
    tpu.wait_dma2 semaphore(%arg18 : memref<!tpu.dma_semaphore, #tpu.memory_space<semaphore_mem>>) src(%dma_wait3A_296 : memref<16x1024xf32, #tpu.memory_space<hbm>>) dst(%arg10 : memref<16x1024xf32, #tpu.memory_space<vmem>>)
    %add3A_297 = arith.constant 48 : i32
    %add3A_298 = arith.addi %mul3A_2, %add3A_297 : i32
    %dma_start3A_299 = arith.constant 0 : i32
    %dma_start3A_300 = tpu.memref_slice %arg4[%add3A_298, %dma_start3A_299] : memref<2048x1024xf32, #tpu.memory_space<hbm>> -> memref<16x1024xf32, #tpu.memory_space<hbm>>
    %dma_start3A_301 = arith.constant 0 : i32
    %dma_start3A_302 = tpu.memref_slice %arg4[%add3A_298, %dma_start3A_301] : memref<2048x1024xf32, #tpu.memory_space<hbm>> -> memref<16x1024xf32, #tpu.memory_space<hbm>>
    tpu.enqueue_dma source(%dma_start3A_302 : memref<16x1024xf32, #tpu.memory_space<hbm>>) target(%arg11 : memref<16x1024xf32, #tpu.memory_space<vmem>>) target_semaphore(%arg19 : memref<!tpu.dma_semaphore, #tpu.memory_space<semaphore_mem>>)
    %dma_wait3A_303 = arith.constant 0 : i32
    %dma_wait3A_304 = arith.constant 32 : i32
    %dma_wait3A_305 = tpu.memref_slice %arg6[%dma_wait3A_303, %dma_wait3A_304] : memref<4x64xi32, #tpu.memory_space<vmem>> -> memref<1x16xi32, #tpu.memory_space<vmem>>
    %dma_wait3A_306 = tpu.memref_squeeze %dma_wait3A_305 : memref<1x16xi32, #tpu.memory_space<vmem>> -> memref<16xi32, #tpu.memory_space<vmem>>
    %dma_wait3A_307 = arith.constant 0 : i32
    %dma_wait3A_308 = arith.constant 0 : i32
    %dma_wait3A_309 = tpu.memref_slice %arg3[%dma_wait3A_307, %dma_wait3A_308] : memref<100000x1024xf32, #tpu.memory_space<hbm>> -> memref<100000x1024xf32, #tpu.memory_space<hbm>>
    tpu.wait_indirect_dma semaphore(%arg14 : memref<!tpu.dma_semaphore, #tpu.memory_space<semaphore_mem>>) src(%dma_wait3A_309 : memref<100000x1024xf32, #tpu.memory_space<hbm>>) dst(%arg9 : memref<16x1024xf32, #tpu.memory_space<vmem>>)
    %scan3A_310 = arith.constant 0 : i32
    %scan3A_311 = arith.constant 16 : i32
    %scan3A_312 = arith.addi %scan3A_310, %scan3A_311 : i32
    %scan3A_313 = arith.constant 1 : i32
    scf.for %scan3A_545 = %scan3A_310 to %scan3A_312 step %scan3A_313  : i32 {
      %mul3A_546 = arith.constant 1 : i32
      %mul3A_547 = arith.muli %scan3A_545, %mul3A_546 : i32
      %add3A_548 = arith.constant 0 : i32
      %add3A_549 = arith.addi %add3A_548, %mul3A_547 : i32
      %parallel_loop3A = arith.constant 0 : i32
      %parallel_loop3A_550 = arith.constant 1024 : i32
      %parallel_loop3A_551 = arith.constant 16 : i32
      scf.for %parallel_loop3A_552 = %parallel_loop3A to %parallel_loop3A_550 step %parallel_loop3A_551  : i32 {
        %parallel_loop3A_553 = arith.index_cast %add3A_549 : i32 to index
        %parallel_loop3A_554 = arith.index_cast %parallel_loop3A_552 : i32 to index
        %parallel_loop3A_555 = tpu.vector_load %arg9[%parallel_loop3A_553, %parallel_loop3A_554] {strides = array<i32>} : memref<16x1024xf32, #tpu.memory_space<vmem>>, vector<1x16xf32>,
        %parallel_loop3A_556 = vector.shape_cast %parallel_loop3A_555 : vector<1x16xf32> to vector<16xf32>
        %parallel_loop3A_557 = arith.index_cast %add3A_549 : i32 to index
        %parallel_loop3A_558 = arith.index_cast %parallel_loop3A_552 : i32 to index
        %parallel_loop3A_559 = tpu.vector_load %arg10[%parallel_loop3A_557, %parallel_loop3A_558] {strides = array<i32>} : memref<16x1024xf32, #tpu.memory_space<vmem>>, vector<1x16xf32>,
        %parallel_loop3A_560 = vector.shape_cast %parallel_loop3A_559 : vector<1x16xf32> to vector<16xf32>
        %parallel_loop3A_561 = arith.addf %parallel_loop3A_556, %parallel_loop3A_560 : vector<16xf32>
        %parallel_loop3A_562 = arith.index_cast %add3A_549 : i32 to index
        %parallel_loop3A_563 = arith.index_cast %parallel_loop3A_552 : i32 to index
        %parallel_loop3A_564 = tpu.vector_load %arg9[%parallel_loop3A_562, %parallel_loop3A_563] {strides = array<i32>} : memref<16x1024xf32, #tpu.memory_space<vmem>>, vector<1x16xf32>,
        %parallel_loop3A_565 = vector.shape_cast %parallel_loop3A_564 : vector<1x16xf32> to vector<16xf32>
        %parallel_loop3A_566 = vector.shape_cast %parallel_loop3A_561 : vector<16xf32> to vector<1x16xf32>
        tpu.vector_store %arg9[%parallel_loop3A_562, %parallel_loop3A_563], %parallel_loop3A_566 {strides = array<i32>} : memref<16x1024xf32, #tpu.memory_space<vmem>>, vector<1x16xf32>,
      } {sc.loop_unroll_factor = 8 : i64, sc.parallel_access}
    }
    %scan3A_314 = arith.constant 16 : i32
    %add3A_315 = arith.constant 0 : i32
    %add3A_316 = arith.addi %add3A_315, %mul3A_2 : i32
    %add3A_317 = arith.constant 32 : i32
    %add3A_318 = arith.addi %add3A_316, %add3A_317 : i32
    %dma_start3A_319 = arith.constant 0 : i32
    %dma_start3A_320 = tpu.memref_slice %arg5[%add3A_318, %dma_start3A_319] : memref<8192x1024xf32, #tpu.memory_space<hbm>> -> memref<16x1024xf32, #tpu.memory_space<hbm>>
    %dma_start3A_321 = arith.constant 0 : i32
    %dma_start3A_322 = tpu.memref_slice %arg5[%add3A_318, %dma_start3A_321] : memref<8192x1024xf32, #tpu.memory_space<hbm>> -> memref<16x1024xf32, #tpu.memory_space<hbm>>
    tpu.enqueue_dma source(%arg9 : memref<16x1024xf32, #tpu.memory_space<vmem>>) target(%dma_start3A_322 : memref<16x1024xf32, #tpu.memory_space<hbm>>) target_semaphore(%arg17 : memref<!tpu.dma_semaphore, #tpu.memory_space<semaphore_mem>>)
    %dma_wait3A_323 = arith.constant 0 : i32
    %dma_wait3A_324 = tpu.memref_slice %arg5[%add3A_277, %dma_wait3A_323] : memref<8192x1024xf32, #tpu.memory_space<hbm>> -> memref<16x1024xf32, #tpu.memory_space<hbm>>
    %dma_wait3A_325 = arith.constant 0 : i32
    %dma_wait3A_326 = tpu.memref_slice %arg5[%add3A_277, %dma_wait3A_325] : memref<8192x1024xf32, #tpu.memory_space<hbm>> -> memref<16x1024xf32, #tpu.memory_space<hbm>>
    tpu.wait_dma2 semaphore(%arg16 : memref<!tpu.dma_semaphore, #tpu.memory_space<semaphore_mem>>) src(%arg8 : memref<16x1024xf32, #tpu.memory_space<vmem>>) dst(%dma_wait3A_326 : memref<16x1024xf32, #tpu.memory_space<hbm>>)
    %dma_start3A_327 = arith.constant 2 : i32
    %dma_start3A_328 = arith.constant 32 : i32
    %dma_start3A_329 = tpu.memref_slice %arg6[%dma_start3A_327, %dma_start3A_328] : memref<4x64xi32, #tpu.memory_space<vmem>> -> memref<1x16xi32, #tpu.memory_space<vmem>>
    %dma_start3A_330 = tpu.memref_squeeze %dma_start3A_329 : memref<1x16xi32, #tpu.memory_space<vmem>> -> memref<16xi32, #tpu.memory_space<vmem>>
    %dma_start3A_331 = arith.constant 0 : i32
    %dma_start3A_332 = arith.constant 0 : i32
    %dma_start3A_333 = tpu.memref_slice %arg3[%dma_start3A_331, %dma_start3A_332] : memref<100000x1024xf32, #tpu.memory_space<hbm>> -> memref<100000x1024xf32, #tpu.memory_space<hbm>>
    tpu.enqueue_indirect_dma source(%dma_start3A_333 : memref<100000x1024xf32, #tpu.memory_space<hbm>>) target(%arg8 : memref<16x1024xf32, #tpu.memory_space<vmem>>) offsets(%dma_start3A_330 : memref<16xi32, #tpu.memory_space<vmem>>) semaphore(%arg13 : memref<!tpu.dma_semaphore, #tpu.memory_space<semaphore_mem>>)
    %dma_wait3A_334 = arith.constant 1 : i32
    %dma_wait3A_335 = arith.constant 32 : i32
    %dma_wait3A_336 = tpu.memref_slice %arg6[%dma_wait3A_334, %dma_wait3A_335] : memref<4x64xi32, #tpu.memory_space<vmem>> -> memref<1x16xi32, #tpu.memory_space<vmem>>
    %dma_wait3A_337 = tpu.memref_squeeze %dma_wait3A_336 : memref<1x16xi32, #tpu.memory_space<vmem>> -> memref<16xi32, #tpu.memory_space<vmem>>
    %dma_wait3A_338 = arith.constant 0 : i32
    %dma_wait3A_339 = arith.constant 0 : i32
    %dma_wait3A_340 = tpu.memref_slice %arg3[%dma_wait3A_338, %dma_wait3A_339] : memref<100000x1024xf32, #tpu.memory_space<hbm>> -> memref<100000x1024xf32, #tpu.memory_space<hbm>>
    tpu.wait_indirect_dma semaphore(%arg12 : memref<!tpu.dma_semaphore, #tpu.memory_space<semaphore_mem>>) src(%dma_wait3A_340 : memref<100000x1024xf32, #tpu.memory_space<hbm>>) dst(%arg7 : memref<16x1024xf32, #tpu.memory_space<vmem>>)
    %scan3A_341 = arith.constant 0 : i32
    %scan3A_342 = arith.constant 16 : i32
    %scan3A_343 = arith.addi %scan3A_341, %scan3A_342 : i32
    %scan3A_344 = arith.constant 1 : i32
    scf.for %scan3A_545 = %scan3A_341 to %scan3A_343 step %scan3A_344  : i32 {
      %mul3A_546 = arith.constant 1 : i32
      %mul3A_547 = arith.muli %scan3A_545, %mul3A_546 : i32
      %add3A_548 = arith.constant 0 : i32
      %add3A_549 = arith.addi %add3A_548, %mul3A_547 : i32
      %parallel_loop3A = arith.constant 0 : i32
      %parallel_loop3A_550 = arith.constant 1024 : i32
      %parallel_loop3A_551 = arith.constant 16 : i32
      scf.for %parallel_loop3A_552 = %parallel_loop3A to %parallel_loop3A_550 step %parallel_loop3A_551  : i32 {
        %parallel_loop3A_553 = arith.index_cast %add3A_549 : i32 to index
        %parallel_loop3A_554 = arith.index_cast %parallel_loop3A_552 : i32 to index
        %parallel_loop3A_555 = tpu.vector_load %arg7[%parallel_loop3A_553, %parallel_loop3A_554] {strides = array<i32>} : memref<16x1024xf32, #tpu.memory_space<vmem>>, vector<1x16xf32>,
        %parallel_loop3A_556 = vector.shape_cast %parallel_loop3A_555 : vector<1x16xf32> to vector<16xf32>
        %parallel_loop3A_557 = arith.index_cast %add3A_549 : i32 to index
        %parallel_loop3A_558 = arith.index_cast %parallel_loop3A_552 : i32 to index
        %parallel_loop3A_559 = tpu.vector_load %arg10[%parallel_loop3A_557, %parallel_loop3A_558] {strides = array<i32>} : memref<16x1024xf32, #tpu.memory_space<vmem>>, vector<1x16xf32>,
        %parallel_loop3A_560 = vector.shape_cast %parallel_loop3A_559 : vector<1x16xf32> to vector<16xf32>
        %parallel_loop3A_561 = arith.addf %parallel_loop3A_556, %parallel_loop3A_560 : vector<16xf32>
        %parallel_loop3A_562 = arith.index_cast %add3A_549 : i32 to index
        %parallel_loop3A_563 = arith.index_cast %parallel_loop3A_552 : i32 to index
        %parallel_loop3A_564 = tpu.vector_load %arg7[%parallel_loop3A_562, %parallel_loop3A_563] {strides = array<i32>} : memref<16x1024xf32, #tpu.memory_space<vmem>>, vector<1x16xf32>,
        %parallel_loop3A_565 = vector.shape_cast %parallel_loop3A_564 : vector<1x16xf32> to vector<16xf32>
        %parallel_loop3A_566 = vector.shape_cast %parallel_loop3A_561 : vector<16xf32> to vector<1x16xf32>
        tpu.vector_store %arg7[%parallel_loop3A_562, %parallel_loop3A_563], %parallel_loop3A_566 {strides = array<i32>} : memref<16x1024xf32, #tpu.memory_space<vmem>>, vector<1x16xf32>,
      } {sc.loop_unroll_factor = 8 : i64, sc.parallel_access}
    }
    %scan3A_345 = arith.constant 16 : i32
    %add3A_346 = arith.constant 2048 : i32
    %add3A_347 = arith.addi %add3A_346, %mul3A_2 : i32
    %add3A_348 = arith.constant 32 : i32
    %add3A_349 = arith.addi %add3A_347, %add3A_348 : i32
    %dma_start3A_350 = arith.constant 0 : i32
    %dma_start3A_351 = tpu.memref_slice %arg5[%add3A_349, %dma_start3A_350] : memref<8192x1024xf32, #tpu.memory_space<hbm>> -> memref<16x1024xf32, #tpu.memory_space<hbm>>
    %dma_start3A_352 = arith.constant 0 : i32
    %dma_start3A_353 = tpu.memref_slice %arg5[%add3A_349, %dma_start3A_352] : memref<8192x1024xf32, #tpu.memory_space<hbm>> -> memref<16x1024xf32, #tpu.memory_space<hbm>>
    tpu.enqueue_dma source(%arg7 : memref<16x1024xf32, #tpu.memory_space<vmem>>) target(%dma_start3A_353 : memref<16x1024xf32, #tpu.memory_space<hbm>>) target_semaphore(%arg15 : memref<!tpu.dma_semaphore, #tpu.memory_space<semaphore_mem>>)
    %dma_wait3A_354 = arith.constant 0 : i32
    %dma_wait3A_355 = tpu.memref_slice %arg5[%add3A_318, %dma_wait3A_354] : memref<8192x1024xf32, #tpu.memory_space<hbm>> -> memref<16x1024xf32, #tpu.memory_space<hbm>>
    %dma_wait3A_356 = arith.constant 0 : i32
    %dma_wait3A_357 = tpu.memref_slice %arg5[%add3A_318, %dma_wait3A_356] : memref<8192x1024xf32, #tpu.memory_space<hbm>> -> memref<16x1024xf32, #tpu.memory_space<hbm>>
    tpu.wait_dma2 semaphore(%arg17 : memref<!tpu.dma_semaphore, #tpu.memory_space<semaphore_mem>>) src(%arg9 : memref<16x1024xf32, #tpu.memory_space<vmem>>) dst(%dma_wait3A_357 : memref<16x1024xf32, #tpu.memory_space<hbm>>)
    %dma_start3A_358 = arith.constant 3 : i32
    %dma_start3A_359 = arith.constant 32 : i32
    %dma_start3A_360 = tpu.memref_slice %arg6[%dma_start3A_358, %dma_start3A_359] : memref<4x64xi32, #tpu.memory_space<vmem>> -> memref<1x16xi32, #tpu.memory_space<vmem>>
    %dma_start3A_361 = tpu.memref_squeeze %dma_start3A_360 : memref<1x16xi32, #tpu.memory_space<vmem>> -> memref<16xi32, #tpu.memory_space<vmem>>
    %dma_start3A_362 = arith.constant 0 : i32
    %dma_start3A_363 = arith.constant 0 : i32
    %dma_start3A_364 = tpu.memref_slice %arg3[%dma_start3A_362, %dma_start3A_363] : memref<100000x1024xf32, #tpu.memory_space<hbm>> -> memref<100000x1024xf32, #tpu.memory_space<hbm>>
    tpu.enqueue_indirect_dma source(%dma_start3A_364 : memref<100000x1024xf32, #tpu.memory_space<hbm>>) target(%arg9 : memref<16x1024xf32, #tpu.memory_space<vmem>>) offsets(%dma_start3A_361 : memref<16xi32, #tpu.memory_space<vmem>>) semaphore(%arg14 : memref<!tpu.dma_semaphore, #tpu.memory_space<semaphore_mem>>)
    %dma_wait3A_365 = arith.constant 2 : i32
    %dma_wait3A_366 = arith.constant 32 : i32
    %dma_wait3A_367 = tpu.memref_slice %arg6[%dma_wait3A_365, %dma_wait3A_366] : memref<4x64xi32, #tpu.memory_space<vmem>> -> memref<1x16xi32, #tpu.memory_space<vmem>>
    %dma_wait3A_368 = tpu.memref_squeeze %dma_wait3A_367 : memref<1x16xi32, #tpu.memory_space<vmem>> -> memref<16xi32, #tpu.memory_space<vmem>>
    %dma_wait3A_369 = arith.constant 0 : i32
    %dma_wait3A_370 = arith.constant 0 : i32
    %dma_wait3A_371 = tpu.memref_slice %arg3[%dma_wait3A_369, %dma_wait3A_370] : memref<100000x1024xf32, #tpu.memory_space<hbm>> -> memref<100000x1024xf32, #tpu.memory_space<hbm>>
    tpu.wait_indirect_dma semaphore(%arg13 : memref<!tpu.dma_semaphore, #tpu.memory_space<semaphore_mem>>) src(%dma_wait3A_371 : memref<100000x1024xf32, #tpu.memory_space<hbm>>) dst(%arg8 : memref<16x1024xf32, #tpu.memory_space<vmem>>)
    %scan3A_372 = arith.constant 0 : i32
    %scan3A_373 = arith.constant 16 : i32
    %scan3A_374 = arith.addi %scan3A_372, %scan3A_373 : i32
    %scan3A_375 = arith.constant 1 : i32
    scf.for %scan3A_545 = %scan3A_372 to %scan3A_374 step %scan3A_375  : i32 {
      %mul3A_546 = arith.constant 1 : i32
      %mul3A_547 = arith.muli %scan3A_545, %mul3A_546 : i32
      %add3A_548 = arith.constant 0 : i32
      %add3A_549 = arith.addi %add3A_548, %mul3A_547 : i32
      %parallel_loop3A = arith.constant 0 : i32
      %parallel_loop3A_550 = arith.constant 1024 : i32
      %parallel_loop3A_551 = arith.constant 16 : i32
      scf.for %parallel_loop3A_552 = %parallel_loop3A to %parallel_loop3A_550 step %parallel_loop3A_551  : i32 {
        %parallel_loop3A_553 = arith.index_cast %add3A_549 : i32 to index
        %parallel_loop3A_554 = arith.index_cast %parallel_loop3A_552 : i32 to index
        %parallel_loop3A_555 = tpu.vector_load %arg8[%parallel_loop3A_553, %parallel_loop3A_554] {strides = array<i32>} : memref<16x1024xf32, #tpu.memory_space<vmem>>, vector<1x16xf32>,
        %parallel_loop3A_556 = vector.shape_cast %parallel_loop3A_555 : vector<1x16xf32> to vector<16xf32>
        %parallel_loop3A_557 = arith.index_cast %add3A_549 : i32 to index
        %parallel_loop3A_558 = arith.index_cast %parallel_loop3A_552 : i32 to index
        %parallel_loop3A_559 = tpu.vector_load %arg10[%parallel_loop3A_557, %parallel_loop3A_558] {strides = array<i32>} : memref<16x1024xf32, #tpu.memory_space<vmem>>, vector<1x16xf32>,
        %parallel_loop3A_560 = vector.shape_cast %parallel_loop3A_559 : vector<1x16xf32> to vector<16xf32>
        %parallel_loop3A_561 = arith.addf %parallel_loop3A_556, %parallel_loop3A_560 : vector<16xf32>
        %parallel_loop3A_562 = arith.index_cast %add3A_549 : i32 to index
        %parallel_loop3A_563 = arith.index_cast %parallel_loop3A_552 : i32 to index
        %parallel_loop3A_564 = tpu.vector_load %arg8[%parallel_loop3A_562, %parallel_loop3A_563] {strides = array<i32>} : memref<16x1024xf32, #tpu.memory_space<vmem>>, vector<1x16xf32>,
        %parallel_loop3A_565 = vector.shape_cast %parallel_loop3A_564 : vector<1x16xf32> to vector<16xf32>
        %parallel_loop3A_566 = vector.shape_cast %parallel_loop3A_561 : vector<16xf32> to vector<1x16xf32>
        tpu.vector_store %arg8[%parallel_loop3A_562, %parallel_loop3A_563], %parallel_loop3A_566 {strides = array<i32>} : memref<16x1024xf32, #tpu.memory_space<vmem>>, vector<1x16xf32>,
      } {sc.loop_unroll_factor = 8 : i64, sc.parallel_access}
    }
    %scan3A_376 = arith.constant 16 : i32
    %add3A_377 = arith.constant 4096 : i32
    %add3A_378 = arith.addi %add3A_377, %mul3A_2 : i32
    %add3A_379 = arith.constant 32 : i32
    %add3A_380 = arith.addi %add3A_378, %add3A_379 : i32
    %dma_start3A_381 = arith.constant 0 : i32
    %dma_start3A_382 = tpu.memref_slice %arg5[%add3A_380, %dma_start3A_381] : memref<8192x1024xf32, #tpu.memory_space<hbm>> -> memref<16x1024xf32, #tpu.memory_space<hbm>>
    %dma_start3A_383 = arith.constant 0 : i32
    %dma_start3A_384 = tpu.memref_slice %arg5[%add3A_380, %dma_start3A_383] : memref<8192x1024xf32, #tpu.memory_space<hbm>> -> memref<16x1024xf32, #tpu.memory_space<hbm>>
    tpu.enqueue_dma source(%arg8 : memref<16x1024xf32, #tpu.memory_space<vmem>>) target(%dma_start3A_384 : memref<16x1024xf32, #tpu.memory_space<hbm>>) target_semaphore(%arg16 : memref<!tpu.dma_semaphore, #tpu.memory_space<semaphore_mem>>)
    %dma_wait3A_385 = arith.constant 0 : i32
    %dma_wait3A_386 = tpu.memref_slice %arg5[%add3A_349, %dma_wait3A_385] : memref<8192x1024xf32, #tpu.memory_space<hbm>> -> memref<16x1024xf32, #tpu.memory_space<hbm>>
    %dma_wait3A_387 = arith.constant 0 : i32
    %dma_wait3A_388 = tpu.memref_slice %arg5[%add3A_349, %dma_wait3A_387] : memref<8192x1024xf32, #tpu.memory_space<hbm>> -> memref<16x1024xf32, #tpu.memory_space<hbm>>
    tpu.wait_dma2 semaphore(%arg15 : memref<!tpu.dma_semaphore, #tpu.memory_space<semaphore_mem>>) src(%arg7 : memref<16x1024xf32, #tpu.memory_space<vmem>>) dst(%dma_wait3A_388 : memref<16x1024xf32, #tpu.memory_space<hbm>>)
    %dma_start3A_389 = arith.constant 0 : i32
    %dma_start3A_390 = arith.constant 48 : i32
    %dma_start3A_391 = tpu.memref_slice %arg6[%dma_start3A_389, %dma_start3A_390] : memref<4x64xi32, #tpu.memory_space<vmem>> -> memref<1x16xi32, #tpu.memory_space<vmem>>
    %dma_start3A_392 = tpu.memref_squeeze %dma_start3A_391 : memref<1x16xi32, #tpu.memory_space<vmem>> -> memref<16xi32, #tpu.memory_space<vmem>>
    %dma_start3A_393 = arith.constant 0 : i32
    %dma_start3A_394 = arith.constant 0 : i32
    %dma_start3A_395 = tpu.memref_slice %arg3[%dma_start3A_393, %dma_start3A_394] : memref<100000x1024xf32, #tpu.memory_space<hbm>> -> memref<100000x1024xf32, #tpu.memory_space<hbm>>
    tpu.enqueue_indirect_dma source(%dma_start3A_395 : memref<100000x1024xf32, #tpu.memory_space<hbm>>) target(%arg7 : memref<16x1024xf32, #tpu.memory_space<vmem>>) offsets(%dma_start3A_392 : memref<16xi32, #tpu.memory_space<vmem>>) semaphore(%arg12 : memref<!tpu.dma_semaphore, #tpu.memory_space<semaphore_mem>>)
    %dma_wait3A_396 = arith.constant 3 : i32
    %dma_wait3A_397 = arith.constant 32 : i32
    %dma_wait3A_398 = tpu.memref_slice %arg6[%dma_wait3A_396, %dma_wait3A_397] : memref<4x64xi32, #tpu.memory_space<vmem>> -> memref<1x16xi32, #tpu.memory_space<vmem>>
    %dma_wait3A_399 = tpu.memref_squeeze %dma_wait3A_398 : memref<1x16xi32, #tpu.memory_space<vmem>> -> memref<16xi32, #tpu.memory_space<vmem>>
    %dma_wait3A_400 = arith.constant 0 : i32
    %dma_wait3A_401 = arith.constant 0 : i32
    %dma_wait3A_402 = tpu.memref_slice %arg3[%dma_wait3A_400, %dma_wait3A_401] : memref<100000x1024xf32, #tpu.memory_space<hbm>> -> memref<100000x1024xf32, #tpu.memory_space<hbm>>
    tpu.wait_indirect_dma semaphore(%arg14 : memref<!tpu.dma_semaphore, #tpu.memory_space<semaphore_mem>>) src(%dma_wait3A_402 : memref<100000x1024xf32, #tpu.memory_space<hbm>>) dst(%arg9 : memref<16x1024xf32, #tpu.memory_space<vmem>>)
    %scan3A_403 = arith.constant 0 : i32
    %scan3A_404 = arith.constant 16 : i32
    %scan3A_405 = arith.addi %scan3A_403, %scan3A_404 : i32
    %scan3A_406 = arith.constant 1 : i32
    scf.for %scan3A_545 = %scan3A_403 to %scan3A_405 step %scan3A_406  : i32 {
      %mul3A_546 = arith.constant 1 : i32
      %mul3A_547 = arith.muli %scan3A_545, %mul3A_546 : i32
      %add3A_548 = arith.constant 0 : i32
      %add3A_549 = arith.addi %add3A_548, %mul3A_547 : i32
      %parallel_loop3A = arith.constant 0 : i32
      %parallel_loop3A_550 = arith.constant 1024 : i32
      %parallel_loop3A_551 = arith.constant 16 : i32
      scf.for %parallel_loop3A_552 = %parallel_loop3A to %parallel_loop3A_550 step %parallel_loop3A_551  : i32 {
        %parallel_loop3A_553 = arith.index_cast %add3A_549 : i32 to index
        %parallel_loop3A_554 = arith.index_cast %parallel_loop3A_552 : i32 to index
        %parallel_loop3A_555 = tpu.vector_load %arg9[%parallel_loop3A_553, %parallel_loop3A_554] {strides = array<i32>} : memref<16x1024xf32, #tpu.memory_space<vmem>>, vector<1x16xf32>,
        %parallel_loop3A_556 = vector.shape_cast %parallel_loop3A_555 : vector<1x16xf32> to vector<16xf32>
        %parallel_loop3A_557 = arith.index_cast %add3A_549 : i32 to index
        %parallel_loop3A_558 = arith.index_cast %parallel_loop3A_552 : i32 to index
        %parallel_loop3A_559 = tpu.vector_load %arg10[%parallel_loop3A_557, %parallel_loop3A_558] {strides = array<i32>} : memref<16x1024xf32, #tpu.memory_space<vmem>>, vector<1x16xf32>,
        %parallel_loop3A_560 = vector.shape_cast %parallel_loop3A_559 : vector<1x16xf32> to vector<16xf32>
        %parallel_loop3A_561 = arith.addf %parallel_loop3A_556, %parallel_loop3A_560 : vector<16xf32>
        %parallel_loop3A_562 = arith.index_cast %add3A_549 : i32 to index
        %parallel_loop3A_563 = arith.index_cast %parallel_loop3A_552 : i32 to index
        %parallel_loop3A_564 = tpu.vector_load %arg9[%parallel_loop3A_562, %parallel_loop3A_563] {strides = array<i32>} : memref<16x1024xf32, #tpu.memory_space<vmem>>, vector<1x16xf32>,
        %parallel_loop3A_565 = vector.shape_cast %parallel_loop3A_564 : vector<1x16xf32> to vector<16xf32>
        %parallel_loop3A_566 = vector.shape_cast %parallel_loop3A_561 : vector<16xf32> to vector<1x16xf32>
        tpu.vector_store %arg9[%parallel_loop3A_562, %parallel_loop3A_563], %parallel_loop3A_566 {strides = array<i32>} : memref<16x1024xf32, #tpu.memory_space<vmem>>, vector<1x16xf32>,
      } {sc.loop_unroll_factor = 8 : i64, sc.parallel_access}
    }
    %scan3A_407 = arith.constant 16 : i32
    %add3A_408 = arith.constant 6144 : i32
    %add3A_409 = arith.addi %add3A_408, %mul3A_2 : i32
    %add3A_410 = arith.constant 32 : i32
    %add3A_411 = arith.addi %add3A_409, %add3A_410 : i32
    %dma_start3A_412 = arith.constant 0 : i32
    %dma_start3A_413 = tpu.memref_slice %arg5[%add3A_411, %dma_start3A_412] : memref<8192x1024xf32, #tpu.memory_space<hbm>> -> memref<16x1024xf32, #tpu.memory_space<hbm>>
    %dma_start3A_414 = arith.constant 0 : i32
    %dma_start3A_415 = tpu.memref_slice %arg5[%add3A_411, %dma_start3A_414] : memref<8192x1024xf32, #tpu.memory_space<hbm>> -> memref<16x1024xf32, #tpu.memory_space<hbm>>
    tpu.enqueue_dma source(%arg9 : memref<16x1024xf32, #tpu.memory_space<vmem>>) target(%dma_start3A_415 : memref<16x1024xf32, #tpu.memory_space<hbm>>) target_semaphore(%arg17 : memref<!tpu.dma_semaphore, #tpu.memory_space<semaphore_mem>>)
    %dma_wait3A_416 = arith.constant 0 : i32
    %dma_wait3A_417 = tpu.memref_slice %arg5[%add3A_380, %dma_wait3A_416] : memref<8192x1024xf32, #tpu.memory_space<hbm>> -> memref<16x1024xf32, #tpu.memory_space<hbm>>
    %dma_wait3A_418 = arith.constant 0 : i32
    %dma_wait3A_419 = tpu.memref_slice %arg5[%add3A_380, %dma_wait3A_418] : memref<8192x1024xf32, #tpu.memory_space<hbm>> -> memref<16x1024xf32, #tpu.memory_space<hbm>>
    tpu.wait_dma2 semaphore(%arg16 : memref<!tpu.dma_semaphore, #tpu.memory_space<semaphore_mem>>) src(%arg8 : memref<16x1024xf32, #tpu.memory_space<vmem>>) dst(%dma_wait3A_419 : memref<16x1024xf32, #tpu.memory_space<hbm>>)
    %dma_start3A_420 = arith.constant 1 : i32
    %dma_start3A_421 = arith.constant 48 : i32
    %dma_start3A_422 = tpu.memref_slice %arg6[%dma_start3A_420, %dma_start3A_421] : memref<4x64xi32, #tpu.memory_space<vmem>> -> memref<1x16xi32, #tpu.memory_space<vmem>>
    %dma_start3A_423 = tpu.memref_squeeze %dma_start3A_422 : memref<1x16xi32, #tpu.memory_space<vmem>> -> memref<16xi32, #tpu.memory_space<vmem>>
    %dma_start3A_424 = arith.constant 0 : i32
    %dma_start3A_425 = arith.constant 0 : i32
    %dma_start3A_426 = tpu.memref_slice %arg3[%dma_start3A_424, %dma_start3A_425] : memref<100000x1024xf32, #tpu.memory_space<hbm>> -> memref<100000x1024xf32, #tpu.memory_space<hbm>>
    tpu.enqueue_indirect_dma source(%dma_start3A_426 : memref<100000x1024xf32, #tpu.memory_space<hbm>>) target(%arg8 : memref<16x1024xf32, #tpu.memory_space<vmem>>) offsets(%dma_start3A_423 : memref<16xi32, #tpu.memory_space<vmem>>) semaphore(%arg13 : memref<!tpu.dma_semaphore, #tpu.memory_space<semaphore_mem>>)
    %dma_wait3A_427 = arith.constant 0 : i32
    %dma_wait3A_428 = tpu.memref_slice %arg4[%add3A_298, %dma_wait3A_427] : memref<2048x1024xf32, #tpu.memory_space<hbm>> -> memref<16x1024xf32, #tpu.memory_space<hbm>>
    %dma_wait3A_429 = arith.constant 0 : i32
    %dma_wait3A_430 = tpu.memref_slice %arg4[%add3A_298, %dma_wait3A_429] : memref<2048x1024xf32, #tpu.memory_space<hbm>> -> memref<16x1024xf32, #tpu.memory_space<hbm>>
    tpu.wait_dma2 semaphore(%arg19 : memref<!tpu.dma_semaphore, #tpu.memory_space<semaphore_mem>>) src(%dma_wait3A_430 : memref<16x1024xf32, #tpu.memory_space<hbm>>) dst(%arg11 : memref<16x1024xf32, #tpu.memory_space<vmem>>)
    %dma_wait3A_431 = arith.constant 0 : i32
    %dma_wait3A_432 = arith.constant 48 : i32
    %dma_wait3A_433 = tpu.memref_slice %arg6[%dma_wait3A_431, %dma_wait3A_432] : memref<4x64xi32, #tpu.memory_space<vmem>> -> memref<1x16xi32, #tpu.memory_space<vmem>>
    %dma_wait3A_434 = tpu.memref_squeeze %dma_wait3A_433 : memref<1x16xi32, #tpu.memory_space<vmem>> -> memref<16xi32, #tpu.memory_space<vmem>>
    %dma_wait3A_435 = arith.constant 0 : i32
    %dma_wait3A_436 = arith.constant 0 : i32
    %dma_wait3A_437 = tpu.memref_slice %arg3[%dma_wait3A_435, %dma_wait3A_436] : memref<100000x1024xf32, #tpu.memory_space<hbm>> -> memref<100000x1024xf32, #tpu.memory_space<hbm>>
    tpu.wait_indirect_dma semaphore(%arg12 : memref<!tpu.dma_semaphore, #tpu.memory_space<semaphore_mem>>) src(%dma_wait3A_437 : memref<100000x1024xf32, #tpu.memory_space<hbm>>) dst(%arg7 : memref<16x1024xf32, #tpu.memory_space<vmem>>)
    %scan3A_438 = arith.constant 0 : i32
    %scan3A_439 = arith.constant 16 : i32
    %scan3A_440 = arith.addi %scan3A_438, %scan3A_439 : i32
    %scan3A_441 = arith.constant 1 : i32
    scf.for %scan3A_545 = %scan3A_438 to %scan3A_440 step %scan3A_441  : i32 {
      %mul3A_546 = arith.constant 1 : i32
      %mul3A_547 = arith.muli %scan3A_545, %mul3A_546 : i32
      %add3A_548 = arith.constant 0 : i32
      %add3A_549 = arith.addi %add3A_548, %mul3A_547 : i32
      %parallel_loop3A = arith.constant 0 : i32
      %parallel_loop3A_550 = arith.constant 1024 : i32
      %parallel_loop3A_551 = arith.constant 16 : i32
      scf.for %parallel_loop3A_552 = %parallel_loop3A to %parallel_loop3A_550 step %parallel_loop3A_551  : i32 {
        %parallel_loop3A_553 = arith.index_cast %add3A_549 : i32 to index
        %parallel_loop3A_554 = arith.index_cast %parallel_loop3A_552 : i32 to index
        %parallel_loop3A_555 = tpu.vector_load %arg7[%parallel_loop3A_553, %parallel_loop3A_554] {strides = array<i32>} : memref<16x1024xf32, #tpu.memory_space<vmem>>, vector<1x16xf32>,
        %parallel_loop3A_556 = vector.shape_cast %parallel_loop3A_555 : vector<1x16xf32> to vector<16xf32>
        %parallel_loop3A_557 = arith.index_cast %add3A_549 : i32 to index
        %parallel_loop3A_558 = arith.index_cast %parallel_loop3A_552 : i32 to index
        %parallel_loop3A_559 = tpu.vector_load %arg11[%parallel_loop3A_557, %parallel_loop3A_558] {strides = array<i32>} : memref<16x1024xf32, #tpu.memory_space<vmem>>, vector<1x16xf32>,
        %parallel_loop3A_560 = vector.shape_cast %parallel_loop3A_559 : vector<1x16xf32> to vector<16xf32>
        %parallel_loop3A_561 = arith.addf %parallel_loop3A_556, %parallel_loop3A_560 : vector<16xf32>
        %parallel_loop3A_562 = arith.index_cast %add3A_549 : i32 to index
        %parallel_loop3A_563 = arith.index_cast %parallel_loop3A_552 : i32 to index
        %parallel_loop3A_564 = tpu.vector_load %arg7[%parallel_loop3A_562, %parallel_loop3A_563] {strides = array<i32>} : memref<16x1024xf32, #tpu.memory_space<vmem>>, vector<1x16xf32>,
        %parallel_loop3A_565 = vector.shape_cast %parallel_loop3A_564 : vector<1x16xf32> to vector<16xf32>
        %parallel_loop3A_566 = vector.shape_cast %parallel_loop3A_561 : vector<16xf32> to vector<1x16xf32>
        tpu.vector_store %arg7[%parallel_loop3A_562, %parallel_loop3A_563], %parallel_loop3A_566 {strides = array<i32>} : memref<16x1024xf32, #tpu.memory_space<vmem>>, vector<1x16xf32>,
      } {sc.loop_unroll_factor = 8 : i64, sc.parallel_access}
    }
    %scan3A_442 = arith.constant 16 : i32
    %add3A_443 = arith.constant 0 : i32
    %add3A_444 = arith.addi %add3A_443, %mul3A_2 : i32
    %add3A_445 = arith.constant 48 : i32
    %add3A_446 = arith.addi %add3A_444, %add3A_445 : i32
    %dma_start3A_447 = arith.constant 0 : i32
    %dma_start3A_448 = tpu.memref_slice %arg5[%add3A_446, %dma_start3A_447] : memref<8192x1024xf32, #tpu.memory_space<hbm>> -> memref<16x1024xf32, #tpu.memory_space<hbm>>
    %dma_start3A_449 = arith.constant 0 : i32
    %dma_start3A_450 = tpu.memref_slice %arg5[%add3A_446, %dma_start3A_449] : memref<8192x1024xf32, #tpu.memory_space<hbm>> -> memref<16x1024xf32, #tpu.memory_space<hbm>>
    tpu.enqueue_dma source(%arg7 : memref<16x1024xf32, #tpu.memory_space<vmem>>) target(%dma_start3A_450 : memref<16x1024xf32, #tpu.memory_space<hbm>>) target_semaphore(%arg15 : memref<!tpu.dma_semaphore, #tpu.memory_space<semaphore_mem>>)
    %dma_wait3A_451 = arith.constant 0 : i32
    %dma_wait3A_452 = tpu.memref_slice %arg5[%add3A_411, %dma_wait3A_451] : memref<8192x1024xf32, #tpu.memory_space<hbm>> -> memref<16x1024xf32, #tpu.memory_space<hbm>>
    %dma_wait3A_453 = arith.constant 0 : i32
    %dma_wait3A_454 = tpu.memref_slice %arg5[%add3A_411, %dma_wait3A_453] : memref<8192x1024xf32, #tpu.memory_space<hbm>> -> memref<16x1024xf32, #tpu.memory_space<hbm>>
    tpu.wait_dma2 semaphore(%arg17 : memref<!tpu.dma_semaphore, #tpu.memory_space<semaphore_mem>>) src(%arg9 : memref<16x1024xf32, #tpu.memory_space<vmem>>) dst(%dma_wait3A_454 : memref<16x1024xf32, #tpu.memory_space<hbm>>)
    %dma_start3A_455 = arith.constant 2 : i32
    %dma_start3A_456 = arith.constant 48 : i32
    %dma_start3A_457 = tpu.memref_slice %arg6[%dma_start3A_455, %dma_start3A_456] : memref<4x64xi32, #tpu.memory_space<vmem>> -> memref<1x16xi32, #tpu.memory_space<vmem>>
    %dma_start3A_458 = tpu.memref_squeeze %dma_start3A_457 : memref<1x16xi32, #tpu.memory_space<vmem>> -> memref<16xi32, #tpu.memory_space<vmem>>
    %dma_start3A_459 = arith.constant 0 : i32
    %dma_start3A_460 = arith.constant 0 : i32
    %dma_start3A_461 = tpu.memref_slice %arg3[%dma_start3A_459, %dma_start3A_460] : memref<100000x1024xf32, #tpu.memory_space<hbm>> -> memref<100000x1024xf32, #tpu.memory_space<hbm>>
    tpu.enqueue_indirect_dma source(%dma_start3A_461 : memref<100000x1024xf32, #tpu.memory_space<hbm>>) target(%arg9 : memref<16x1024xf32, #tpu.memory_space<vmem>>) offsets(%dma_start3A_458 : memref<16xi32, #tpu.memory_space<vmem>>) semaphore(%arg14 : memref<!tpu.dma_semaphore, #tpu.memory_space<semaphore_mem>>)
    %dma_wait3A_462 = arith.constant 1 : i32
    %dma_wait3A_463 = arith.constant 48 : i32
    %dma_wait3A_464 = tpu.memref_slice %arg6[%dma_wait3A_462, %dma_wait3A_463] : memref<4x64xi32, #tpu.memory_space<vmem>> -> memref<1x16xi32, #tpu.memory_space<vmem>>
    %dma_wait3A_465 = tpu.memref_squeeze %dma_wait3A_464 : memref<1x16xi32, #tpu.memory_space<vmem>> -> memref<16xi32, #tpu.memory_space<vmem>>
    %dma_wait3A_466 = arith.constant 0 : i32
    %dma_wait3A_467 = arith.constant 0 : i32
    %dma_wait3A_468 = tpu.memref_slice %arg3[%dma_wait3A_466, %dma_wait3A_467] : memref<100000x1024xf32, #tpu.memory_space<hbm>> -> memref<100000x1024xf32, #tpu.memory_space<hbm>>
    tpu.wait_indirect_dma semaphore(%arg13 : memref<!tpu.dma_semaphore, #tpu.memory_space<semaphore_mem>>) src(%dma_wait3A_468 : memref<100000x1024xf32, #tpu.memory_space<hbm>>) dst(%arg8 : memref<16x1024xf32, #tpu.memory_space<vmem>>)
    %scan3A_469 = arith.constant 0 : i32
    %scan3A_470 = arith.constant 16 : i32
    %scan3A_471 = arith.addi %scan3A_469, %scan3A_470 : i32
    %scan3A_472 = arith.constant 1 : i32
    scf.for %scan3A_545 = %scan3A_469 to %scan3A_471 step %scan3A_472  : i32 {
      %mul3A_546 = arith.constant 1 : i32
      %mul3A_547 = arith.muli %scan3A_545, %mul3A_546 : i32
      %add3A_548 = arith.constant 0 : i32
      %add3A_549 = arith.addi %add3A_548, %mul3A_547 : i32
      %parallel_loop3A = arith.constant 0 : i32
      %parallel_loop3A_550 = arith.constant 1024 : i32
      %parallel_loop3A_551 = arith.constant 16 : i32
      scf.for %parallel_loop3A_552 = %parallel_loop3A to %parallel_loop3A_550 step %parallel_loop3A_551  : i32 {
        %parallel_loop3A_553 = arith.index_cast %add3A_549 : i32 to index
        %parallel_loop3A_554 = arith.index_cast %parallel_loop3A_552 : i32 to index
        %parallel_loop3A_555 = tpu.vector_load %arg8[%parallel_loop3A_553, %parallel_loop3A_554] {strides = array<i32>} : memref<16x1024xf32, #tpu.memory_space<vmem>>, vector<1x16xf32>,
        %parallel_loop3A_556 = vector.shape_cast %parallel_loop3A_555 : vector<1x16xf32> to vector<16xf32>
        %parallel_loop3A_557 = arith.index_cast %add3A_549 : i32 to index
        %parallel_loop3A_558 = arith.index_cast %parallel_loop3A_552 : i32 to index
        %parallel_loop3A_559 = tpu.vector_load %arg11[%parallel_loop3A_557, %parallel_loop3A_558] {strides = array<i32>} : memref<16x1024xf32, #tpu.memory_space<vmem>>, vector<1x16xf32>,
        %parallel_loop3A_560 = vector.shape_cast %parallel_loop3A_559 : vector<1x16xf32> to vector<16xf32>
        %parallel_loop3A_561 = arith.addf %parallel_loop3A_556, %parallel_loop3A_560 : vector<16xf32>
        %parallel_loop3A_562 = arith.index_cast %add3A_549 : i32 to index
        %parallel_loop3A_563 = arith.index_cast %parallel_loop3A_552 : i32 to index
        %parallel_loop3A_564 = tpu.vector_load %arg8[%parallel_loop3A_562, %parallel_loop3A_563] {strides = array<i32>} : memref<16x1024xf32, #tpu.memory_space<vmem>>, vector<1x16xf32>,
        %parallel_loop3A_565 = vector.shape_cast %parallel_loop3A_564 : vector<1x16xf32> to vector<16xf32>
        %parallel_loop3A_566 = vector.shape_cast %parallel_loop3A_561 : vector<16xf32> to vector<1x16xf32>
        tpu.vector_store %arg8[%parallel_loop3A_562, %parallel_loop3A_563], %parallel_loop3A_566 {strides = array<i32>} : memref<16x1024xf32, #tpu.memory_space<vmem>>, vector<1x16xf32>,
      } {sc.loop_unroll_factor = 8 : i64, sc.parallel_access}
    }
    %scan3A_473 = arith.constant 16 : i32
    %add3A_474 = arith.constant 2048 : i32
    %add3A_475 = arith.addi %add3A_474, %mul3A_2 : i32
    %add3A_476 = arith.constant 48 : i32
    %add3A_477 = arith.addi %add3A_475, %add3A_476 : i32
    %dma_start3A_478 = arith.constant 0 : i32
    %dma_start3A_479 = tpu.memref_slice %arg5[%add3A_477, %dma_start3A_478] : memref<8192x1024xf32, #tpu.memory_space<hbm>> -> memref<16x1024xf32, #tpu.memory_space<hbm>>
    %dma_start3A_480 = arith.constant 0 : i32
    %dma_start3A_481 = tpu.memref_slice %arg5[%add3A_477, %dma_start3A_480] : memref<8192x1024xf32, #tpu.memory_space<hbm>> -> memref<16x1024xf32, #tpu.memory_space<hbm>>
    tpu.enqueue_dma source(%arg8 : memref<16x1024xf32, #tpu.memory_space<vmem>>) target(%dma_start3A_481 : memref<16x1024xf32, #tpu.memory_space<hbm>>) target_semaphore(%arg16 : memref<!tpu.dma_semaphore, #tpu.memory_space<semaphore_mem>>)
    %dma_wait3A_482 = arith.constant 0 : i32
    %dma_wait3A_483 = tpu.memref_slice %arg5[%add3A_446, %dma_wait3A_482] : memref<8192x1024xf32, #tpu.memory_space<hbm>> -> memref<16x1024xf32, #tpu.memory_space<hbm>>
    %dma_wait3A_484 = arith.constant 0 : i32
    %dma_wait3A_485 = tpu.memref_slice %arg5[%add3A_446, %dma_wait3A_484] : memref<8192x1024xf32, #tpu.memory_space<hbm>> -> memref<16x1024xf32, #tpu.memory_space<hbm>>
    tpu.wait_dma2 semaphore(%arg15 : memref<!tpu.dma_semaphore, #tpu.memory_space<semaphore_mem>>) src(%arg7 : memref<16x1024xf32, #tpu.memory_space<vmem>>) dst(%dma_wait3A_485 : memref<16x1024xf32, #tpu.memory_space<hbm>>)
    %dma_start3A_486 = arith.constant 3 : i32
    %dma_start3A_487 = arith.constant 48 : i32
    %dma_start3A_488 = tpu.memref_slice %arg6[%dma_start3A_486, %dma_start3A_487] : memref<4x64xi32, #tpu.memory_space<vmem>> -> memref<1x16xi32, #tpu.memory_space<vmem>>
    %dma_start3A_489 = tpu.memref_squeeze %dma_start3A_488 : memref<1x16xi32, #tpu.memory_space<vmem>> -> memref<16xi32, #tpu.memory_space<vmem>>
    %dma_start3A_490 = arith.constant 0 : i32
    %dma_start3A_491 = arith.constant 0 : i32
    %dma_start3A_492 = tpu.memref_slice %arg3[%dma_start3A_490, %dma_start3A_491] : memref<100000x1024xf32, #tpu.memory_space<hbm>> -> memref<100000x1024xf32, #tpu.memory_space<hbm>>
    tpu.enqueue_indirect_dma source(%dma_start3A_492 : memref<100000x1024xf32, #tpu.memory_space<hbm>>) target(%arg7 : memref<16x1024xf32, #tpu.memory_space<vmem>>) offsets(%dma_start3A_489 : memref<16xi32, #tpu.memory_space<vmem>>) semaphore(%arg12 : memref<!tpu.dma_semaphore, #tpu.memory_space<semaphore_mem>>)
    %dma_wait3A_493 = arith.constant 2 : i32
    %dma_wait3A_494 = arith.constant 48 : i32
    %dma_wait3A_495 = tpu.memref_slice %arg6[%dma_wait3A_493, %dma_wait3A_494] : memref<4x64xi32, #tpu.memory_space<vmem>> -> memref<1x16xi32, #tpu.memory_space<vmem>>
    %dma_wait3A_496 = tpu.memref_squeeze %dma_wait3A_495 : memref<1x16xi32, #tpu.memory_space<vmem>> -> memref<16xi32, #tpu.memory_space<vmem>>
    %dma_wait3A_497 = arith.constant 0 : i32
    %dma_wait3A_498 = arith.constant 0 : i32
    %dma_wait3A_499 = tpu.memref_slice %arg3[%dma_wait3A_497, %dma_wait3A_498] : memref<100000x1024xf32, #tpu.memory_space<hbm>> -> memref<100000x1024xf32, #tpu.memory_space<hbm>>
    tpu.wait_indirect_dma semaphore(%arg14 : memref<!tpu.dma_semaphore, #tpu.memory_space<semaphore_mem>>) src(%dma_wait3A_499 : memref<100000x1024xf32, #tpu.memory_space<hbm>>) dst(%arg9 : memref<16x1024xf32, #tpu.memory_space<vmem>>)
    %scan3A_500 = arith.constant 0 : i32
    %scan3A_501 = arith.constant 16 : i32
    %scan3A_502 = arith.addi %scan3A_500, %scan3A_501 : i32
    %scan3A_503 = arith.constant 1 : i32
    scf.for %scan3A_545 = %scan3A_500 to %scan3A_502 step %scan3A_503  : i32 {
      %mul3A_546 = arith.constant 1 : i32
      %mul3A_547 = arith.muli %scan3A_545, %mul3A_546 : i32
      %add3A_548 = arith.constant 0 : i32
      %add3A_549 = arith.addi %add3A_548, %mul3A_547 : i32
      %parallel_loop3A = arith.constant 0 : i32
      %parallel_loop3A_550 = arith.constant 1024 : i32
      %parallel_loop3A_551 = arith.constant 16 : i32
      scf.for %parallel_loop3A_552 = %parallel_loop3A to %parallel_loop3A_550 step %parallel_loop3A_551  : i32 {
        %parallel_loop3A_553 = arith.index_cast %add3A_549 : i32 to index
        %parallel_loop3A_554 = arith.index_cast %parallel_loop3A_552 : i32 to index
        %parallel_loop3A_555 = tpu.vector_load %arg9[%parallel_loop3A_553, %parallel_loop3A_554] {strides = array<i32>} : memref<16x1024xf32, #tpu.memory_space<vmem>>, vector<1x16xf32>,
        %parallel_loop3A_556 = vector.shape_cast %parallel_loop3A_555 : vector<1x16xf32> to vector<16xf32>
        %parallel_loop3A_557 = arith.index_cast %add3A_549 : i32 to index
        %parallel_loop3A_558 = arith.index_cast %parallel_loop3A_552 : i32 to index
        %parallel_loop3A_559 = tpu.vector_load %arg11[%parallel_loop3A_557, %parallel_loop3A_558] {strides = array<i32>} : memref<16x1024xf32, #tpu.memory_space<vmem>>, vector<1x16xf32>,
        %parallel_loop3A_560 = vector.shape_cast %parallel_loop3A_559 : vector<1x16xf32> to vector<16xf32>
        %parallel_loop3A_561 = arith.addf %parallel_loop3A_556, %parallel_loop3A_560 : vector<16xf32>
        %parallel_loop3A_562 = arith.index_cast %add3A_549 : i32 to index
        %parallel_loop3A_563 = arith.index_cast %parallel_loop3A_552 : i32 to index
        %parallel_loop3A_564 = tpu.vector_load %arg9[%parallel_loop3A_562, %parallel_loop3A_563] {strides = array<i32>} : memref<16x1024xf32, #tpu.memory_space<vmem>>, vector<1x16xf32>,
        %parallel_loop3A_565 = vector.shape_cast %parallel_loop3A_564 : vector<1x16xf32> to vector<16xf32>
        %parallel_loop3A_566 = vector.shape_cast %parallel_loop3A_561 : vector<16xf32> to vector<1x16xf32>
        tpu.vector_store %arg9[%parallel_loop3A_562, %parallel_loop3A_563], %parallel_loop3A_566 {strides = array<i32>} : memref<16x1024xf32, #tpu.memory_space<vmem>>, vector<1x16xf32>,
      } {sc.loop_unroll_factor = 8 : i64, sc.parallel_access}
    }
    %scan3A_504 = arith.constant 16 : i32
    %add3A_505 = arith.constant 4096 : i32
    %add3A_506 = arith.addi %add3A_505, %mul3A_2 : i32
    %add3A_507 = arith.constant 48 : i32
    %add3A_508 = arith.addi %add3A_506, %add3A_507 : i32
    %dma_start3A_509 = arith.constant 0 : i32
    %dma_start3A_510 = tpu.memref_slice %arg5[%add3A_508, %dma_start3A_509] : memref<8192x1024xf32, #tpu.memory_space<hbm>> -> memref<16x1024xf32, #tpu.memory_space<hbm>>
    %dma_start3A_511 = arith.constant 0 : i32
    %dma_start3A_512 = tpu.memref_slice %arg5[%add3A_508, %dma_start3A_511] : memref<8192x1024xf32, #tpu.memory_space<hbm>> -> memref<16x1024xf32, #tpu.memory_space<hbm>>
    tpu.enqueue_dma source(%arg9 : memref<16x1024xf32, #tpu.memory_space<vmem>>) target(%dma_start3A_512 : memref<16x1024xf32, #tpu.memory_space<hbm>>) target_semaphore(%arg17 : memref<!tpu.dma_semaphore, #tpu.memory_space<semaphore_mem>>)
    %dma_wait3A_513 = arith.constant 3 : i32
    %dma_wait3A_514 = arith.constant 48 : i32
    %dma_wait3A_515 = tpu.memref_slice %arg6[%dma_wait3A_513, %dma_wait3A_514] : memref<4x64xi32, #tpu.memory_space<vmem>> -> memref<1x16xi32, #tpu.memory_space<vmem>>
    %dma_wait3A_516 = tpu.memref_squeeze %dma_wait3A_515 : memref<1x16xi32, #tpu.memory_space<vmem>> -> memref<16xi32, #tpu.memory_space<vmem>>
    %dma_wait3A_517 = arith.constant 0 : i32
    %dma_wait3A_518 = arith.constant 0 : i32
    %dma_wait3A_519 = tpu.memref_slice %arg3[%dma_wait3A_517, %dma_wait3A_518] : memref<100000x1024xf32, #tpu.memory_space<hbm>> -> memref<100000x1024xf32, #tpu.memory_space<hbm>>
    tpu.wait_indirect_dma semaphore(%arg12 : memref<!tpu.dma_semaphore, #tpu.memory_space<semaphore_mem>>) src(%dma_wait3A_519 : memref<100000x1024xf32, #tpu.memory_space<hbm>>) dst(%arg7 : memref<16x1024xf32, #tpu.memory_space<vmem>>)
    %scan3A_520 = arith.constant 0 : i32
    %scan3A_521 = arith.constant 16 : i32
    %scan3A_522 = arith.addi %scan3A_520, %scan3A_521 : i32
    %scan3A_523 = arith.constant 1 : i32
    scf.for %scan3A_545 = %scan3A_520 to %scan3A_522 step %scan3A_523  : i32 {
      %mul3A_546 = arith.constant 1 : i32
      %mul3A_547 = arith.muli %scan3A_545, %mul3A_546 : i32
      %add3A_548 = arith.constant 0 : i32
      %add3A_549 = arith.addi %add3A_548, %mul3A_547 : i32
      %parallel_loop3A = arith.constant 0 : i32
      %parallel_loop3A_550 = arith.constant 1024 : i32
      %parallel_loop3A_551 = arith.constant 16 : i32
      scf.for %parallel_loop3A_552 = %parallel_loop3A to %parallel_loop3A_550 step %parallel_loop3A_551  : i32 {
        %parallel_loop3A_553 = arith.index_cast %add3A_549 : i32 to index
        %parallel_loop3A_554 = arith.index_cast %parallel_loop3A_552 : i32 to index
        %parallel_loop3A_555 = tpu.vector_load %arg7[%parallel_loop3A_553, %parallel_loop3A_554] {strides = array<i32>} : memref<16x1024xf32, #tpu.memory_space<vmem>>, vector<1x16xf32>,
        %parallel_loop3A_556 = vector.shape_cast %parallel_loop3A_555 : vector<1x16xf32> to vector<16xf32>
        %parallel_loop3A_557 = arith.index_cast %add3A_549 : i32 to index
        %parallel_loop3A_558 = arith.index_cast %parallel_loop3A_552 : i32 to index
        %parallel_loop3A_559 = tpu.vector_load %arg11[%parallel_loop3A_557, %parallel_loop3A_558] {strides = array<i32>} : memref<16x1024xf32, #tpu.memory_space<vmem>>, vector<1x16xf32>,
        %parallel_loop3A_560 = vector.shape_cast %parallel_loop3A_559 : vector<1x16xf32> to vector<16xf32>
        %parallel_loop3A_561 = arith.addf %parallel_loop3A_556, %parallel_loop3A_560 : vector<16xf32>
        %parallel_loop3A_562 = arith.index_cast %add3A_549 : i32 to index
        %parallel_loop3A_563 = arith.index_cast %parallel_loop3A_552 : i32 to index
        %parallel_loop3A_564 = tpu.vector_load %arg7[%parallel_loop3A_562, %parallel_loop3A_563] {strides = array<i32>} : memref<16x1024xf32, #tpu.memory_space<vmem>>, vector<1x16xf32>,
        %parallel_loop3A_565 = vector.shape_cast %parallel_loop3A_564 : vector<1x16xf32> to vector<16xf32>
        %parallel_loop3A_566 = vector.shape_cast %parallel_loop3A_561 : vector<16xf32> to vector<1x16xf32>
        tpu.vector_store %arg7[%parallel_loop3A_562, %parallel_loop3A_563], %parallel_loop3A_566 {strides = array<i32>} : memref<16x1024xf32, #tpu.memory_space<vmem>>, vector<1x16xf32>,
      } {sc.loop_unroll_factor = 8 : i64, sc.parallel_access}
    }
    %scan3A_524 = arith.constant 16 : i32
    %add3A_525 = arith.constant 6144 : i32
    %add3A_526 = arith.addi %add3A_525, %mul3A_2 : i32
    %add3A_527 = arith.constant 48 : i32
    %add3A_528 = arith.addi %add3A_526, %add3A_527 : i32
    %dma_start3A_529 = arith.constant 0 : i32
    %dma_start3A_530 = tpu.memref_slice %arg5[%add3A_528, %dma_start3A_529] : memref<8192x1024xf32, #tpu.memory_space<hbm>> -> memref<16x1024xf32, #tpu.memory_space<hbm>>
    %dma_start3A_531 = arith.constant 0 : i32
    %dma_start3A_532 = tpu.memref_slice %arg5[%add3A_528, %dma_start3A_531] : memref<8192x1024xf32, #tpu.memory_space<hbm>> -> memref<16x1024xf32, #tpu.memory_space<hbm>>
    tpu.enqueue_dma source(%arg7 : memref<16x1024xf32, #tpu.memory_space<vmem>>) target(%dma_start3A_532 : memref<16x1024xf32, #tpu.memory_space<hbm>>) target_semaphore(%arg15 : memref<!tpu.dma_semaphore, #tpu.memory_space<semaphore_mem>>)
    %dma_wait3A_533 = arith.constant 0 : i32
    %dma_wait3A_534 = tpu.memref_slice %arg5[%add3A_477, %dma_wait3A_533] : memref<8192x1024xf32, #tpu.memory_space<hbm>> -> memref<16x1024xf32, #tpu.memory_space<hbm>>
    %dma_wait3A_535 = arith.constant 0 : i32
    %dma_wait3A_536 = tpu.memref_slice %arg5[%add3A_477, %dma_wait3A_535] : memref<8192x1024xf32, #tpu.memory_space<hbm>> -> memref<16x1024xf32, #tpu.memory_space<hbm>>
    tpu.wait_dma2 semaphore(%arg16 : memref<!tpu.dma_semaphore, #tpu.memory_space<semaphore_mem>>) src(%arg8 : memref<16x1024xf32, #tpu.memory_space<vmem>>) dst(%dma_wait3A_536 : memref<16x1024xf32, #tpu.memory_space<hbm>>)
    %dma_wait3A_537 = arith.constant 0 : i32
    %dma_wait3A_538 = tpu.memref_slice %arg5[%add3A_508, %dma_wait3A_537] : memref<8192x1024xf32, #tpu.memory_space<hbm>> -> memref<16x1024xf32, #tpu.memory_space<hbm>>
    %dma_wait3A_539 = arith.constant 0 : i32
    %dma_wait3A_540 = tpu.memref_slice %arg5[%add3A_508, %dma_wait3A_539] : memref<8192x1024xf32, #tpu.memory_space<hbm>> -> memref<16x1024xf32, #tpu.memory_space<hbm>>
    tpu.wait_dma2 semaphore(%arg17 : memref<!tpu.dma_semaphore, #tpu.memory_space<semaphore_mem>>) src(%arg9 : memref<16x1024xf32, #tpu.memory_space<vmem>>) dst(%dma_wait3A_540 : memref<16x1024xf32, #tpu.memory_space<hbm>>)
    %dma_wait3A_541 = arith.constant 0 : i32
    %dma_wait3A_542 = tpu.memref_slice %arg5[%add3A_528, %dma_wait3A_541] : memref<8192x1024xf32, #tpu.memory_space<hbm>> -> memref<16x1024xf32, #tpu.memory_space<hbm>>
    %dma_wait3A_543 = arith.constant 0 : i32
    %dma_wait3A_544 = tpu.memref_slice %arg5[%add3A_528, %dma_wait3A_543] : memref<8192x1024xf32, #tpu.memory_space<hbm>> -> memref<16x1024xf32, #tpu.memory_space<hbm>>
    tpu.wait_dma2 semaphore(%arg15 : memref<!tpu.dma_semaphore, #tpu.memory_space<semaphore_mem>>) src(%arg7 : memref<16x1024xf32, #tpu.memory_space<vmem>>) dst(%dma_wait3A_544 : memref<16x1024xf32, #tpu.memory_space<hbm>>)
    return
  }
}

</mosaic_0001>

<sc_bundles>
// kernel: kernel.3.cloned.1.call-start
scs
__scs_entry_jumppad:
0x0: {  	(pc) =	sbr.rel $0x88, $3  }
0x1: {  	(tag) =	ssettag $0x0;
	lr =	simm.s32 $0x1  }
0x2: {  	[smem:$0x3F9E] =	sst lr;
	_ =	strace $0xD0000000  }
0x3: {  	_ = 	snop  }
0x4: {  	_ = 	snop  }
0x5: {  	_ = 	snop  }
0x6: {  	_ = 	snop  }
0x7: {  	_ = 	snop  }
__scs_overlays_trampoline_lowered:
0x8: {  	[smem:$0x3FAD] =	sst s0  }
0x9: {  	[smem:$0x3FAE] =	sst s1  }
0xa: {  	[smem:$0x3FAF] =	sst s2  }
0xb: {  	[smem:$0x3FB0] =	sst s3  }
0xc: {  	[smem:$0x3FB1] =	sst s4  }
0xd: {  	[smem:$0x3FB2] =	sst s5  }
0xe: {  	[smem:$0x3FB3] =	sst s6  }
0xf: {  	[smem:$0x3FB4] =	sst s7  }
0x10: {  	[smem:$0x3FB5] =	sst s8  }
0x11: {  	[smem:$0x3FB6] =	sst s9;
	s0 =	simm.s32 @!p0 $0x0  }
0x12: {  	s1 =	sld [smem:$0x3F9C];
	s0 =	simm.s32 @p0 $0x1  }
0x13: {  	[smem:$0x3FB7] =	sst s0;
	s0 =	simm.s32 @!p1 $0x0  }
0x14: {  	s2 =	sld [smem:$0x3F9B];
	s0 =	simm.s32 @p1 $0x1  }
0x15: {  	[smem:$0x3FB8] =	sst s0;
	s0 =	simm.s32 @!p2 $0x0  }
0x16: {  	s3 =	sld [smem:$0x3FDB];
	s0 =	simm.s32 @p2 $0x1  }
0x17: {  	s4 =	simm.s32 $0x1BF5;
	[smem:$0x3FBA] =	sst s0  }
0x18: {  	s0 =	sld [smem:$0x3F9D];
	_ =	swait.ge [sflag:s4], $0x0  }
0x19: {  	s7 =	sld [smem:$0x3F9E]  }
0x1a: {  	s8 =	sadd.s32 $0xFFFFE003, lr  }
0x1b: {  	s9 =	sadd.s32 $0xFFFFFEF7, lr;
	s5 =	simm.s32 $0xFFFFFFFF;
	p2 =	slt.u32 s8, $0xFFFFF086  }
0x1c: {  	p1 =	slt.u32 s9, $0xF7A;
	s5 =	simm.s32 @!p2 $0x0  }
0x1d: {  	s5 =	simm.s32 @p1 $0x1;
	p0 =	seq.s32 s7, s2  }
0x1e: {  	s7 =	smul.u32 @!p0 $0xF7A, s2;
	p2 =	seq.s32 @!p0 s5, $0x0  }
0x1f: {  	s9 =	smul.u32 $0xF7A, s1;
	s8 =	simm.s32 @!p0 $0x1BF5;
	p2 =	por !p2, p0  }
0x20: {  	[sflag:s8] =	ssyncset.s32 @!p0 $0xFFFFF086;
	s6 =	sadd.s32 @!p0 s3, s7;
	s7 =	simm.s32 @!p0 $0x108  }
0x21: {  	s3 =	sadd.s32 s3, s9;
	s6 =	sadd.s32 @!p0 $0x88, s6;
	s7 =	simm.s32 @p2 $0x1082  }
0x22: {  	[simem:s7], [sflag:s8] =	dma.local @!p0 [hbm:s6], $0xF7A  }
0x23: {  	s9 =	sor.u32 $0xD0000000, s2;
	s6 =	simm.s32 $0x108;
	_ =	swait.ge @!p0 [sflag:s8], $0x0  }
0x24: {  	s3 =	sadd.s32 $0x88, s3;
	s6 =	simm.s32 @!p1 $0x1082;
	[sflag:s4] =	ssyncset.s32 $0xFFFFF086  }
0x25: {  	[simem:s6], [sflag:s4] =	dma.local [hbm:s3], $0xF7A  }
0x26: {  	[smem:$0x3F9E] =	sst s1;
	(tag) =	ssettag s2;
	_ =	strace s9  }
0x27: {  	s1 =	sld [smem:$0x3FAE]  }
0x28: {  	s2 =	sld [smem:$0x3FAF]  }
0x29: {  	s4 =	sld [smem:$0x3FB1]  }
0x2a: {  	p0 =	seq.s32 s5, $0x0;
	s5 =	sld [smem:$0x3FB2]  }
0x2b: {  	s6 =	sld [smem:$0x3FB3]  }
0x2c: {  	s7 =	sld [smem:$0x3FB4]  }
0x2d: {  	s3 =	simm.s32 $0x108;
	s8 =	sld [smem:$0x3FB5]  }
0x2e: {  	s3 =	simm.s32 @!p0 $0x1082;
	s9 =	sld [smem:$0x3FB6]  }
0x2f: {  	lr =	sadd.s32 s0, s3;
	s0 =	sld [smem:$0x3FAD]  }
0x30: {  	s3 =	sld [smem:$0x3FB0]  }
0x31: {  	[smem:$0x3FB9] =	sst s10  }
0x32: {  	s10 =	sld [smem:$0x3FB7];
	_ =	sdelay $0x3  }
0x33: {  	p0 =	seq.s32 s10, $0x1;
	s10 =	sld [smem:$0x3FB9];
	_ =	sdelay $0x3  }
0x34: {  	[smem:$0x3FB9] =	sst s10  }
0x35: {  	s10 =	sld [smem:$0x3FB8];
	_ =	sdelay $0x3  }
0x36: {  	p1 =	seq.s32 s10, $0x1;
	s10 =	sld [smem:$0x3FB9];
	_ =	sdelay $0x3  }
0x37: {  	[smem:$0x3FB9] =	sst s10  }
0x38: {  	s10 =	sld [smem:$0x3FBA]  }
0x39: {  	_ = 	snop;
	(pc) =	sbr.ind lr, $3  }
0x3a: {  	_ = 	snop  }
0x3b: {  	_ = 	snop  }
0x3c: {  	p2 =	seq.s32 s10, $0x1;
	s10 =	sld [smem:$0x3FB9]  }
0x3d: {  	_ =	shalt  }
0x3e: {  	_ =	shalt  }
0x3f: {  	_ =	shalt  }
0x40: {  	_ =	shalt  }
0x41: {  	_ =	shalt  }
0x42: {  	_ =	shalt  }
0x43: {  	_ =	shalt  }
0x44: {  	_ =	shalt  }
0x45: {  	_ =	shalt  }
0x46: {  	_ =	shalt  }
0x47: {  	_ =	shalt  }
0x48: {  	_ =	shalt  }
0x49: {  	_ =	shalt  }
0x4a: {  	_ =	shalt  }
0x4b: {  	_ =	shalt  }
0x4c: {  	_ =	shalt  }
0x4d: {  	_ =	shalt  }
0x4e: {  	_ =	shalt  }
0x4f: {  	_ =	shalt  }
0x50: {  	_ =	shalt  }
0x51: {  	_ =	shalt  }
0x52: {  	_ =	shalt  }
0x53: {  	_ =	shalt  }
0x54: {  	_ =	shalt  }
0x55: {  	_ =	shalt  }
0x56: {  	_ =	shalt  }
0x57: {  	_ =	shalt  }
0x58: {  	_ =	shalt  }
0x59: {  	_ =	shalt  }
0x5a: {  	_ =	shalt  }
0x5b: {  	_ =	shalt  }
0x5c: {  	_ =	shalt  }
0x5d: {  	_ =	shalt  }
0x5e: {  	_ =	shalt  }
0x5f: {  	_ =	shalt  }
0x60: {  	_ =	shalt  }
0x61: {  	_ =	shalt  }
0x62: {  	_ =	shalt  }
0x63: {  	_ =	shalt  }
0x64: {  	_ =	shalt  }
0x65: {  	_ =	shalt  }
0x66: {  	_ =	shalt  }
0x67: {  	_ =	shalt  }
0x68: {  	_ =	shalt  }
0x69: {  	_ =	shalt  }
0x6a: {  	_ =	shalt  }
0x6b: {  	_ =	shalt  }
0x6c: {  	_ =	shalt  }
0x6d: {  	_ =	shalt  }
0x6e: {  	_ =	shalt  }
0x6f: {  	_ =	shalt  }
0x70: {  	_ =	shalt  }
0x71: {  	_ =	shalt  }
0x72: {  	_ =	shalt  }
0x73: {  	_ =	shalt  }
0x74: {  	_ =	shalt  }
0x75: {  	_ =	shalt  }
0x76: {  	_ =	shalt  }
0x77: {  	_ =	shalt  }
0x78: {  	_ =	shalt  }
0x79: {  	_ =	shalt  }
0x7a: {  	_ =	shalt  }
0x7b: {  	_ =	shalt  }
0x7c: {  	_ =	shalt  }
0x7d: {  	_ =	shalt  }
0x7e: {  	_ =	shalt  }
0x7f: {  	_ =	shalt  }
0x80: {  	_ =	shalt  }
0x81: {  	_ =	shalt  }
0x82: {  	_ =	shalt  }
0x83: {  	_ =	shalt  }
0x84: {  	_ =	shalt  }
0x85: {  	_ =	shalt  }
0x86: {  	_ =	shalt  }
0x87: {  	_ =	shalt  }
.Lfunc_end0:
.L_simem_size_0:
called_computation_lowered:
.L_overlay_start_0:
0x88: {  	s2 =	sld [smem:$0x3FD9]  }
0x89: {  	s3 =	sld [smem:$0x3FFE];
	_ =	sdelay $0x1  }
0x8a: {  	s1 =	srdreg.scid  }
0x8b: {  	s0 =	sand.u32 $0x1, s1  }
0x8c: {  	s17 =	sshll.u32 s0, $0xA;
	s2 =	sadd.s32 s3, s2  }
0x8d: {  	s2 =	sadd.s32 s2, s17  }
0x8e: {  	[smem:$0x3FC5] =	sst s2  }
0x8f: {  	_ = 	snop  }
0x90: {  	s2 =	sld [smem:$0x3FC8]  }
0x91: {  	s18 =	sld [smem:$0x3FC7]  }
0x92: {  	s4 =	sld [smem:$0x3FD0];
	(tm) =	ssettm $0x1  }
0x93: {  	s5 =	sld [smem:$0x3FFB];
	_ =	sdelay $0x3  }
0x94: {  	_ =	strace s5  }
0x95: {  	s5 =	sld [smem:$0x3FFC];
	_ =	sdelay $0x3  }
0x96: {  	_ =	strace s5  }
0x97: {  	s5 =	sld [smem:$0x3FFD];
	_ =	sdelay $0x3  }
0x98: {  	_ =	strace s5  }
0x99: {  	_ =	strace $0x8FFFFFFF  }
0x9a: {  	s19 =	sld [smem:$0x3FDB];
	_ =	sdelay $0x1  }
0x9b: {  	s6 =	simm.s32 $_scs_section_size  }
0x9c: {  	s7 =	simm.s32 $_size__tile_overlayer_lowered;
	s8 =	simm.s32 $_tile_overlayer_lowered  }
0x9d: {  	s22 =	simm.s32 $0x1BFF;
	s21 =	sshll.u32 s8, $0x1;
	s5 =	sadd.s32 s6, s19  }
0x9e: {  	s9 =	simm.s32 $0x0;
	s20 =	sshll.u32 s7, $0x1;
	s7 =	sadd.s32 s21, s5  }
0x9f: {  	[timem:s9], [sflag:s22] =	dma.local [hbm:s7], s20  }
0xa0: {  	_ =	swait.ge [sflag:s22], s20  }
0xa1: {  	s6 =	ssub.s32 $0x0, s20;
	[sflag:s22] =	ssyncset.done $0x0  }
0xa2: {  	[sflag:s22] =	ssyncadd.s32 s6;
	_ =	sdelay $0x1  }
0xa3: {  	s23 =	simm.s32 $0x1B8B  }
0xa4: {  	_ =	swait.ge [sflag:s23], $0x1  }
0xa5: {  	[sflag:s23] =	ssyncset.done $0x0  }
0xa6: {  	s25 =	simm.s32 $0x1B8E;
	s24 =	sld [smem:$0x3FFE];
	[sflag:s23] =	ssyncadd.s32 $0xFFFFFFFF  }
0xa7: {  	s26 =	simm.s32 $execute0_lowered;
	[smem:$0x3FD2] =	sst s25  }
0xa8: {  	s7 =	sshll.u32 s26, $0x1;
	_ =	strace $0x80000046;
	[dreg:$0x1] =	wrdreg $0xFFFFFFFF  }
0xa9: {  	s28 =	simm.s32 $_size_execute0_lowered;
	s5 =	sadd.s32 s5, s7;
	[dreg:$0x0] =	wrdreg $0x0  }
0xaa: {  	s7 =	sshll.u32 s28, $0x1;
	[dreg:$0x2] =	wrdreg s5  }
0xab: {  	[dreg:$0x3] =	wrdreg s7  }
0xac: {  	[dreg:$0x4] =	wrdreg $0xC0  }
0xad: {  	_ =	task [dreg:s9], $0x5FFFF  }
0xae: {  	[dreg:$0x1] =	wrdreg $0xFFFFFFFF  }
0xaf: {  	[dreg:$0x0] =	wrdreg $0x60  }
0xb0: {  	[dreg:$0x2] =	wrdreg s24  }
0xb1: {  	[dreg:$0x3] =	wrdreg s2  }
0xb2: {  	[dreg:$0x4] =	wrdreg s18  }
0xb3: {  	[dreg:$0x5] =	wrdreg s4  }
0xb4: {  	[dreg:$0x6] =	wrdreg $0x9  }
0xb5: {  	_ =	task.clear_ibuf [dreg:s9], $0x7FFFF;
	_ =	strace $0x90000046  }
0xb6: {  	s29 =	simm.s32 $0x9;
	_ =	strace $0x80000048  }
0xb7: {  	_ =	swait.ge [sflag:s29], $0x1  }
0xb8: {  	[sflag:s29] =	ssyncadd.s32 $0xFFFFFFFF  }
0xb9: {  	_ =	strace $0x90000048  }
0xba: {  	_ =	sfence  }
0xbb: {  	s30 =	sld [smem:$0x0];
	_ =	sdelay $0x2  }
0xbc: {  	s31 =	sshll.u32 s1, $0xD;
	s1 =	sshrl.u32 s1, $0x2  }
0xbd: {  	s3 =	sand.u32 $0x4000, s31;
	s1 =	sadd.s32 s1, s30  }
0xbe: {  	s0 =	sor.u32 s3, s0;
	s1 =	sshll.u32 s1, $0x11  }
0xbf: {  	s0 =	sor.u32 s1, s0  }
0xc0: {  	s0 =	sadd.s32 $0x8F2B, s0  }
0xc1: {  	[sflag:s0] =	ssyncadd.remote.s32 $0x1  }
0xc2: {  	_ =	sfence.sel $0xFFFF  }
0xc3: {  	[dreg:$0x0] =	wrdreg $0xFFFFFFFF;
	(pc) =	sbr.abs _section_cstart, $3  }
0xc4: {  	[dreg:$0x1] =	wrdreg $0xFFFFFFFF  }
0xc5: {  	_ =	task.clear_ibuf [dreg:s9], $0x2FFFF;
	_ =	strace $0x9FFFFFFF  }
0xc6: {  	(tm) =	ssettm $0x7FFFFFFF  }
0xc7: {  	_ =	shalt  }
tec
execute0_lowered:
.L_overlay_start_1:
0x0: {  	(tag) =	ssettag $0x1  }
0x1: {  	s0 =	rddreg [dreg:$0x0]  }
0x2: {  	s1 =	rddreg [dreg:$0x1]  }
0x3: {  	s2 =	rddreg [dreg:$0x2]  }
0x4: {  	s4 =	rddreg [dreg:$0x3]  }
0x5: {  	s5 =	srdreg.scid;
	s3 =	simm.s32 $0x0;
	s6 =	stileid.u32  }
0x6: {  	s28 =	simm.s32 $0x0;
	s5 =	sand.u32 $0x1, s5;
	[smem:$0x7FF] =	sst s3  }
0x7: {  	s6 =	sshll.u32 s6, $0x7;
	s0 =	sadd.s32 $0x400, s0;
	s10 =	sadd.s32 $0x200, s1  }
0x8: {  	s11 =	sadd.s32 $0x300, s1;
	s7 =	sshll.u32 s5, $0x6;
	s5 =	ssub.s32 $0x2, s5  }
0x9: {  	_ =	strace $0x80000047;
	s6 =	sor.u32 s7, s6;
	s22 =	sshrl.u32 s5, $0x1  }
0xa: {  	s8 =	sshrl.u32 s6, $0x3;
	s5 =	ssub.s32 s5, s22;
	s24 =	sor.u32 $0x800, s6  }
0xb: {  	s12 =	sor.u32 $0x1000, s6;
	s29 =	sshll.u32 s6, $0x7;
	s23 =	sadd.s32 s0, s8  }
0xc: {  	s13 =	sor.u32 $0x1800, s6;
	s6 =	sadd.s32 s2, s29;
	[dreg:$0x5] =	wrdreg s23  }
0xd: {  	s25 =	sshrl.u32 s24, $0x3;
	s14 =	sadd.s32 s4, s29;
	[dreg:$0x9] =	wrdreg s6  }
0xe: {  	s30 =	sor.u32 $0x800, s29;
	s8 =	sadd.s32 s0, s25;
	[dreg:$0xb] =	wrdreg s14  }
0xf: {  	s7 =	sshll.u32 s24, $0x7;
	s31 =	sadd.s32 s2, s30;
	[dreg:$0x6] =	wrdreg s8  }
0x10: {  	s15 =	sshll.u32 s13, $0x7;
	s7 =	sadd.s32 s4, s7;
	[dreg:$0xa] =	wrdreg s31  }
0x11: {  	s16 =	sor.u32 $0x1000, s29;
	s17 =	sadd.s32 s4, s15;
	[dreg:$0xc] =	wrdreg s7  }
0x12: {  	s26 =	sshrl.u32 s12, $0x3;
	s18 =	sadd.s32 s2, s16;
	[dreg:$0xe] =	wrdreg s17  }
0x13: {  	s9 =	sshrl.u32 s13, $0x3;
	s6 =	sadd.s32 s4, s30;
	[dreg:$0xf] =	wrdreg s18  }
0x14: {  	s12 =	sshll.u32 s12, $0x7;
	s19 =	sadd.s32 $0x40800, s14;
	[dreg:$0x10] =	wrdreg s6  }
0x15: {  	s20 =	sadd.s32 $0x80800, s14;
	s21 =	sadd.s32 s4, s16;
	[dreg:$0x11] =	wrdreg s19  }
0x16: {  	s22 =	sadd.s32 $0xC0800, s14;
	s23 =	smax.u32 s5, $0x1;
	[dreg:$0x12] =	wrdreg s20  }
0x17: {  	s24 =	sadd.s32 $0x41000, s14;
	s25 =	sadd.s32 $0x81000, s14;
	[dreg:$0x14] =	wrdreg s21  }
0x18: {  	s30 =	sadd.s32 $0x81800, s14;
	s5 =	simm.s32 $0x200;
	[dreg:$0x16] =	wrdreg s22  }
0x19: {  	s15 =	simm.s32 $0x3A00;
	s16 =	simm.s32 $0x4200;
	[dreg:$0x17] =	wrdreg s23  }
0x1a: {  	s8 =	sadd.s32 s0, s26;
	s0 =	sadd.s32 s0, s9;
	[dreg:$0x18] =	wrdreg s24  }
0x1b: {  	s9 =	sadd.s32 $0x100, s1;
	s7 =	sadd.s32 s4, s12;
	[dreg:$0x19] =	wrdreg s25  }
0x1c: {  	s26 =	sadd.s32 $0xC1000, s14;
	[dreg:$0x1c] =	wrdreg s30;
	s31 =	sadd.s32 $0xC1800, s14  }
0x1d: {  	s12 =	simm.s32 $0x2A00;
	s24 =	simm.s32 $0x7;
	s25 =	simm.s32 $0x1  }
0x1e: {  	s18 =	simm.s32 $0x2;
	s19 =	simm.s32 $0x4;
	[dreg:$0x7] =	wrdreg s8  }
0x1f: {  	s20 =	simm.s32 $0x3;
	s21 =	simm.s32 $0x5;
	[dreg:$0x8] =	wrdreg s0  }
0x20: {  	s22 =	simm.s32 $0x6;
	s23 =	simm.s32 $0x8;
	[dreg:$0xd] =	wrdreg s7  }
0x21: {  	s0 =	sor.u32 $0x1800, s29;
	[dreg:$0x1a] =	wrdreg s26;
	s29 =	sadd.s32 $0x41800, s14  }
0x22: {  	[dreg:$0x1d] =	wrdreg s31;
	s7 =	simm.s32 $0x1200;
	s8 =	simm.s32 $0x2200  }
0x23: {  	v2 =	vlaneseq.u32;
	s14 =	simm.s32 $0x3200;
	s2 =	sadd.s32 s2, s0;
	[dreg:$0x1b] =	wrdreg s29  }
0x24: {  	vm0 =	vmmov $0xffff;
	v1 =	vshrl.u32 v2, $0x3;
	s26 =	simm.s32 $0x8200;
	s0 =	sadd.s32 s4, s0;
	[dreg:$0x13] =	wrdreg s2  }
0x25: {  	v0 =	vand.u32 $0x7, v2;
	v2 =	vor.u32 $0x8, v2;
	v1 =	vmul.u32 $0x8, v1;
	s4 =	simm.s32 $0x1A00;
	[dreg:$0x15] =	wrdreg s0;
	s2 =	simm.s32 $0x9  }
.LBB2_1:
0x26: {  	s0 =	rddreg [dreg:$0x5]  }
0x27: {  	[tilespmem:s3], [sflag:$0x9] =	stream.linear.gather [hbm4b:s0+s3], $0x40, $0x38;
	[tilespmem:$0x14200] =	vst v63  }
0x28: {  	_ =	swait.ge [sflag:s2], $0x40  }
0x29: {  	[sflag:s2] =	ssyncset.done $0x0  }
0x2a: {  	s6 =	simm.s32 $0x80;
	s17 =	rddreg [dreg:$0x6];
	[sflag:s2] =	ssyncadd.s32 $0xFFFFFFC0  }
0x2b: {  	[tilespmem:s6], [sflag:$0x9] =	stream.linear.gather [hbm4b:s17+s3], $0x40, $0x38;
	[tilespmem:$0x14200] =	vst v63  }
0x2c: {  	_ =	swait.ge [sflag:s2], $0x40  }
0x2d: {  	[sflag:s2] =	ssyncset.done $0x0  }
0x2e: {  	s17 =	simm.s32 $0x100;
	s13 =	rddreg [dreg:$0x7];
	[sflag:s2] =	ssyncadd.s32 $0xFFFFFFC0  }
0x2f: {  	[tilespmem:s17], [sflag:$0x9] =	stream.linear.gather [hbm4b:s13+s3], $0x40, $0x38;
	[tilespmem:$0x14200] =	vst v63  }
0x30: {  	_ =	swait.ge [sflag:s2], $0x40  }
0x31: {  	[sflag:s2] =	ssyncset.done $0x0  }
0x32: {  	s17 =	simm.s32 $0x180;
	s13 =	rddreg [dreg:$0x8];
	[sflag:s2] =	ssyncadd.s32 $0xFFFFFFC0  }
0x33: {  	[tilespmem:s17], [sflag:$0x9] =	stream.linear.gather [hbm4b:s13+s3], $0x40, $0x38;
	[tilespmem:$0x14200] =	vst v63  }
0x34: {  	_ =	swait.ge [sflag:s2], $0x40  }
0x35: {  	[sflag:s2] =	ssyncset.done $0x0  }
0x36: {  	s13 =	simm.s32 $0xC200;
	s6 =	rddreg [dreg:$0x9];
	[sflag:s2] =	ssyncadd.s32 $0xFFFFFFC0  }
0x37: {  	[tilespmem:s13], [sflag:$0x7] =	stream.linear.gather [hbm4b:s6+s3], $0x4000, $0x38;
	[tilespmem:$0x14200] =	vst v63  }
0x38: {  	v3 =	vld [tilespmem:$0x0];
	_ =	sdelay $0x4  }
0x39: {  	v4 =	vshll.u32 v3, $0x3  }
0x3a: {  	v3 =	vand.u32 $0x7, v3;
	v4 =	vand.u32 $0xFFFFFFC0, v4  }
0x3b: {  	v3 =	vor.u32 v3, v4  }
0x3c: {  	v4 =	vperm.xlane v3, v0;
	_ =	sdelay $0x1  }
0x3d: {  	v4 =	vadd.s32 v1, v4;
	_ =	sdelay $0x4  }
0x3e: {  	[tilespmem:s5], [sflag:$0x1] =	stream.indirect_vreg.gather [hbm4b:s1+s3], $0x80, v4, vm0, $0xb8;
	[tilespmem:$0x14200] =	vst v63  }
0x3f: {  	s17 =	simm.s32 $0xA00;
	v3 =	vperm.xlane v3, v2  }
0x40: {  	[tilespmem:s17], [sflag:$0x1] =	stream.indirect_vreg.gather [hbm4b:s9+s3], $0x80, v4, vm0, $0xb8;
	[tilespmem:$0x14200] =	vst v63  }
0x41: {  	v3 =	vadd.s32 v1, v3  }
0x42: {  	[tilespmem:s7], [sflag:$0x1] =	stream.indirect_vreg.gather [hbm4b:s10+s3], $0x80, v4, vm0, $0xb8;
	[tilespmem:$0x14200] =	vst v63  }
0x43: {  	_ = 	snop  }
0x44: {  	[tilespmem:s4], [sflag:$0x1] =	stream.indirect_vreg.gather [hbm4b:s11+s3], $0x80, v4, vm0, $0xb8;
	[tilespmem:$0x14200] =	vst v63  }
0x45: {  	_ = 	snop  }
0x46: {  	[tilespmem:s8], [sflag:$0x1] =	stream.indirect_vreg.gather [hbm4b:s1+s3], $0x80, v3, vm0, $0xb8;
	[tilespmem:$0x14200] =	vst v63  }
0x47: {  	_ = 	snop  }
0x48: {  	[tilespmem:s12], [sflag:$0x1] =	stream.indirect_vreg.gather [hbm4b:s9+s3], $0x80, v3, vm0, $0xb8;
	[tilespmem:$0x14200] =	vst v63  }
0x49: {  	_ = 	snop  }
0x4a: {  	[tilespmem:s14], [sflag:$0x1] =	stream.indirect_vreg.gather [hbm4b:s10+s3], $0x80, v3, vm0, $0xb8;
	[tilespmem:$0x14200] =	vst v63  }
0x4b: {  	_ = 	snop  }
0x4c: {  	[tilespmem:s15], [sflag:$0x1] =	stream.indirect_vreg.gather [hbm4b:s11+s3], $0x80, v3, vm0, $0xb8;
	[tilespmem:$0x14200] =	vst v63  }
0x4d: {  	v3 =	vld [tilespmem:$0x80];
	_ =	sdelay $0x4  }
0x4e: {  	v63 =	vshll.u32 v3, $0x3  }
0x4f: {  	v3 =	vand.u32 $0x7, v3;
	v4 =	vand.u32 $0xFFFFFFC0, v63  }
0x50: {  	v3 =	vor.u32 v3, v4  }
0x51: {  	v4 =	vperm.xlane v3, v0;
	_ =	sdelay $0x1  }
0x52: {  	v4 =	vadd.s32 v1, v4;
	_ =	sdelay $0x4  }
0x53: {  	[tilespmem:s16], [sflag:$0x2] =	stream.indirect_vreg.gather [hbm4b:s1+s3], $0x80, v4, vm0, $0xb8;
	[tilespmem:$0x14200] =	vst v63  }
0x54: {  	s6 =	simm.s32 $0x4A00;
	v3 =	vperm.xlane v3, v2  }
0x55: {  	[tilespmem:s6], [sflag:$0x2] =	stream.indirect_vreg.gather [hbm4b:s9+s3], $0x80, v4, vm0, $0xb8;
	[tilespmem:$0x14200] =	vst v63  }
0x56: {  	s13 =	simm.s32 $0x5200;
	v3 =	vadd.s32 v1, v3  }
0x57: {  	[tilespmem:s13], [sflag:$0x2] =	stream.indirect_vreg.gather [hbm4b:s10+s3], $0x80, v4, vm0, $0xb8;
	[tilespmem:$0x14200] =	vst v63  }
0x58: {  	s17 =	simm.s32 $0x5A00  }
0x59: {  	[tilespmem:s17], [sflag:$0x2] =	stream.indirect_vreg.gather [hbm4b:s11+s3], $0x80, v4, vm0, $0xb8;
	[tilespmem:$0x14200] =	vst v63  }
0x5a: {  	s6 =	simm.s32 $0x6200  }
0x5b: {  	[tilespmem:s6], [sflag:$0x2] =	stream.indirect_vreg.gather [hbm4b:s1+s3], $0x80, v3, vm0, $0xb8;
	[tilespmem:$0x14200] =	vst v63  }
0x5c: {  	s13 =	simm.s32 $0x6A00  }
0x5d: {  	[tilespmem:s13], [sflag:$0x2] =	stream.indirect_vreg.gather [hbm4b:s9+s3], $0x80, v3, vm0, $0xb8;
	[tilespmem:$0x14200] =	vst v63  }
0x5e: {  	s17 =	simm.s32 $0x7200  }
0x5f: {  	[tilespmem:s17], [sflag:$0x2] =	stream.indirect_vreg.gather [hbm4b:s10+s3], $0x80, v3, vm0, $0xb8;
	[tilespmem:$0x14200] =	vst v63  }
0x60: {  	s6 =	simm.s32 $0x7A00  }
0x61: {  	[tilespmem:s6], [sflag:$0x2] =	stream.indirect_vreg.gather [hbm4b:s11+s3], $0x80, v3, vm0, $0xb8;
	[tilespmem:$0x14200] =	vst v63  }
0x62: {  	_ =	swait.ge [sflag:s24], $0x4000  }
0x63: {  	[sflag:s24] =	ssyncset.done $0x0  }
0x64: {  	s17 =	simm.s32 $0x10200;
	s13 =	rddreg [dreg:$0xa];
	[sflag:s24] =	ssyncadd.s32 $0xFFFFC000  }
0x65: {  	[tilespmem:s17], [sflag:$0x8] =	stream.linear.gather [hbm4b:s13+s3], $0x4000, $0x38;
	[tilespmem:$0x14200] =	vst v63  }
0x66: {  	_ =	swait.ge [sflag:s25], $0x4000  }
0x67: {  	s29 =	simm.s32 $0x0;
	[sflag:s25] =	ssyncset.done $0x0  }
0x68: {  	s30 =	simm.s32 $0x0;
	s31 =	simm.s32 $0x0;
	[sflag:s25] =	ssyncadd.s32 $0xFFFFC000  }
.LBB2_2:
0x69: {  	s0 =	sshll.u32 s30, $0x2;
	s6 =	sand.u32 $0x7, s29  }
0x6a: {  	s0 =	sand.u32 $0xFFFF8000, s0;
	s6 =	sshll.u32 s6, $0x9  }
0x6b: {  	s0 =	sor.u32 s6, s0  }
0x6c: {  	s6 =	sshrl.u32 s0, $0x2  }
0x6d: {  	s0 =	sadd.s32 $0x240, s6  }
0x6e: {  	s13 =	sadd.s32 $0xC240, s6;
	v4 =	vld [tilespmem:s0+$0x30]  }
0x6f: {  	v5 =	vld [tilespmem:s13+$0x30]  }
0x70: {  	v3 =	vld [tilespmem:s13+$0xFFFFFFC0]  }
0x71: {  	v6 =	vld [tilespmem:s0+$0xFFFFFFD0]  }
0x72: {  	v7 =	vld [tilespmem:s13+$0xFFFFFFD0]  }
0x73: {  	v8 =	vld [tilespmem:s0+$0xFFFFFFE0]  }
0x74: {  	v9 =	vld [tilespmem:s13+$0xFFFFFFE0]  }
0x75: {  	v10 =	vld [tilespmem:s0+$0xFFFFFFF0]  }
0x76: {  	v11 =	vld [tilespmem:s13+$0xFFFFFFF0]  }
0x77: {  	v12 =	vld [tilespmem:s0+$0x0]  }
0x78: {  	v13 =	vld [tilespmem:s13+$0x0];
	v5 =	vadd.f32 v5, v4  }
0x79: {  	v7 =	vadd.f32 v7, v6;
	v4 =	vld [tilespmem:s0+$0x10]  }
0x7a: {  	v8 =	vadd.f32 v9, v8;
	v6 =	vld [tilespmem:s13+$0x10];
	[tilespmem:s0+$0x30] =	vst v5  }
0x7b: {  	v9 =	vadd.f32 v11, v10;
	[tilespmem:s0+$0xFFFFFFD0] =	vst v7;
	v5 =	vld [tilespmem:s0+$0x20]  }
0x7c: {  	[tilespmem:s0+$0xFFFFFFE0] =	vst v8;
	v8 =	vld [tilespmem:s13+$0x20]  }
0x7d: {  	s17 =	simm.s32 $0x0;
	s6 =	sadd.s32 $0x400, s0;
	v7 =	vld [tilespmem:s0+$0xFFFFFFC0];
	[tilespmem:s0+$0xFFFFFFF0] =	vst v9;
	v9 =	vadd.f32 v13, v12  }
.LBB2_3:
0x7e: {  	v10 =	vld [tilespmem:s6+$0x30];
	s13 =	sadd.s32 $0x400, s13  }
0x7f: {  	s17 =	sadd.s32 $0x80, s17;
	v11 =	vld [tilespmem:s13+$0x30];
	[tilespmem:s0+$0x0] =	vst v9;
	v4 =	vadd.f32 v6, v4  }
0x80: {  	p0 =	slt.u32 s17, $0x380;
	v6 =	vld [tilespmem:s13+$0xFFFFFFC0]  }
0x81: {  	v9 =	vld [tilespmem:s6+$0xFFFFFFD0];
	[tilespmem:s0+$0x10] =	vst v4;
	v4 =	vadd.f32 v8, v5  }
0x82: {  	v5 =	vld [tilespmem:s13+$0xFFFFFFD0];
	v12 =	vadd.f32 v3, v7  }
0x83: {  	v7 =	vld [tilespmem:s6+$0xFFFFFFE0];
	[tilespmem:s0+$0x20] =	vst v4  }
0x84: {  	v4 =	vld [tilespmem:s13+$0xFFFFFFE0];
	v8 =	vadd.f32 v11, v10;
	[tilespmem:s0+$0xFFFFFFC0] =	vst v12;
	s0 =	smov.u32 s6  }
0x85: {  	v10 =	vld [tilespmem:s6+$0xFFFFFFF0];
	v3 =	vmov v6  }
0x86: {  	v11 =	vld [tilespmem:s13+$0xFFFFFFF0];
	[tilespmem:s6+$0x30] =	vst v8  }
0x87: {  	v5 =	vadd.f32 v5, v9;
	v9 =	vld [tilespmem:s6+$0x0]  }
0x88: {  	v12 =	vld [tilespmem:s13+$0x0]  }
.Ltmp0:
0x89: {  	[tilespmem:s6+$0xFFFFFFD0] =	vst v5;
	v5 =	vadd.f32 v4, v7;
	v4 =	vld [tilespmem:s6+$0x10];
	(pc) =	sbr.rel @p0 .LBB2_3-.Ltmp0, $4  }
0x8a: {  	v6 =	vld [tilespmem:s13+$0x10]  }
0x8b: {  	[tilespmem:s6+$0xFFFFFFE0] =	vst v5;
	v10 =	vadd.f32 v11, v10;
	v5 =	vld [tilespmem:s6+$0x20]  }
0x8c: {  	v8 =	vld [tilespmem:s13+$0x20]  }
0x8d: {  	s6 =	sadd.s32 $0x400, s6;
	v7 =	vld [tilespmem:s0+$0xFFFFFFC0];
	[tilespmem:s0+$0xFFFFFFF0] =	vst v10;
	v9 =	vadd.f32 v12, v9  }
0x8e: {  	s31 =	sadd.s32 $0x1, s31  }
0x8f: {  	p0 =	sne.s32 s31, $0x10  }
.Ltmp1:
0x90: {  	v4 =	vadd.f32 v6, v4;
	(pc) =	sbr.rel @p0 .LBB2_2-.Ltmp1, $4  }
0x91: {  	[tilespmem:s0+$0x0] =	vst v9;
	v5 =	vadd.f32 v8, v5  }
0x92: {  	[tilespmem:s0+$0x10] =	vst v4;
	v3 =	vadd.f32 v3, v7  }
0x93: {  	[tilespmem:s0+$0x20] =	vst v5  }
0x94: {  	s30 =	sadd.s32 $0x400, s30;
	s29 =	sadd.s32 $0x1, s29;
	[tilespmem:s0+$0xFFFFFFC0] =	vst v3  }
0x95: {  	s29 =	simm.s32 $0x0;
	s0 =	rddreg [dreg:$0xb]  }
0x96: {  	[hbm4b:s0+s29] =	stream.linear.scatter [tilespmem:s5], [sflag:$0x4], $0x4000, $0x38;
	[tilespmem:$0x14200] =	vst v63  }
0x97: {  	v3 =	vld [tilespmem:$0x100];
	_ =	sdelay $0x4  }
0x98: {  	v4 =	vshll.u32 v3, $0x3  }
0x99: {  	v3 =	vand.u32 $0x7, v3;
	v4 =	vand.u32 $0xFFFFFFC0, v4  }
0x9a: {  	v3 =	vor.u32 v3, v4  }
0x9b: {  	v4 =	vperm.xlane v3, v0;
	_ =	sdelay $0x1  }
0x9c: {  	v4 =	vadd.s32 v1, v4;
	_ =	sdelay $0x4  }
0x9d: {  	[tilespmem:s26], [sflag:$0x3] =	stream.indirect_vreg.gather [hbm4b:s1+s29], $0x80, v4, vm0, $0xb8;
	[tilespmem:$0x14200] =	vst v63  }
0x9e: {  	s17 =	simm.s32 $0x8A00;
	v3 =	vperm.xlane v3, v2  }
0x9f: {  	[tilespmem:s17], [sflag:$0x3] =	stream.indirect_vreg.gather [hbm4b:s9+s29], $0x80, v4, vm0, $0xb8;
	[tilespmem:$0x14200] =	vst v63  }
0xa0: {  	s6 =	simm.s32 $0x9200;
	v3 =	vadd.s32 v1, v3  }
0xa1: {  	[tilespmem:s6], [sflag:$0x3] =	stream.indirect_vreg.gather [hbm4b:s10+s29], $0x80, v4, vm0, $0xb8;
	[tilespmem:$0x14200] =	vst v63  }
0xa2: {  	s13 =	simm.s32 $0x9A00  }
0xa3: {  	[tilespmem:s13], [sflag:$0x3] =	stream.indirect_vreg.gather [hbm4b:s11+s29], $0x80, v4, vm0, $0xb8;
	[tilespmem:$0x14200] =	vst v63  }
0xa4: {  	s17 =	simm.s32 $0xA200  }
0xa5: {  	[tilespmem:s17], [sflag:$0x3] =	stream.indirect_vreg.gather [hbm4b:s1+s29], $0x80, v3, vm0, $0xb8;
	[tilespmem:$0x14200] =	vst v63  }
0xa6: {  	s6 =	simm.s32 $0xAA00  }
0xa7: {  	[tilespmem:s6], [sflag:$0x3] =	stream.indirect_vreg.gather [hbm4b:s9+s29], $0x80, v3, vm0, $0xb8;
	[tilespmem:$0x14200] =	vst v63  }
0xa8: {  	s13 =	simm.s32 $0xB200  }
0xa9: {  	[tilespmem:s13], [sflag:$0x3] =	stream.indirect_vreg.gather [hbm4b:s10+s29], $0x80, v3, vm0, $0xb8;
	[tilespmem:$0x14200] =	vst v63  }
0xaa: {  	s17 =	simm.s32 $0xBA00  }
0xab: {  	[tilespmem:s17], [sflag:$0x3] =	stream.indirect_vreg.gather [hbm4b:s11+s29], $0x80, v3, vm0, $0xb8;
	[tilespmem:$0x14200] =	vst v63  }
0xac: {  	_ =	swait.ge [sflag:s18], $0x4000  }
0xad: {  	[sflag:s18] =	ssyncset.done $0x0  }
0xae: {  	s30 =	simm.s32 $0x0;
	s31 =	simm.s32 $0x0;
	[sflag:s18] =	ssyncadd.s32 $0xFFFFC000  }
.LBB2_6:
0xaf: {  	s0 =	sshll.u32 s30, $0x2;
	s6 =	sand.u32 $0x7, s29  }
0xb0: {  	s0 =	sand.u32 $0xFFFF8000, s0;
	s6 =	sshll.u32 s6, $0x9  }
0xb1: {  	s0 =	sor.u32 s6, s0  }
0xb2: {  	s6 =	sshrl.u32 s0, $0x2  }
0xb3: {  	s0 =	sadd.s32 $0x4240, s6  }
0xb4: {  	s13 =	sadd.s32 $0xC240, s6;
	v4 =	vld [tilespmem:s0+$0x30]  }
0xb5: {  	v5 =	vld [tilespmem:s13+$0x30]  }
0xb6: {  	v3 =	vld [tilespmem:s13+$0xFFFFFFC0]  }
0xb7: {  	v6 =	vld [tilespmem:s0+$0xFFFFFFD0]  }
0xb8: {  	v7 =	vld [tilespmem:s13+$0xFFFFFFD0]  }
0xb9: {  	v8 =	vld [tilespmem:s0+$0xFFFFFFE0]  }
0xba: {  	v9 =	vld [tilespmem:s13+$0xFFFFFFE0]  }
0xbb: {  	v10 =	vld [tilespmem:s0+$0xFFFFFFF0]  }
0xbc: {  	v11 =	vld [tilespmem:s13+$0xFFFFFFF0]  }
0xbd: {  	v12 =	vld [tilespmem:s0+$0x0]  }
0xbe: {  	v13 =	vld [tilespmem:s13+$0x0];
	v5 =	vadd.f32 v5, v4  }
0xbf: {  	v7 =	vadd.f32 v7, v6;
	v4 =	vld [tilespmem:s0+$0x10]  }
0xc0: {  	v8 =	vadd.f32 v9, v8;
	v6 =	vld [tilespmem:s13+$0x10];
	[tilespmem:s0+$0x30] =	vst v5  }
0xc1: {  	v9 =	vadd.f32 v11, v10;
	[tilespmem:s0+$0xFFFFFFD0] =	vst v7;
	v5 =	vld [tilespmem:s0+$0x20]  }
0xc2: {  	[tilespmem:s0+$0xFFFFFFE0] =	vst v8;
	v8 =	vld [tilespmem:s13+$0x20]  }
0xc3: {  	s17 =	simm.s32 $0x0;
	s6 =	sadd.s32 $0x400, s0;
	v7 =	vld [tilespmem:s0+$0xFFFFFFC0];
	[tilespmem:s0+$0xFFFFFFF0] =	vst v9;
	v9 =	vadd.f32 v13, v12  }
.LBB2_7:
0xc4: {  	v10 =	vld [tilespmem:s6+$0x30];
	s13 =	sadd.s32 $0x400, s13  }
0xc5: {  	s17 =	sadd.s32 $0x80, s17;
	v11 =	vld [tilespmem:s13+$0x30];
	[tilespmem:s0+$0x0] =	vst v9;
	v4 =	vadd.f32 v6, v4  }
0xc6: {  	p0 =	slt.u32 s17, $0x380;
	v6 =	vld [tilespmem:s13+$0xFFFFFFC0]  }
0xc7: {  	v9 =	vld [tilespmem:s6+$0xFFFFFFD0];
	[tilespmem:s0+$0x10] =	vst v4;
	v4 =	vadd.f32 v8, v5  }
0xc8: {  	v5 =	vld [tilespmem:s13+$0xFFFFFFD0];
	v12 =	vadd.f32 v3, v7  }
0xc9: {  	v7 =	vld [tilespmem:s6+$0xFFFFFFE0];
	[tilespmem:s0+$0x20] =	vst v4  }
0xca: {  	v4 =	vld [tilespmem:s13+$0xFFFFFFE0];
	v8 =	vadd.f32 v11, v10;
	[tilespmem:s0+$0xFFFFFFC0] =	vst v12;
	s0 =	smov.u32 s6  }
0xcb: {  	v10 =	vld [tilespmem:s6+$0xFFFFFFF0];
	v3 =	vmov v6  }
0xcc: {  	v11 =	vld [tilespmem:s13+$0xFFFFFFF0];
	[tilespmem:s6+$0x30] =	vst v8  }
0xcd: {  	v5 =	vadd.f32 v5, v9;
	v9 =	vld [tilespmem:s6+$0x0]  }
0xce: {  	v12 =	vld [tilespmem:s13+$0x0]  }
.Ltmp2:
0xcf: {  	[tilespmem:s6+$0xFFFFFFD0] =	vst v5;
	v5 =	vadd.f32 v4, v7;
	v4 =	vld [tilespmem:s6+$0x10];
	(pc) =	sbr.rel @p0 .LBB2_7-.Ltmp2, $4  }
0xd0: {  	v6 =	vld [tilespmem:s13+$0x10]  }
0xd1: {  	[tilespmem:s6+$0xFFFFFFE0] =	vst v5;
	v10 =	vadd.f32 v11, v10;
	v5 =	vld [tilespmem:s6+$0x20]  }
0xd2: {  	v8 =	vld [tilespmem:s13+$0x20]  }
0xd3: {  	s6 =	sadd.s32 $0x400, s6;
	v7 =	vld [tilespmem:s0+$0xFFFFFFC0];
	[tilespmem:s0+$0xFFFFFFF0] =	vst v10;
	v9 =	vadd.f32 v12, v9  }
0xd4: {  	s31 =	sadd.s32 $0x1, s31  }
0xd5: {  	p0 =	sne.s32 s31, $0x10  }
.Ltmp3:
0xd6: {  	v4 =	vadd.f32 v6, v4;
	(pc) =	sbr.rel @p0 .LBB2_6-.Ltmp3, $4  }
0xd7: {  	[tilespmem:s0+$0x0] =	vst v9;
	v5 =	vadd.f32 v8, v5  }
0xd8: {  	[tilespmem:s0+$0x10] =	vst v4;
	v3 =	vadd.f32 v3, v7  }
0xd9: {  	[tilespmem:s0+$0x20] =	vst v5  }
0xda: {  	s30 =	sadd.s32 $0x400, s30;
	s29 =	sadd.s32 $0x1, s29;
	[tilespmem:s0+$0xFFFFFFC0] =	vst v3  }
0xdb: {  	s29 =	simm.s32 $0x0;
	s0 =	rddreg [dreg:$0xc]  }
0xdc: {  	[hbm4b:s0+s29] =	stream.linear.scatter [tilespmem:s16], [sflag:$0x5], $0x4000, $0x38;
	[tilespmem:$0x14200] =	vst v63  }
0xdd: {  	_ =	swait.ge [sflag:s19], $0x4000  }
0xde: {  	[sflag:s19] =	ssyncset.done $0x0  }
0xdf: {  	[sflag:s19] =	ssyncadd.s32 $0xFFFFC000  }
0xe0: {  	v3 =	vld [tilespmem:$0x180];
	_ =	sdelay $0x4  }
0xe1: {  	v4 =	vshll.u32 v3, $0x3  }
0xe2: {  	v3 =	vand.u32 $0x7, v3;
	v4 =	vand.u32 $0xFFFFFFC0, v4  }
0xe3: {  	v3 =	vor.u32 v3, v4  }
0xe4: {  	v4 =	vperm.xlane v3, v0;
	_ =	sdelay $0x1  }
0xe5: {  	v4 =	vadd.s32 v1, v4;
	_ =	sdelay $0x4  }
0xe6: {  	[tilespmem:s5], [sflag:$0x1] =	stream.indirect_vreg.gather [hbm4b:s1+s29], $0x80, v4, vm0, $0xb8;
	[tilespmem:$0x14200] =	vst v63  }
0xe7: {  	s17 =	simm.s32 $0xA00;
	v3 =	vperm.xlane v3, v2  }
0xe8: {  	[tilespmem:s17], [sflag:$0x1] =	stream.indirect_vreg.gather [hbm4b:s9+s29], $0x80, v4, vm0, $0xb8;
	[tilespmem:$0x14200] =	vst v63  }
0xe9: {  	v3 =	vadd.s32 v1, v3  }
0xea: {  	[tilespmem:s7], [sflag:$0x1] =	stream.indirect_vreg.gather [hbm4b:s10+s29], $0x80, v4, vm0, $0xb8;
	[tilespmem:$0x14200] =	vst v63  }
0xeb: {  	_ = 	snop  }
0xec: {  	[tilespmem:s4], [sflag:$0x1] =	stream.indirect_vreg.gather [hbm4b:s11+s29], $0x80, v4, vm0, $0xb8;
	[tilespmem:$0x14200] =	vst v63  }
0xed: {  	_ = 	snop  }
0xee: {  	[tilespmem:s8], [sflag:$0x1] =	stream.indirect_vreg.gather [hbm4b:s1+s29], $0x80, v3, vm0, $0xb8;
	[tilespmem:$0x14200] =	vst v63  }
0xef: {  	_ = 	snop  }
0xf0: {  	[tilespmem:s12], [sflag:$0x1] =	stream.indirect_vreg.gather [hbm4b:s9+s29], $0x80, v3, vm0, $0xb8;
	[tilespmem:$0x14200] =	vst v63  }
0xf1: {  	_ = 	snop  }
0xf2: {  	[tilespmem:s14], [sflag:$0x1] =	stream.indirect_vreg.gather [hbm4b:s10+s29], $0x80, v3, vm0, $0xb8;
	[tilespmem:$0x14200] =	vst v63  }
0xf3: {  	_ = 	snop  }
0xf4: {  	[tilespmem:s15], [sflag:$0x1] =	stream.indirect_vreg.gather [hbm4b:s11+s29], $0x80, v3, vm0, $0xb8;
	[tilespmem:$0x14200] =	vst v63  }
0xf5: {  	_ =	swait.ge [sflag:s20], $0x4000  }
0xf6: {  	[sflag:s20] =	ssyncset.done $0x0  }
0xf7: {  	s30 =	simm.s32 $0x0;
	s31 =	simm.s32 $0x0;
	[sflag:s20] =	ssyncadd.s32 $0xFFFFC000  }
.LBB2_10:
0xf8: {  	s0 =	sshll.u32 s30, $0x2;
	s6 =	sand.u32 $0x7, s29  }
0xf9: {  	s0 =	sand.u32 $0xFFFF8000, s0;
	s6 =	sshll.u32 s6, $0x9  }
0xfa: {  	s0 =	sor.u32 s6, s0  }
0xfb: {  	s6 =	sshrl.u32 s0, $0x2  }
0xfc: {  	s0 =	sadd.s32 $0x8240, s6  }
0xfd: {  	s13 =	sadd.s32 $0xC240, s6;
	v4 =	vld [tilespmem:s0+$0x30]  }
0xfe: {  	v5 =	vld [tilespmem:s13+$0x30]  }
0xff: {  	v3 =	vld [tilespmem:s13+$0xFFFFFFC0]  }
0x100: {  	v6 =	vld [tilespmem:s0+$0xFFFFFFD0]  }
0x101: {  	v7 =	vld [tilespmem:s13+$0xFFFFFFD0]  }
0x102: {  	v8 =	vld [tilespmem:s0+$0xFFFFFFE0]  }
0x103: {  	v9 =	vld [tilespmem:s13+$0xFFFFFFE0]  }
0x104: {  	v10 =	vld [tilespmem:s0+$0xFFFFFFF0]  }
0x105: {  	v11 =	vld [tilespmem:s13+$0xFFFFFFF0]  }
0x106: {  	v12 =	vld [tilespmem:s0+$0x0]  }
0x107: {  	v13 =	vld [tilespmem:s13+$0x0];
	v5 =	vadd.f32 v5, v4  }
0x108: {  	v7 =	vadd.f32 v7, v6;
	v4 =	vld [tilespmem:s0+$0x10]  }
0x109: {  	v8 =	vadd.f32 v9, v8;
	v6 =	vld [tilespmem:s13+$0x10];
	[tilespmem:s0+$0x30] =	vst v5  }
0x10a: {  	v9 =	vadd.f32 v11, v10;
	[tilespmem:s0+$0xFFFFFFD0] =	vst v7;
	v5 =	vld [tilespmem:s0+$0x20]  }
0x10b: {  	[tilespmem:s0+$0xFFFFFFE0] =	vst v8;
	v8 =	vld [tilespmem:s13+$0x20]  }
0x10c: {  	s17 =	simm.s32 $0x0;
	s6 =	sadd.s32 $0x400, s0;
	v7 =	vld [tilespmem:s0+$0xFFFFFFC0];
	[tilespmem:s0+$0xFFFFFFF0] =	vst v9;
	v9 =	vadd.f32 v13, v12  }
.LBB2_11:
0x10d: {  	v10 =	vld [tilespmem:s6+$0x30];
	s13 =	sadd.s32 $0x400, s13  }
0x10e: {  	s17 =	sadd.s32 $0x80, s17;
	v11 =	vld [tilespmem:s13+$0x30];
	[tilespmem:s0+$0x0] =	vst v9;
	v4 =	vadd.f32 v6, v4  }
0x10f: {  	p0 =	slt.u32 s17, $0x380;
	v6 =	vld [tilespmem:s13+$0xFFFFFFC0]  }
0x110: {  	v9 =	vld [tilespmem:s6+$0xFFFFFFD0];
	[tilespmem:s0+$0x10] =	vst v4;
	v4 =	vadd.f32 v8, v5  }
0x111: {  	v5 =	vld [tilespmem:s13+$0xFFFFFFD0];
	v12 =	vadd.f32 v3, v7  }
0x112: {  	v7 =	vld [tilespmem:s6+$0xFFFFFFE0];
	[tilespmem:s0+$0x20] =	vst v4  }
0x113: {  	v4 =	vld [tilespmem:s13+$0xFFFFFFE0];
	v8 =	vadd.f32 v11, v10;
	[tilespmem:s0+$0xFFFFFFC0] =	vst v12;
	s0 =	smov.u32 s6  }
0x114: {  	v10 =	vld [tilespmem:s6+$0xFFFFFFF0];
	v3 =	vmov v6  }
0x115: {  	v11 =	vld [tilespmem:s13+$0xFFFFFFF0];
	[tilespmem:s6+$0x30] =	vst v8  }
0x116: {  	v5 =	vadd.f32 v5, v9;
	v9 =	vld [tilespmem:s6+$0x0]  }
0x117: {  	v12 =	vld [tilespmem:s13+$0x0]  }
.Ltmp4:
0x118: {  	[tilespmem:s6+$0xFFFFFFD0] =	vst v5;
	v5 =	vadd.f32 v4, v7;
	v4 =	vld [tilespmem:s6+$0x10];
	(pc) =	sbr.rel @p0 .LBB2_11-.Ltmp4, $4  }
0x119: {  	v6 =	vld [tilespmem:s13+$0x10]  }
0x11a: {  	[tilespmem:s6+$0xFFFFFFE0] =	vst v5;
	v10 =	vadd.f32 v11, v10;
	v5 =	vld [tilespmem:s6+$0x20]  }
0x11b: {  	v8 =	vld [tilespmem:s13+$0x20]  }
0x11c: {  	s6 =	sadd.s32 $0x400, s6;
	v7 =	vld [tilespmem:s0+$0xFFFFFFC0];
	[tilespmem:s0+$0xFFFFFFF0] =	vst v10;
	v9 =	vadd.f32 v12, v9  }
0x11d: {  	s31 =	sadd.s32 $0x1, s31  }
0x11e: {  	p0 =	sne.s32 s31, $0x10  }
.Ltmp5:
0x11f: {  	v4 =	vadd.f32 v6, v4;
	(pc) =	sbr.rel @p0 .LBB2_10-.Ltmp5, $4  }
0x120: {  	[tilespmem:s0+$0x0] =	vst v9;
	v5 =	vadd.f32 v8, v5  }
0x121: {  	[tilespmem:s0+$0x10] =	vst v4;
	v3 =	vadd.f32 v3, v7  }
0x122: {  	[tilespmem:s0+$0x20] =	vst v5  }
0x123: {  	s30 =	sadd.s32 $0x400, s30;
	s29 =	sadd.s32 $0x1, s29;
	[tilespmem:s0+$0xFFFFFFC0] =	vst v3  }
0x124: {  	s29 =	simm.s32 $0x0;
	s0 =	rddreg [dreg:$0xd]  }
0x125: {  	[hbm4b:s0+s29] =	stream.linear.scatter [tilespmem:s26], [sflag:$0x6], $0x4000, $0x38;
	[tilespmem:$0x14200] =	vst v63  }
0x126: {  	_ =	swait.ge [sflag:s21], $0x4000  }
0x127: {  	[sflag:s21] =	ssyncset.done $0x0  }
0x128: {  	[sflag:s21] =	ssyncadd.s32 $0xFFFFC000  }
0x129: {  	v3 =	vld [tilespmem:$0x10];
	_ =	sdelay $0x4  }
0x12a: {  	v4 =	vshll.u32 v3, $0x3  }
0x12b: {  	v3 =	vand.u32 $0x7, v3;
	v4 =	vand.u32 $0xFFFFFFC0, v4  }
0x12c: {  	v3 =	vor.u32 v3, v4  }
0x12d: {  	v4 =	vperm.xlane v3, v0;
	_ =	sdelay $0x1  }
0x12e: {  	v4 =	vadd.s32 v1, v4;
	_ =	sdelay $0x4  }
0x12f: {  	[tilespmem:s16], [sflag:$0x2] =	stream.indirect_vreg.gather [hbm4b:s1+s29], $0x80, v4, vm0, $0xb8;
	[tilespmem:$0x14200] =	vst v63  }
0x130: {  	s17 =	simm.s32 $0x4A00;
	v3 =	vperm.xlane v3, v2  }
0x131: {  	[tilespmem:s17], [sflag:$0x2] =	stream.indirect_vreg.gather [hbm4b:s9+s29], $0x80, v4, vm0, $0xb8;
	[tilespmem:$0x14200] =	vst v63  }
0x132: {  	s6 =	simm.s32 $0x5200;
	v3 =	vadd.s32 v1, v3  }
0x133: {  	[tilespmem:s6], [sflag:$0x2] =	stream.indirect_vreg.gather [hbm4b:s10+s29], $0x80, v4, vm0, $0xb8;
	[tilespmem:$0x14200] =	vst v63  }
0x134: {  	s13 =	simm.s32 $0x5A00  }
0x135: {  	[tilespmem:s13], [sflag:$0x2] =	stream.indirect_vreg.gather [hbm4b:s11+s29], $0x80, v4, vm0, $0xb8;
	[tilespmem:$0x14200] =	vst v63  }
0x136: {  	s17 =	simm.s32 $0x6200  }
0x137: {  	[tilespmem:s17], [sflag:$0x2] =	stream.indirect_vreg.gather [hbm4b:s1+s29], $0x80, v3, vm0, $0xb8;
	[tilespmem:$0x14200] =	vst v63  }
0x138: {  	s6 =	simm.s32 $0x6A00  }
0x139: {  	[tilespmem:s6], [sflag:$0x2] =	stream.indirect_vreg.gather [hbm4b:s9+s29], $0x80, v3, vm0, $0xb8;
	[tilespmem:$0x14200] =	vst v63  }
0x13a: {  	s13 =	simm.s32 $0x7200  }
0x13b: {  	[tilespmem:s13], [sflag:$0x2] =	stream.indirect_vreg.gather [hbm4b:s10+s29], $0x80, v3, vm0, $0xb8;
	[tilespmem:$0x14200] =	vst v63  }
0x13c: {  	s17 =	simm.s32 $0x7A00  }
0x13d: {  	[tilespmem:s17], [sflag:$0x2] =	stream.indirect_vreg.gather [hbm4b:s11+s29], $0x80, v3, vm0, $0xb8;
	[tilespmem:$0x14200] =	vst v63  }
0x13e: {  	_ =	swait.ge [sflag:s25], $0x4000  }
0x13f: {  	[sflag:s25] =	ssyncset.done $0x0  }
0x140: {  	s30 =	simm.s32 $0x0;
	s31 =	simm.s32 $0x0;
	[sflag:s25] =	ssyncadd.s32 $0xFFFFC000  }
.LBB2_14:
0x141: {  	s0 =	sshll.u32 s30, $0x2;
	s6 =	sand.u32 $0x7, s29  }
0x142: {  	s0 =	sand.u32 $0xFFFF8000, s0;
	s6 =	sshll.u32 s6, $0x9  }
0x143: {  	s0 =	sor.u32 s6, s0  }
0x144: {  	s6 =	sshrl.u32 s0, $0x2  }
0x145: {  	s0 =	sadd.s32 $0x240, s6  }
0x146: {  	s13 =	sadd.s32 $0xC240, s6;
	v4 =	vld [tilespmem:s0+$0x30]  }
0x147: {  	v5 =	vld [tilespmem:s13+$0x30]  }
0x148: {  	v3 =	vld [tilespmem:s13+$0xFFFFFFC0]  }
0x149: {  	v6 =	vld [tilespmem:s0+$0xFFFFFFD0]  }
0x14a: {  	v7 =	vld [tilespmem:s13+$0xFFFFFFD0]  }
0x14b: {  	v8 =	vld [tilespmem:s0+$0xFFFFFFE0]  }
0x14c: {  	v9 =	vld [tilespmem:s13+$0xFFFFFFE0]  }
0x14d: {  	v10 =	vld [tilespmem:s0+$0xFFFFFFF0]  }
0x14e: {  	v11 =	vld [tilespmem:s13+$0xFFFFFFF0]  }
0x14f: {  	v12 =	vld [tilespmem:s0+$0x0]  }
0x150: {  	v13 =	vld [tilespmem:s13+$0x0];
	v5 =	vadd.f32 v5, v4  }
0x151: {  	v7 =	vadd.f32 v7, v6;
	v4 =	vld [tilespmem:s0+$0x10]  }
0x152: {  	v8 =	vadd.f32 v9, v8;
	v6 =	vld [tilespmem:s13+$0x10];
	[tilespmem:s0+$0x30] =	vst v5  }
0x153: {  	v9 =	vadd.f32 v11, v10;
	[tilespmem:s0+$0xFFFFFFD0] =	vst v7;
	v5 =	vld [tilespmem:s0+$0x20]  }
0x154: {  	[tilespmem:s0+$0xFFFFFFE0] =	vst v8;
	v8 =	vld [tilespmem:s13+$0x20]  }
0x155: {  	s17 =	simm.s32 $0x0;
	s6 =	sadd.s32 $0x400, s0;
	v7 =	vld [tilespmem:s0+$0xFFFFFFC0];
	[tilespmem:s0+$0xFFFFFFF0] =	vst v9;
	v9 =	vadd.f32 v13, v12  }
.LBB2_15:
0x156: {  	v10 =	vld [tilespmem:s6+$0x30];
	s13 =	sadd.s32 $0x400, s13  }
0x157: {  	s17 =	sadd.s32 $0x80, s17;
	v11 =	vld [tilespmem:s13+$0x30];
	[tilespmem:s0+$0x0] =	vst v9;
	v4 =	vadd.f32 v6, v4  }
0x158: {  	p0 =	slt.u32 s17, $0x380;
	v6 =	vld [tilespmem:s13+$0xFFFFFFC0]  }
0x159: {  	v9 =	vld [tilespmem:s6+$0xFFFFFFD0];
	[tilespmem:s0+$0x10] =	vst v4;
	v4 =	vadd.f32 v8, v5  }
0x15a: {  	v5 =	vld [tilespmem:s13+$0xFFFFFFD0];
	v12 =	vadd.f32 v3, v7  }
0x15b: {  	v7 =	vld [tilespmem:s6+$0xFFFFFFE0];
	[tilespmem:s0+$0x20] =	vst v4  }
0x15c: {  	v4 =	vld [tilespmem:s13+$0xFFFFFFE0];
	v8 =	vadd.f32 v11, v10;
	[tilespmem:s0+$0xFFFFFFC0] =	vst v12;
	s0 =	smov.u32 s6  }
0x15d: {  	v10 =	vld [tilespmem:s6+$0xFFFFFFF0];
	v3 =	vmov v6  }
0x15e: {  	v11 =	vld [tilespmem:s13+$0xFFFFFFF0];
	[tilespmem:s6+$0x30] =	vst v8  }
0x15f: {  	v5 =	vadd.f32 v5, v9;
	v9 =	vld [tilespmem:s6+$0x0]  }
0x160: {  	v12 =	vld [tilespmem:s13+$0x0]  }
.Ltmp6:
0x161: {  	[tilespmem:s6+$0xFFFFFFD0] =	vst v5;
	v5 =	vadd.f32 v4, v7;
	v4 =	vld [tilespmem:s6+$0x10];
	(pc) =	sbr.rel @p0 .LBB2_15-.Ltmp6, $4  }
0x162: {  	v6 =	vld [tilespmem:s13+$0x10]  }
0x163: {  	[tilespmem:s6+$0xFFFFFFE0] =	vst v5;
	v10 =	vadd.f32 v11, v10;
	v5 =	vld [tilespmem:s6+$0x20]  }
0x164: {  	v8 =	vld [tilespmem:s13+$0x20]  }
0x165: {  	s6 =	sadd.s32 $0x400, s6;
	v7 =	vld [tilespmem:s0+$0xFFFFFFC0];
	[tilespmem:s0+$0xFFFFFFF0] =	vst v10;
	v9 =	vadd.f32 v12, v9  }
0x166: {  	s31 =	sadd.s32 $0x1, s31  }
0x167: {  	p0 =	sne.s32 s31, $0x10  }
.Ltmp7:
0x168: {  	v4 =	vadd.f32 v6, v4;
	(pc) =	sbr.rel @p0 .LBB2_14-.Ltmp7, $4  }
0x169: {  	[tilespmem:s0+$0x0] =	vst v9;
	v5 =	vadd.f32 v8, v5  }
0x16a: {  	[tilespmem:s0+$0x10] =	vst v4;
	v3 =	vadd.f32 v3, v7  }
0x16b: {  	[tilespmem:s0+$0x20] =	vst v5  }
0x16c: {  	s30 =	sadd.s32 $0x400, s30;
	s29 =	sadd.s32 $0x1, s29;
	[tilespmem:s0+$0xFFFFFFC0] =	vst v3  }
0x16d: {  	s29 =	simm.s32 $0x0;
	s0 =	rddreg [dreg:$0xe]  }
0x16e: {  	[hbm4b:s0+s29] =	stream.linear.scatter [tilespmem:s5], [sflag:$0x4], $0x4000, $0x38;
	[tilespmem:$0x14200] =	vst v63  }
0x16f: {  	_ =	swait.ge [sflag:s22], $0x4000  }
0x170: {  	[sflag:s22] =	ssyncset.done $0x0  }
0x171: {  	[sflag:s22] =	ssyncadd.s32 $0xFFFFC000  }
0x172: {  	v3 =	vld [tilespmem:$0x90];
	_ =	sdelay $0x4  }
0x173: {  	v4 =	vshll.u32 v3, $0x3  }
0x174: {  	v3 =	vand.u32 $0x7, v3;
	v4 =	vand.u32 $0xFFFFFFC0, v4  }
0x175: {  	v3 =	vor.u32 v3, v4  }
0x176: {  	v4 =	vperm.xlane v3, v0;
	_ =	sdelay $0x1  }
0x177: {  	v4 =	vadd.s32 v1, v4;
	_ =	sdelay $0x4  }
0x178: {  	[tilespmem:s26], [sflag:$0x3] =	stream.indirect_vreg.gather [hbm4b:s1+s29], $0x80, v4, vm0, $0xb8;
	[tilespmem:$0x14200] =	vst v63  }
0x179: {  	s13 =	simm.s32 $0x8A00;
	v3 =	vperm.xlane v3, v2  }
0x17a: {  	[tilespmem:s13], [sflag:$0x3] =	stream.indirect_vreg.gather [hbm4b:s9+s29], $0x80, v4, vm0, $0xb8;
	[tilespmem:$0x14200] =	vst v63  }
0x17b: {  	s17 =	simm.s32 $0x9200;
	v3 =	vadd.s32 v1, v3  }
0x17c: {  	[tilespmem:s17], [sflag:$0x3] =	stream.indirect_vreg.gather [hbm4b:s10+s29], $0x80, v4, vm0, $0xb8;
	[tilespmem:$0x14200] =	vst v63  }
0x17d: {  	s6 =	simm.s32 $0x9A00  }
0x17e: {  	[tilespmem:s6], [sflag:$0x3] =	stream.indirect_vreg.gather [hbm4b:s11+s29], $0x80, v4, vm0, $0xb8;
	[tilespmem:$0x14200] =	vst v63  }
0x17f: {  	s13 =	simm.s32 $0xA200  }
0x180: {  	[tilespmem:s13], [sflag:$0x3] =	stream.indirect_vreg.gather [hbm4b:s1+s29], $0x80, v3, vm0, $0xb8;
	[tilespmem:$0x14200] =	vst v63  }
0x181: {  	s17 =	simm.s32 $0xAA00  }
0x182: {  	[tilespmem:s17], [sflag:$0x3] =	stream.indirect_vreg.gather [hbm4b:s9+s29], $0x80, v3, vm0, $0xb8;
	[tilespmem:$0x14200] =	vst v63  }
0x183: {  	s6 =	simm.s32 $0xB200  }
0x184: {  	[tilespmem:s6], [sflag:$0x3] =	stream.indirect_vreg.gather [hbm4b:s10+s29], $0x80, v3, vm0, $0xb8;
	[tilespmem:$0x14200] =	vst v63  }
0x185: {  	s13 =	simm.s32 $0xBA00  }
0x186: {  	[tilespmem:s13], [sflag:$0x3] =	stream.indirect_vreg.gather [hbm4b:s11+s29], $0x80, v3, vm0, $0xb8;
	[tilespmem:$0x14200] =	vst v63  }
0x187: {  	_ =	swait.ge [sflag:s23], $0x4000  }
0x188: {  	[sflag:s23] =	ssyncset.done $0x0  }
0x189: {  	s6 =	simm.s32 $0xC200;
	s17 =	rddreg [dreg:$0xf];
	[sflag:s23] =	ssyncadd.s32 $0xFFFFC000  }
0x18a: {  	[tilespmem:s6], [sflag:$0x7] =	stream.linear.gather [hbm4b:s17+s29], $0x4000, $0x38;
	[tilespmem:$0x14200] =	vst v63  }
0x18b: {  	_ =	swait.ge [sflag:s18], $0x4000  }
0x18c: {  	[sflag:s18] =	ssyncset.done $0x0  }
0x18d: {  	s30 =	simm.s32 $0x0;
	s31 =	simm.s32 $0x0;
	[sflag:s18] =	ssyncadd.s32 $0xFFFFC000  }
.LBB2_18:
0x18e: {  	s0 =	sshll.u32 s30, $0x2;
	s6 =	sand.u32 $0x7, s29  }
0x18f: {  	s0 =	sand.u32 $0xFFFF8000, s0;
	s6 =	sshll.u32 s6, $0x9  }
0x190: {  	s0 =	sor.u32 s6, s0  }
0x191: {  	s6 =	sshrl.u32 s0, $0x2  }
0x192: {  	s0 =	sadd.s32 $0x4240, s6  }
0x193: {  	s13 =	sadd.s32 $0x10240, s6;
	v4 =	vld [tilespmem:s0+$0x30]  }
0x194: {  	v5 =	vld [tilespmem:s13+$0x30]  }
0x195: {  	v3 =	vld [tilespmem:s13+$0xFFFFFFC0]  }
0x196: {  	v6 =	vld [tilespmem:s0+$0xFFFFFFD0]  }
0x197: {  	v7 =	vld [tilespmem:s13+$0xFFFFFFD0]  }
0x198: {  	v8 =	vld [tilespmem:s0+$0xFFFFFFE0]  }
0x199: {  	v9 =	vld [tilespmem:s13+$0xFFFFFFE0]  }
0x19a: {  	v10 =	vld [tilespmem:s0+$0xFFFFFFF0]  }
0x19b: {  	v11 =	vld [tilespmem:s13+$0xFFFFFFF0]  }
0x19c: {  	v12 =	vld [tilespmem:s0+$0x0]  }
0x19d: {  	v13 =	vld [tilespmem:s13+$0x0];
	v5 =	vadd.f32 v5, v4  }
0x19e: {  	v7 =	vadd.f32 v7, v6;
	v4 =	vld [tilespmem:s0+$0x10]  }
0x19f: {  	v8 =	vadd.f32 v9, v8;
	v6 =	vld [tilespmem:s13+$0x10];
	[tilespmem:s0+$0x30] =	vst v5  }
0x1a0: {  	v9 =	vadd.f32 v11, v10;
	[tilespmem:s0+$0xFFFFFFD0] =	vst v7;
	v5 =	vld [tilespmem:s0+$0x20]  }
0x1a1: {  	[tilespmem:s0+$0xFFFFFFE0] =	vst v8;
	v8 =	vld [tilespmem:s13+$0x20]  }
0x1a2: {  	s17 =	simm.s32 $0x0;
	s6 =	sadd.s32 $0x400, s0;
	v7 =	vld [tilespmem:s0+$0xFFFFFFC0];
	[tilespmem:s0+$0xFFFFFFF0] =	vst v9;
	v9 =	vadd.f32 v13, v12  }
.LBB2_19:
0x1a3: {  	v10 =	vld [tilespmem:s6+$0x30];
	s13 =	sadd.s32 $0x400, s13  }
0x1a4: {  	s17 =	sadd.s32 $0x80, s17;
	v11 =	vld [tilespmem:s13+$0x30];
	[tilespmem:s0+$0x0] =	vst v9;
	v4 =	vadd.f32 v6, v4  }
0x1a5: {  	p0 =	slt.u32 s17, $0x380;
	v6 =	vld [tilespmem:s13+$0xFFFFFFC0]  }
0x1a6: {  	v9 =	vld [tilespmem:s6+$0xFFFFFFD0];
	[tilespmem:s0+$0x10] =	vst v4;
	v4 =	vadd.f32 v8, v5  }
0x1a7: {  	v5 =	vld [tilespmem:s13+$0xFFFFFFD0];
	v12 =	vadd.f32 v3, v7  }
0x1a8: {  	v7 =	vld [tilespmem:s6+$0xFFFFFFE0];
	[tilespmem:s0+$0x20] =	vst v4  }
0x1a9: {  	v4 =	vld [tilespmem:s13+$0xFFFFFFE0];
	v8 =	vadd.f32 v11, v10;
	[tilespmem:s0+$0xFFFFFFC0] =	vst v12;
	s0 =	smov.u32 s6  }
0x1aa: {  	v10 =	vld [tilespmem:s6+$0xFFFFFFF0];
	v3 =	vmov v6  }
0x1ab: {  	v11 =	vld [tilespmem:s13+$0xFFFFFFF0];
	[tilespmem:s6+$0x30] =	vst v8  }
0x1ac: {  	v5 =	vadd.f32 v5, v9;
	v9 =	vld [tilespmem:s6+$0x0]  }
0x1ad: {  	v12 =	vld [tilespmem:s13+$0x0]  }
.Ltmp8:
0x1ae: {  	[tilespmem:s6+$0xFFFFFFD0] =	vst v5;
	v5 =	vadd.f32 v4, v7;
	v4 =	vld [tilespmem:s6+$0x10];
	(pc) =	sbr.rel @p0 .LBB2_19-.Ltmp8, $4  }
0x1af: {  	v6 =	vld [tilespmem:s13+$0x10]  }
0x1b0: {  	[tilespmem:s6+$0xFFFFFFE0] =	vst v5;
	v10 =	vadd.f32 v11, v10;
	v5 =	vld [tilespmem:s6+$0x20]  }
0x1b1: {  	v8 =	vld [tilespmem:s13+$0x20]  }
0x1b2: {  	s6 =	sadd.s32 $0x400, s6;
	v7 =	vld [tilespmem:s0+$0xFFFFFFC0];
	[tilespmem:s0+$0xFFFFFFF0] =	vst v10;
	v9 =	vadd.f32 v12, v9  }
0x1b3: {  	s31 =	sadd.s32 $0x1, s31  }
0x1b4: {  	p0 =	sne.s32 s31, $0x10  }
.Ltmp9:
0x1b5: {  	v4 =	vadd.f32 v6, v4;
	(pc) =	sbr.rel @p0 .LBB2_18-.Ltmp9, $4  }
0x1b6: {  	[tilespmem:s0+$0x0] =	vst v9;
	v5 =	vadd.f32 v8, v5  }
0x1b7: {  	[tilespmem:s0+$0x10] =	vst v4;
	v3 =	vadd.f32 v3, v7  }
0x1b8: {  	[tilespmem:s0+$0x20] =	vst v5  }
0x1b9: {  	s30 =	sadd.s32 $0x400, s30;
	s29 =	sadd.s32 $0x1, s29;
	[tilespmem:s0+$0xFFFFFFC0] =	vst v3  }
0x1ba: {  	s29 =	simm.s32 $0x0;
	s0 =	rddreg [dreg:$0x10]  }
0x1bb: {  	[hbm4b:s0+s29] =	stream.linear.scatter [tilespmem:s16], [sflag:$0x5], $0x4000, $0x38;
	[tilespmem:$0x14200] =	vst v63  }
0x1bc: {  	_ =	swait.ge [sflag:s19], $0x4000  }
0x1bd: {  	[sflag:s19] =	ssyncset.done $0x0  }
0x1be: {  	[sflag:s19] =	ssyncadd.s32 $0xFFFFC000  }
0x1bf: {  	v3 =	vld [tilespmem:$0x110];
	_ =	sdelay $0x4  }
0x1c0: {  	v4 =	vshll.u32 v3, $0x3  }
0x1c1: {  	v3 =	vand.u32 $0x7, v3;
	v4 =	vand.u32 $0xFFFFFFC0, v4  }
0x1c2: {  	v3 =	vor.u32 v3, v4  }
0x1c3: {  	v4 =	vperm.xlane v3, v0;
	_ =	sdelay $0x1  }
0x1c4: {  	v4 =	vadd.s32 v1, v4;
	_ =	sdelay $0x4  }
0x1c5: {  	[tilespmem:s5], [sflag:$0x1] =	stream.indirect_vreg.gather [hbm4b:s1+s29], $0x80, v4, vm0, $0xb8;
	[tilespmem:$0x14200] =	vst v63  }
0x1c6: {  	s17 =	simm.s32 $0xA00;
	v3 =	vperm.xlane v3, v2  }
0x1c7: {  	[tilespmem:s17], [sflag:$0x1] =	stream.indirect_vreg.gather [hbm4b:s9+s29], $0x80, v4, vm0, $0xb8;
	[tilespmem:$0x14200] =	vst v63  }
0x1c8: {  	v3 =	vadd.s32 v1, v3  }
0x1c9: {  	[tilespmem:s7], [sflag:$0x1] =	stream.indirect_vreg.gather [hbm4b:s10+s29], $0x80, v4, vm0, $0xb8;
	[tilespmem:$0x14200] =	vst v63  }
0x1ca: {  	_ = 	snop  }
0x1cb: {  	[tilespmem:s4], [sflag:$0x1] =	stream.indirect_vreg.gather [hbm4b:s11+s29], $0x80, v4, vm0, $0xb8;
	[tilespmem:$0x14200] =	vst v63  }
0x1cc: {  	_ = 	snop  }
0x1cd: {  	[tilespmem:s8], [sflag:$0x1] =	stream.indirect_vreg.gather [hbm4b:s1+s29], $0x80, v3, vm0, $0xb8;
	[tilespmem:$0x14200] =	vst v63  }
0x1ce: {  	_ = 	snop  }
0x1cf: {  	[tilespmem:s12], [sflag:$0x1] =	stream.indirect_vreg.gather [hbm4b:s9+s29], $0x80, v3, vm0, $0xb8;
	[tilespmem:$0x14200] =	vst v63  }
0x1d0: {  	_ = 	snop  }
0x1d1: {  	[tilespmem:s14], [sflag:$0x1] =	stream.indirect_vreg.gather [hbm4b:s10+s29], $0x80, v3, vm0, $0xb8;
	[tilespmem:$0x14200] =	vst v63  }
0x1d2: {  	_ = 	snop  }
0x1d3: {  	[tilespmem:s15], [sflag:$0x1] =	stream.indirect_vreg.gather [hbm4b:s11+s29], $0x80, v3, vm0, $0xb8;
	[tilespmem:$0x14200] =	vst v63  }
0x1d4: {  	_ =	swait.ge [sflag:s20], $0x4000  }
0x1d5: {  	[sflag:s20] =	ssyncset.done $0x0  }
0x1d6: {  	s30 =	simm.s32 $0x0;
	s31 =	simm.s32 $0x0;
	[sflag:s20] =	ssyncadd.s32 $0xFFFFC000  }
.LBB2_22:
0x1d7: {  	s0 =	sshll.u32 s30, $0x2;
	s6 =	sand.u32 $0x7, s29  }
0x1d8: {  	s0 =	sand.u32 $0xFFFF8000, s0;
	s6 =	sshll.u32 s6, $0x9  }
0x1d9: {  	s0 =	sor.u32 s6, s0  }
0x1da: {  	s6 =	sshrl.u32 s0, $0x2  }
0x1db: {  	s0 =	sadd.s32 $0x8240, s6  }
0x1dc: {  	s13 =	sadd.s32 $0x10240, s6;
	v4 =	vld [tilespmem:s0+$0x30]  }
0x1dd: {  	v5 =	vld [tilespmem:s13+$0x30]  }
0x1de: {  	v3 =	vld [tilespmem:s13+$0xFFFFFFC0]  }
0x1df: {  	v6 =	vld [tilespmem:s0+$0xFFFFFFD0]  }
0x1e0: {  	v7 =	vld [tilespmem:s13+$0xFFFFFFD0]  }
0x1e1: {  	v8 =	vld [tilespmem:s0+$0xFFFFFFE0]  }
0x1e2: {  	v9 =	vld [tilespmem:s13+$0xFFFFFFE0]  }
0x1e3: {  	v10 =	vld [tilespmem:s0+$0xFFFFFFF0]  }
0x1e4: {  	v11 =	vld [tilespmem:s13+$0xFFFFFFF0]  }
0x1e5: {  	v12 =	vld [tilespmem:s0+$0x0]  }
0x1e6: {  	v13 =	vld [tilespmem:s13+$0x0];
	v5 =	vadd.f32 v5, v4  }
0x1e7: {  	v7 =	vadd.f32 v7, v6;
	v4 =	vld [tilespmem:s0+$0x10]  }
0x1e8: {  	v8 =	vadd.f32 v9, v8;
	v6 =	vld [tilespmem:s13+$0x10];
	[tilespmem:s0+$0x30] =	vst v5  }
0x1e9: {  	v9 =	vadd.f32 v11, v10;
	[tilespmem:s0+$0xFFFFFFD0] =	vst v7;
	v5 =	vld [tilespmem:s0+$0x20]  }
0x1ea: {  	[tilespmem:s0+$0xFFFFFFE0] =	vst v8;
	v8 =	vld [tilespmem:s13+$0x20]  }
0x1eb: {  	s17 =	simm.s32 $0x0;
	s6 =	sadd.s32 $0x400, s0;
	v7 =	vld [tilespmem:s0+$0xFFFFFFC0];
	[tilespmem:s0+$0xFFFFFFF0] =	vst v9;
	v9 =	vadd.f32 v13, v12  }
.LBB2_23:
0x1ec: {  	v10 =	vld [tilespmem:s6+$0x30];
	s13 =	sadd.s32 $0x400, s13  }
0x1ed: {  	s17 =	sadd.s32 $0x80, s17;
	v11 =	vld [tilespmem:s13+$0x30];
	[tilespmem:s0+$0x0] =	vst v9;
	v4 =	vadd.f32 v6, v4  }
0x1ee: {  	p0 =	slt.u32 s17, $0x380;
	v6 =	vld [tilespmem:s13+$0xFFFFFFC0]  }
0x1ef: {  	v9 =	vld [tilespmem:s6+$0xFFFFFFD0];
	[tilespmem:s0+$0x10] =	vst v4;
	v4 =	vadd.f32 v8, v5  }
0x1f0: {  	v5 =	vld [tilespmem:s13+$0xFFFFFFD0];
	v12 =	vadd.f32 v3, v7  }
0x1f1: {  	v7 =	vld [tilespmem:s6+$0xFFFFFFE0];
	[tilespmem:s0+$0x20] =	vst v4  }
0x1f2: {  	v4 =	vld [tilespmem:s13+$0xFFFFFFE0];
	v8 =	vadd.f32 v11, v10;
	[tilespmem:s0+$0xFFFFFFC0] =	vst v12;
	s0 =	smov.u32 s6  }
0x1f3: {  	v10 =	vld [tilespmem:s6+$0xFFFFFFF0];
	v3 =	vmov v6  }
0x1f4: {  	v11 =	vld [tilespmem:s13+$0xFFFFFFF0];
	[tilespmem:s6+$0x30] =	vst v8  }
0x1f5: {  	v5 =	vadd.f32 v5, v9;
	v9 =	vld [tilespmem:s6+$0x0]  }
0x1f6: {  	v12 =	vld [tilespmem:s13+$0x0]  }
.Ltmp10:
0x1f7: {  	[tilespmem:s6+$0xFFFFFFD0] =	vst v5;
	v5 =	vadd.f32 v4, v7;
	v4 =	vld [tilespmem:s6+$0x10];
	(pc) =	sbr.rel @p0 .LBB2_23-.Ltmp10, $4  }
0x1f8: {  	v6 =	vld [tilespmem:s13+$0x10]  }
0x1f9: {  	[tilespmem:s6+$0xFFFFFFE0] =	vst v5;
	v10 =	vadd.f32 v11, v10;
	v5 =	vld [tilespmem:s6+$0x20]  }
0x1fa: {  	v8 =	vld [tilespmem:s13+$0x20]  }
0x1fb: {  	s6 =	sadd.s32 $0x400, s6;
	v7 =	vld [tilespmem:s0+$0xFFFFFFC0];
	[tilespmem:s0+$0xFFFFFFF0] =	vst v10;
	v9 =	vadd.f32 v12, v9  }
0x1fc: {  	s31 =	sadd.s32 $0x1, s31  }
0x1fd: {  	p0 =	sne.s32 s31, $0x10  }
.Ltmp11:
0x1fe: {  	v4 =	vadd.f32 v6, v4;
	(pc) =	sbr.rel @p0 .LBB2_22-.Ltmp11, $4  }
0x1ff: {  	[tilespmem:s0+$0x0] =	vst v9;
	v5 =	vadd.f32 v8, v5  }
0x200: {  	[tilespmem:s0+$0x10] =	vst v4;
	v3 =	vadd.f32 v3, v7  }
0x201: {  	[tilespmem:s0+$0x20] =	vst v5  }
0x202: {  	s30 =	sadd.s32 $0x400, s30;
	s29 =	sadd.s32 $0x1, s29;
	[tilespmem:s0+$0xFFFFFFC0] =	vst v3  }
0x203: {  	s29 =	simm.s32 $0x0;
	s0 =	rddreg [dreg:$0x11]  }
0x204: {  	[hbm4b:s0+s29] =	stream.linear.scatter [tilespmem:s26], [sflag:$0x6], $0x4000, $0x38;
	[tilespmem:$0x14200] =	vst v63  }
0x205: {  	_ =	swait.ge [sflag:s21], $0x4000  }
0x206: {  	[sflag:s21] =	ssyncset.done $0x0  }
0x207: {  	[sflag:s21] =	ssyncadd.s32 $0xFFFFC000  }
0x208: {  	v3 =	vld [tilespmem:$0x190];
	_ =	sdelay $0x4  }
0x209: {  	v4 =	vshll.u32 v3, $0x3  }
0x20a: {  	v3 =	vand.u32 $0x7, v3;
	v4 =	vand.u32 $0xFFFFFFC0, v4  }
0x20b: {  	v3 =	vor.u32 v3, v4  }
0x20c: {  	v4 =	vperm.xlane v3, v0;
	_ =	sdelay $0x1  }
0x20d: {  	v4 =	vadd.s32 v1, v4;
	_ =	sdelay $0x4  }
0x20e: {  	[tilespmem:s16], [sflag:$0x2] =	stream.indirect_vreg.gather [hbm4b:s1+s29], $0x80, v4, vm0, $0xb8;
	[tilespmem:$0x14200] =	vst v63  }
0x20f: {  	s17 =	simm.s32 $0x4A00;
	v3 =	vperm.xlane v3, v2  }
0x210: {  	[tilespmem:s17], [sflag:$0x2] =	stream.indirect_vreg.gather [hbm4b:s9+s29], $0x80, v4, vm0, $0xb8;
	[tilespmem:$0x14200] =	vst v63  }
0x211: {  	s6 =	simm.s32 $0x5200;
	v3 =	vadd.s32 v1, v3  }
0x212: {  	[tilespmem:s6], [sflag:$0x2] =	stream.indirect_vreg.gather [hbm4b:s10+s29], $0x80, v4, vm0, $0xb8;
	[tilespmem:$0x14200] =	vst v63  }
0x213: {  	s13 =	simm.s32 $0x5A00  }
0x214: {  	[tilespmem:s13], [sflag:$0x2] =	stream.indirect_vreg.gather [hbm4b:s11+s29], $0x80, v4, vm0, $0xb8;
	[tilespmem:$0x14200] =	vst v63  }
0x215: {  	s17 =	simm.s32 $0x6200  }
0x216: {  	[tilespmem:s17], [sflag:$0x2] =	stream.indirect_vreg.gather [hbm4b:s1+s29], $0x80, v3, vm0, $0xb8;
	[tilespmem:$0x14200] =	vst v63  }
0x217: {  	s6 =	simm.s32 $0x6A00  }
0x218: {  	[tilespmem:s6], [sflag:$0x2] =	stream.indirect_vreg.gather [hbm4b:s9+s29], $0x80, v3, vm0, $0xb8;
	[tilespmem:$0x14200] =	vst v63  }
0x219: {  	s13 =	simm.s32 $0x7200  }
0x21a: {  	[tilespmem:s13], [sflag:$0x2] =	stream.indirect_vreg.gather [hbm4b:s10+s29], $0x80, v3, vm0, $0xb8;
	[tilespmem:$0x14200] =	vst v63  }
0x21b: {  	s17 =	simm.s32 $0x7A00  }
0x21c: {  	[tilespmem:s17], [sflag:$0x2] =	stream.indirect_vreg.gather [hbm4b:s11+s29], $0x80, v3, vm0, $0xb8;
	[tilespmem:$0x14200] =	vst v63  }
0x21d: {  	_ =	swait.ge [sflag:s25], $0x4000  }
0x21e: {  	[sflag:s25] =	ssyncset.done $0x0  }
0x21f: {  	s30 =	simm.s32 $0x0;
	s31 =	simm.s32 $0x0;
	[sflag:s25] =	ssyncadd.s32 $0xFFFFC000  }
.LBB2_26:
0x220: {  	s0 =	sshll.u32 s30, $0x2;
	s6 =	sand.u32 $0x7, s29  }
0x221: {  	s0 =	sand.u32 $0xFFFF8000, s0;
	s6 =	sshll.u32 s6, $0x9  }
0x222: {  	s0 =	sor.u32 s6, s0  }
0x223: {  	s6 =	sshrl.u32 s0, $0x2  }
0x224: {  	s0 =	sadd.s32 $0x240, s6  }
0x225: {  	s13 =	sadd.s32 $0x10240, s6;
	v4 =	vld [tilespmem:s0+$0x30]  }
0x226: {  	v5 =	vld [tilespmem:s13+$0x30]  }
0x227: {  	v3 =	vld [tilespmem:s13+$0xFFFFFFC0]  }
0x228: {  	v6 =	vld [tilespmem:s0+$0xFFFFFFD0]  }
0x229: {  	v7 =	vld [tilespmem:s13+$0xFFFFFFD0]  }
0x22a: {  	v8 =	vld [tilespmem:s0+$0xFFFFFFE0]  }
0x22b: {  	v9 =	vld [tilespmem:s13+$0xFFFFFFE0]  }
0x22c: {  	v10 =	vld [tilespmem:s0+$0xFFFFFFF0]  }
0x22d: {  	v11 =	vld [tilespmem:s13+$0xFFFFFFF0]  }
0x22e: {  	v12 =	vld [tilespmem:s0+$0x0]  }
0x22f: {  	v13 =	vld [tilespmem:s13+$0x0];
	v5 =	vadd.f32 v5, v4  }
0x230: {  	v7 =	vadd.f32 v7, v6;
	v4 =	vld [tilespmem:s0+$0x10]  }
0x231: {  	v8 =	vadd.f32 v9, v8;
	v6 =	vld [tilespmem:s13+$0x10];
	[tilespmem:s0+$0x30] =	vst v5  }
0x232: {  	v9 =	vadd.f32 v11, v10;
	[tilespmem:s0+$0xFFFFFFD0] =	vst v7;
	v5 =	vld [tilespmem:s0+$0x20]  }
0x233: {  	[tilespmem:s0+$0xFFFFFFE0] =	vst v8;
	v8 =	vld [tilespmem:s13+$0x20]  }
0x234: {  	s17 =	simm.s32 $0x0;
	s6 =	sadd.s32 $0x400, s0;
	v7 =	vld [tilespmem:s0+$0xFFFFFFC0];
	[tilespmem:s0+$0xFFFFFFF0] =	vst v9;
	v9 =	vadd.f32 v13, v12  }
.LBB2_27:
0x235: {  	v10 =	vld [tilespmem:s6+$0x30];
	s13 =	sadd.s32 $0x400, s13  }
0x236: {  	s17 =	sadd.s32 $0x80, s17;
	v11 =	vld [tilespmem:s13+$0x30];
	[tilespmem:s0+$0x0] =	vst v9;
	v4 =	vadd.f32 v6, v4  }
0x237: {  	p0 =	slt.u32 s17, $0x380;
	v6 =	vld [tilespmem:s13+$0xFFFFFFC0]  }
0x238: {  	v9 =	vld [tilespmem:s6+$0xFFFFFFD0];
	[tilespmem:s0+$0x10] =	vst v4;
	v4 =	vadd.f32 v8, v5  }
0x239: {  	v5 =	vld [tilespmem:s13+$0xFFFFFFD0];
	v12 =	vadd.f32 v3, v7  }
0x23a: {  	v7 =	vld [tilespmem:s6+$0xFFFFFFE0];
	[tilespmem:s0+$0x20] =	vst v4  }
0x23b: {  	v4 =	vld [tilespmem:s13+$0xFFFFFFE0];
	v8 =	vadd.f32 v11, v10;
	[tilespmem:s0+$0xFFFFFFC0] =	vst v12;
	s0 =	smov.u32 s6  }
0x23c: {  	v10 =	vld [tilespmem:s6+$0xFFFFFFF0];
	v3 =	vmov v6  }
0x23d: {  	v11 =	vld [tilespmem:s13+$0xFFFFFFF0];
	[tilespmem:s6+$0x30] =	vst v8  }
0x23e: {  	v5 =	vadd.f32 v5, v9;
	v9 =	vld [tilespmem:s6+$0x0]  }
0x23f: {  	v12 =	vld [tilespmem:s13+$0x0]  }
.Ltmp12:
0x240: {  	[tilespmem:s6+$0xFFFFFFD0] =	vst v5;
	v5 =	vadd.f32 v4, v7;
	v4 =	vld [tilespmem:s6+$0x10];
	(pc) =	sbr.rel @p0 .LBB2_27-.Ltmp12, $4  }
0x241: {  	v6 =	vld [tilespmem:s13+$0x10]  }
0x242: {  	[tilespmem:s6+$0xFFFFFFE0] =	vst v5;
	v10 =	vadd.f32 v11, v10;
	v5 =	vld [tilespmem:s6+$0x20]  }
0x243: {  	v8 =	vld [tilespmem:s13+$0x20]  }
0x244: {  	s6 =	sadd.s32 $0x400, s6;
	v7 =	vld [tilespmem:s0+$0xFFFFFFC0];
	[tilespmem:s0+$0xFFFFFFF0] =	vst v10;
	v9 =	vadd.f32 v12, v9  }
0x245: {  	s31 =	sadd.s32 $0x1, s31  }
0x246: {  	p0 =	sne.s32 s31, $0x10  }
.Ltmp13:
0x247: {  	v4 =	vadd.f32 v6, v4;
	(pc) =	sbr.rel @p0 .LBB2_26-.Ltmp13, $4  }
0x248: {  	[tilespmem:s0+$0x0] =	vst v9;
	v5 =	vadd.f32 v8, v5  }
0x249: {  	[tilespmem:s0+$0x10] =	vst v4;
	v3 =	vadd.f32 v3, v7  }
0x24a: {  	[tilespmem:s0+$0x20] =	vst v5  }
0x24b: {  	s30 =	sadd.s32 $0x400, s30;
	s29 =	sadd.s32 $0x1, s29;
	[tilespmem:s0+$0xFFFFFFC0] =	vst v3  }
0x24c: {  	s29 =	simm.s32 $0x0;
	s0 =	rddreg [dreg:$0x12]  }
0x24d: {  	[hbm4b:s0+s29] =	stream.linear.scatter [tilespmem:s5], [sflag:$0x4], $0x4000, $0x38;
	[tilespmem:$0x14200] =	vst v63  }
0x24e: {  	_ =	swait.ge [sflag:s22], $0x4000  }
0x24f: {  	[sflag:s22] =	ssyncset.done $0x0  }
0x250: {  	[sflag:s22] =	ssyncadd.s32 $0xFFFFC000  }
0x251: {  	v3 =	vld [tilespmem:$0x20];
	_ =	sdelay $0x4  }
0x252: {  	v4 =	vshll.u32 v3, $0x3  }
0x253: {  	v3 =	vand.u32 $0x7, v3;
	v4 =	vand.u32 $0xFFFFFFC0, v4  }
0x254: {  	v3 =	vor.u32 v3, v4  }
0x255: {  	v4 =	vperm.xlane v3, v0;
	_ =	sdelay $0x1  }
0x256: {  	v4 =	vadd.s32 v1, v4;
	_ =	sdelay $0x4  }
0x257: {  	[tilespmem:s26], [sflag:$0x3] =	stream.indirect_vreg.gather [hbm4b:s1+s29], $0x80, v4, vm0, $0xb8;
	[tilespmem:$0x14200] =	vst v63  }
0x258: {  	s17 =	simm.s32 $0x8A00;
	v3 =	vperm.xlane v3, v2  }
0x259: {  	[tilespmem:s17], [sflag:$0x3] =	stream.indirect_vreg.gather [hbm4b:s9+s29], $0x80, v4, vm0, $0xb8;
	[tilespmem:$0x14200] =	vst v63  }
0x25a: {  	s6 =	simm.s32 $0x9200;
	v3 =	vadd.s32 v1, v3  }
0x25b: {  	[tilespmem:s6], [sflag:$0x3] =	stream.indirect_vreg.gather [hbm4b:s10+s29], $0x80, v4, vm0, $0xb8;
	[tilespmem:$0x14200] =	vst v63  }
0x25c: {  	s13 =	simm.s32 $0x9A00  }
0x25d: {  	[tilespmem:s13], [sflag:$0x3] =	stream.indirect_vreg.gather [hbm4b:s11+s29], $0x80, v4, vm0, $0xb8;
	[tilespmem:$0x14200] =	vst v63  }
0x25e: {  	s17 =	simm.s32 $0xA200  }
0x25f: {  	[tilespmem:s17], [sflag:$0x3] =	stream.indirect_vreg.gather [hbm4b:s1+s29], $0x80, v3, vm0, $0xb8;
	[tilespmem:$0x14200] =	vst v63  }
0x260: {  	s6 =	simm.s32 $0xAA00  }
0x261: {  	[tilespmem:s6], [sflag:$0x3] =	stream.indirect_vreg.gather [hbm4b:s9+s29], $0x80, v3, vm0, $0xb8;
	[tilespmem:$0x14200] =	vst v63  }
0x262: {  	s13 =	simm.s32 $0xB200  }
0x263: {  	[tilespmem:s13], [sflag:$0x3] =	stream.indirect_vreg.gather [hbm4b:s10+s29], $0x80, v3, vm0, $0xb8;
	[tilespmem:$0x14200] =	vst v63  }
0x264: {  	s17 =	simm.s32 $0xBA00  }
0x265: {  	[tilespmem:s17], [sflag:$0x3] =	stream.indirect_vreg.gather [hbm4b:s11+s29], $0x80, v3, vm0, $0xb8;
	[tilespmem:$0x14200] =	vst v63  }
0x266: {  	_ =	swait.ge [sflag:s18], $0x4000  }
0x267: {  	[sflag:s18] =	ssyncset.done $0x0  }
0x268: {  	s30 =	simm.s32 $0x0;
	s31 =	simm.s32 $0x0;
	[sflag:s18] =	ssyncadd.s32 $0xFFFFC000  }
.LBB2_30:
0x269: {  	s0 =	sshll.u32 s30, $0x2;
	s6 =	sand.u32 $0x7, s29  }
0x26a: {  	s0 =	sand.u32 $0xFFFF8000, s0;
	s6 =	sshll.u32 s6, $0x9  }
0x26b: {  	s0 =	sor.u32 s6, s0  }
0x26c: {  	s6 =	sshrl.u32 s0, $0x2  }
0x26d: {  	s0 =	sadd.s32 $0x4240, s6  }
0x26e: {  	s13 =	sadd.s32 $0x10240, s6;
	v4 =	vld [tilespmem:s0+$0x30]  }
0x26f: {  	v5 =	vld [tilespmem:s13+$0x30]  }
0x270: {  	v3 =	vld [tilespmem:s13+$0xFFFFFFC0]  }
0x271: {  	v6 =	vld [tilespmem:s0+$0xFFFFFFD0]  }
0x272: {  	v7 =	vld [tilespmem:s13+$0xFFFFFFD0]  }
0x273: {  	v8 =	vld [tilespmem:s0+$0xFFFFFFE0]  }
0x274: {  	v9 =	vld [tilespmem:s13+$0xFFFFFFE0]  }
0x275: {  	v10 =	vld [tilespmem:s0+$0xFFFFFFF0]  }
0x276: {  	v11 =	vld [tilespmem:s13+$0xFFFFFFF0]  }
0x277: {  	v12 =	vld [tilespmem:s0+$0x0]  }
0x278: {  	v13 =	vld [tilespmem:s13+$0x0];
	v5 =	vadd.f32 v5, v4  }
0x279: {  	v7 =	vadd.f32 v7, v6;
	v4 =	vld [tilespmem:s0+$0x10]  }
0x27a: {  	v8 =	vadd.f32 v9, v8;
	v6 =	vld [tilespmem:s13+$0x10];
	[tilespmem:s0+$0x30] =	vst v5  }
0x27b: {  	v9 =	vadd.f32 v11, v10;
	[tilespmem:s0+$0xFFFFFFD0] =	vst v7;
	v5 =	vld [tilespmem:s0+$0x20]  }
0x27c: {  	[tilespmem:s0+$0xFFFFFFE0] =	vst v8;
	v8 =	vld [tilespmem:s13+$0x20]  }
0x27d: {  	s17 =	simm.s32 $0x0;
	s6 =	sadd.s32 $0x400, s0;
	v7 =	vld [tilespmem:s0+$0xFFFFFFC0];
	[tilespmem:s0+$0xFFFFFFF0] =	vst v9;
	v9 =	vadd.f32 v13, v12  }
.LBB2_31:
0x27e: {  	v10 =	vld [tilespmem:s6+$0x30];
	s13 =	sadd.s32 $0x400, s13  }
0x27f: {  	s17 =	sadd.s32 $0x80, s17;
	v11 =	vld [tilespmem:s13+$0x30];
	[tilespmem:s0+$0x0] =	vst v9;
	v4 =	vadd.f32 v6, v4  }
0x280: {  	p0 =	slt.u32 s17, $0x380;
	v6 =	vld [tilespmem:s13+$0xFFFFFFC0]  }
0x281: {  	v9 =	vld [tilespmem:s6+$0xFFFFFFD0];
	[tilespmem:s0+$0x10] =	vst v4;
	v4 =	vadd.f32 v8, v5  }
0x282: {  	v5 =	vld [tilespmem:s13+$0xFFFFFFD0];
	v12 =	vadd.f32 v3, v7  }
0x283: {  	v7 =	vld [tilespmem:s6+$0xFFFFFFE0];
	[tilespmem:s0+$0x20] =	vst v4  }
0x284: {  	v4 =	vld [tilespmem:s13+$0xFFFFFFE0];
	v8 =	vadd.f32 v11, v10;
	[tilespmem:s0+$0xFFFFFFC0] =	vst v12;
	s0 =	smov.u32 s6  }
0x285: {  	v10 =	vld [tilespmem:s6+$0xFFFFFFF0];
	v3 =	vmov v6  }
0x286: {  	v11 =	vld [tilespmem:s13+$0xFFFFFFF0];
	[tilespmem:s6+$0x30] =	vst v8  }
0x287: {  	v5 =	vadd.f32 v5, v9;
	v9 =	vld [tilespmem:s6+$0x0]  }
0x288: {  	v12 =	vld [tilespmem:s13+$0x0]  }
.Ltmp14:
0x289: {  	[tilespmem:s6+$0xFFFFFFD0] =	vst v5;
	v5 =	vadd.f32 v4, v7;
	v4 =	vld [tilespmem:s6+$0x10];
	(pc) =	sbr.rel @p0 .LBB2_31-.Ltmp14, $4  }
0x28a: {  	v6 =	vld [tilespmem:s13+$0x10]  }
0x28b: {  	[tilespmem:s6+$0xFFFFFFE0] =	vst v5;
	v10 =	vadd.f32 v11, v10;
	v5 =	vld [tilespmem:s6+$0x20]  }
0x28c: {  	v8 =	vld [tilespmem:s13+$0x20]  }
0x28d: {  	s6 =	sadd.s32 $0x400, s6;
	v7 =	vld [tilespmem:s0+$0xFFFFFFC0];
	[tilespmem:s0+$0xFFFFFFF0] =	vst v10;
	v9 =	vadd.f32 v12, v9  }
0x28e: {  	s31 =	sadd.s32 $0x1, s31  }
0x28f: {  	p0 =	sne.s32 s31, $0x10  }
.Ltmp15:
0x290: {  	v4 =	vadd.f32 v6, v4;
	(pc) =	sbr.rel @p0 .LBB2_30-.Ltmp15, $4  }
0x291: {  	[tilespmem:s0+$0x0] =	vst v9;
	v5 =	vadd.f32 v8, v5  }
0x292: {  	[tilespmem:s0+$0x10] =	vst v4;
	v3 =	vadd.f32 v3, v7  }
0x293: {  	[tilespmem:s0+$0x20] =	vst v5  }
0x294: {  	s30 =	sadd.s32 $0x400, s30;
	s29 =	sadd.s32 $0x1, s29;
	[tilespmem:s0+$0xFFFFFFC0] =	vst v3  }
0x295: {  	s29 =	simm.s32 $0x0;
	s0 =	rddreg [dreg:$0x16]  }
0x296: {  	[hbm4b:s0+s29] =	stream.linear.scatter [tilespmem:s16], [sflag:$0x5], $0x4000, $0x38;
	[tilespmem:$0x14200] =	vst v63  }
0x297: {  	_ =	swait.ge [sflag:s19], $0x4000  }
0x298: {  	[sflag:s19] =	ssyncset.done $0x0  }
0x299: {  	[sflag:s19] =	ssyncadd.s32 $0xFFFFC000  }
0x29a: {  	v3 =	vld [tilespmem:$0xA0];
	_ =	sdelay $0x4  }
0x29b: {  	v4 =	vshll.u32 v3, $0x3  }
0x29c: {  	v3 =	vand.u32 $0x7, v3;
	v4 =	vand.u32 $0xFFFFFFC0, v4  }
0x29d: {  	v3 =	vor.u32 v3, v4  }
0x29e: {  	v4 =	vperm.xlane v3, v0;
	_ =	sdelay $0x1  }
0x29f: {  	v4 =	vadd.s32 v1, v4;
	_ =	sdelay $0x4  }
0x2a0: {  	[tilespmem:s5], [sflag:$0x1] =	stream.indirect_vreg.gather [hbm4b:s1+s29], $0x80, v4, vm0, $0xb8;
	[tilespmem:$0x14200] =	vst v63  }
0x2a1: {  	s13 =	simm.s32 $0xA00;
	v3 =	vperm.xlane v3, v2  }
0x2a2: {  	[tilespmem:s13], [sflag:$0x1] =	stream.indirect_vreg.gather [hbm4b:s9+s29], $0x80, v4, vm0, $0xb8;
	[tilespmem:$0x14200] =	vst v63  }
0x2a3: {  	v3 =	vadd.s32 v1, v3  }
0x2a4: {  	[tilespmem:s7], [sflag:$0x1] =	stream.indirect_vreg.gather [hbm4b:s10+s29], $0x80, v4, vm0, $0xb8;
	[tilespmem:$0x14200] =	vst v63  }
0x2a5: {  	_ = 	snop  }
0x2a6: {  	[tilespmem:s4], [sflag:$0x1] =	stream.indirect_vreg.gather [hbm4b:s11+s29], $0x80, v4, vm0, $0xb8;
	[tilespmem:$0x14200] =	vst v63  }
0x2a7: {  	_ = 	snop  }
0x2a8: {  	[tilespmem:s8], [sflag:$0x1] =	stream.indirect_vreg.gather [hbm4b:s1+s29], $0x80, v3, vm0, $0xb8;
	[tilespmem:$0x14200] =	vst v63  }
0x2a9: {  	_ = 	snop  }
0x2aa: {  	[tilespmem:s12], [sflag:$0x1] =	stream.indirect_vreg.gather [hbm4b:s9+s29], $0x80, v3, vm0, $0xb8;
	[tilespmem:$0x14200] =	vst v63  }
0x2ab: {  	_ = 	snop  }
0x2ac: {  	[tilespmem:s14], [sflag:$0x1] =	stream.indirect_vreg.gather [hbm4b:s10+s29], $0x80, v3, vm0, $0xb8;
	[tilespmem:$0x14200] =	vst v63  }
0x2ad: {  	_ = 	snop  }
0x2ae: {  	[tilespmem:s15], [sflag:$0x1] =	stream.indirect_vreg.gather [hbm4b:s11+s29], $0x80, v3, vm0, $0xb8;
	[tilespmem:$0x14200] =	vst v63  }
0x2af: {  	_ =	swait.ge [sflag:s24], $0x4000  }
0x2b0: {  	[sflag:s24] =	ssyncset.done $0x0  }
0x2b1: {  	s6 =	simm.s32 $0x10200;
	s17 =	rddreg [dreg:$0x13];
	[sflag:s24] =	ssyncadd.s32 $0xFFFFC000  }
0x2b2: {  	[tilespmem:s6], [sflag:$0x8] =	stream.linear.gather [hbm4b:s17+s29], $0x4000, $0x38;
	[tilespmem:$0x14200] =	vst v63  }
0x2b3: {  	_ =	swait.ge [sflag:s20], $0x4000  }
0x2b4: {  	[sflag:s20] =	ssyncset.done $0x0  }
0x2b5: {  	s30 =	simm.s32 $0x0;
	s31 =	simm.s32 $0x0;
	[sflag:s20] =	ssyncadd.s32 $0xFFFFC000  }
.LBB2_34:
0x2b6: {  	s0 =	sshll.u32 s30, $0x2;
	s6 =	sand.u32 $0x7, s29  }
0x2b7: {  	s0 =	sand.u32 $0xFFFF8000, s0;
	s6 =	sshll.u32 s6, $0x9  }
0x2b8: {  	s0 =	sor.u32 s6, s0  }
0x2b9: {  	s6 =	sshrl.u32 s0, $0x2  }
0x2ba: {  	s0 =	sadd.s32 $0x8240, s6  }
0x2bb: {  	s13 =	sadd.s32 $0xC240, s6;
	v4 =	vld [tilespmem:s0+$0x30]  }
0x2bc: {  	v5 =	vld [tilespmem:s13+$0x30]  }
0x2bd: {  	v3 =	vld [tilespmem:s13+$0xFFFFFFC0]  }
0x2be: {  	v6 =	vld [tilespmem:s0+$0xFFFFFFD0]  }
0x2bf: {  	v7 =	vld [tilespmem:s13+$0xFFFFFFD0]  }
0x2c0: {  	v8 =	vld [tilespmem:s0+$0xFFFFFFE0]  }
0x2c1: {  	v9 =	vld [tilespmem:s13+$0xFFFFFFE0]  }
0x2c2: {  	v10 =	vld [tilespmem:s0+$0xFFFFFFF0]  }
0x2c3: {  	v11 =	vld [tilespmem:s13+$0xFFFFFFF0]  }
0x2c4: {  	v12 =	vld [tilespmem:s0+$0x0]  }
0x2c5: {  	v13 =	vld [tilespmem:s13+$0x0];
	v5 =	vadd.f32 v5, v4  }
0x2c6: {  	v7 =	vadd.f32 v7, v6;
	v4 =	vld [tilespmem:s0+$0x10]  }
0x2c7: {  	v8 =	vadd.f32 v9, v8;
	v6 =	vld [tilespmem:s13+$0x10];
	[tilespmem:s0+$0x30] =	vst v5  }
0x2c8: {  	v9 =	vadd.f32 v11, v10;
	[tilespmem:s0+$0xFFFFFFD0] =	vst v7;
	v5 =	vld [tilespmem:s0+$0x20]  }
0x2c9: {  	[tilespmem:s0+$0xFFFFFFE0] =	vst v8;
	v8 =	vld [tilespmem:s13+$0x20]  }
0x2ca: {  	s17 =	simm.s32 $0x0;
	s6 =	sadd.s32 $0x400, s0;
	v7 =	vld [tilespmem:s0+$0xFFFFFFC0];
	[tilespmem:s0+$0xFFFFFFF0] =	vst v9;
	v9 =	vadd.f32 v13, v12  }
.LBB2_35:
0x2cb: {  	v10 =	vld [tilespmem:s6+$0x30];
	s13 =	sadd.s32 $0x400, s13  }
0x2cc: {  	s17 =	sadd.s32 $0x80, s17;
	v11 =	vld [tilespmem:s13+$0x30];
	[tilespmem:s0+$0x0] =	vst v9;
	v4 =	vadd.f32 v6, v4  }
0x2cd: {  	p0 =	slt.u32 s17, $0x380;
	v6 =	vld [tilespmem:s13+$0xFFFFFFC0]  }
0x2ce: {  	v9 =	vld [tilespmem:s6+$0xFFFFFFD0];
	[tilespmem:s0+$0x10] =	vst v4;
	v4 =	vadd.f32 v8, v5  }
0x2cf: {  	v5 =	vld [tilespmem:s13+$0xFFFFFFD0];
	v12 =	vadd.f32 v3, v7  }
0x2d0: {  	v7 =	vld [tilespmem:s6+$0xFFFFFFE0];
	[tilespmem:s0+$0x20] =	vst v4  }
0x2d1: {  	v4 =	vld [tilespmem:s13+$0xFFFFFFE0];
	v8 =	vadd.f32 v11, v10;
	[tilespmem:s0+$0xFFFFFFC0] =	vst v12;
	s0 =	smov.u32 s6  }
0x2d2: {  	v10 =	vld [tilespmem:s6+$0xFFFFFFF0];
	v3 =	vmov v6  }
0x2d3: {  	v11 =	vld [tilespmem:s13+$0xFFFFFFF0];
	[tilespmem:s6+$0x30] =	vst v8  }
0x2d4: {  	v5 =	vadd.f32 v5, v9;
	v9 =	vld [tilespmem:s6+$0x0]  }
0x2d5: {  	v12 =	vld [tilespmem:s13+$0x0]  }
.Ltmp16:
0x2d6: {  	[tilespmem:s6+$0xFFFFFFD0] =	vst v5;
	v5 =	vadd.f32 v4, v7;
	v4 =	vld [tilespmem:s6+$0x10];
	(pc) =	sbr.rel @p0 .LBB2_35-.Ltmp16, $4  }
0x2d7: {  	v6 =	vld [tilespmem:s13+$0x10]  }
0x2d8: {  	[tilespmem:s6+$0xFFFFFFE0] =	vst v5;
	v10 =	vadd.f32 v11, v10;
	v5 =	vld [tilespmem:s6+$0x20]  }
0x2d9: {  	v8 =	vld [tilespmem:s13+$0x20]  }
0x2da: {  	s6 =	sadd.s32 $0x400, s6;
	v7 =	vld [tilespmem:s0+$0xFFFFFFC0];
	[tilespmem:s0+$0xFFFFFFF0] =	vst v10;
	v9 =	vadd.f32 v12, v9  }
0x2db: {  	s31 =	sadd.s32 $0x1, s31  }
0x2dc: {  	p0 =	sne.s32 s31, $0x10  }
.Ltmp17:
0x2dd: {  	v4 =	vadd.f32 v6, v4;
	(pc) =	sbr.rel @p0 .LBB2_34-.Ltmp17, $4  }
0x2de: {  	[tilespmem:s0+$0x0] =	vst v9;
	v5 =	vadd.f32 v8, v5  }
0x2df: {  	[tilespmem:s0+$0x10] =	vst v4;
	v3 =	vadd.f32 v3, v7  }
0x2e0: {  	[tilespmem:s0+$0x20] =	vst v5  }
0x2e1: {  	s30 =	sadd.s32 $0x400, s30;
	s29 =	sadd.s32 $0x1, s29;
	[tilespmem:s0+$0xFFFFFFC0] =	vst v3  }
0x2e2: {  	s29 =	simm.s32 $0x0;
	s0 =	rddreg [dreg:$0x14]  }
0x2e3: {  	[hbm4b:s0+s29] =	stream.linear.scatter [tilespmem:s26], [sflag:$0x6], $0x4000, $0x38;
	[tilespmem:$0x14200] =	vst v63  }
0x2e4: {  	_ =	swait.ge [sflag:s21], $0x4000  }
0x2e5: {  	[sflag:s21] =	ssyncset.done $0x0  }
0x2e6: {  	[sflag:s21] =	ssyncadd.s32 $0xFFFFC000  }
0x2e7: {  	v3 =	vld [tilespmem:$0x120];
	_ =	sdelay $0x4  }
0x2e8: {  	v4 =	vshll.u32 v3, $0x3  }
0x2e9: {  	v3 =	vand.u32 $0x7, v3;
	v4 =	vand.u32 $0xFFFFFFC0, v4  }
0x2ea: {  	v3 =	vor.u32 v3, v4  }
0x2eb: {  	v4 =	vperm.xlane v3, v0;
	_ =	sdelay $0x1  }
0x2ec: {  	v4 =	vadd.s32 v1, v4;
	_ =	sdelay $0x4  }
0x2ed: {  	[tilespmem:s16], [sflag:$0x2] =	stream.indirect_vreg.gather [hbm4b:s1+s29], $0x80, v4, vm0, $0xb8;
	[tilespmem:$0x14200] =	vst v63  }
0x2ee: {  	s17 =	simm.s32 $0x4A00;
	v3 =	vperm.xlane v3, v2  }
0x2ef: {  	[tilespmem:s17], [sflag:$0x2] =	stream.indirect_vreg.gather [hbm4b:s9+s29], $0x80, v4, vm0, $0xb8;
	[tilespmem:$0x14200] =	vst v63  }
0x2f0: {  	s6 =	simm.s32 $0x5200;
	v3 =	vadd.s32 v1, v3  }
0x2f1: {  	[tilespmem:s6], [sflag:$0x2] =	stream.indirect_vreg.gather [hbm4b:s10+s29], $0x80, v4, vm0, $0xb8;
	[tilespmem:$0x14200] =	vst v63  }
0x2f2: {  	s13 =	simm.s32 $0x5A00  }
0x2f3: {  	[tilespmem:s13], [sflag:$0x2] =	stream.indirect_vreg.gather [hbm4b:s11+s29], $0x80, v4, vm0, $0xb8;
	[tilespmem:$0x14200] =	vst v63  }
0x2f4: {  	s17 =	simm.s32 $0x6200  }
0x2f5: {  	[tilespmem:s17], [sflag:$0x2] =	stream.indirect_vreg.gather [hbm4b:s1+s29], $0x80, v3, vm0, $0xb8;
	[tilespmem:$0x14200] =	vst v63  }
0x2f6: {  	s6 =	simm.s32 $0x6A00  }
0x2f7: {  	[tilespmem:s6], [sflag:$0x2] =	stream.indirect_vreg.gather [hbm4b:s9+s29], $0x80, v3, vm0, $0xb8;
	[tilespmem:$0x14200] =	vst v63  }
0x2f8: {  	s13 =	simm.s32 $0x7200  }
0x2f9: {  	[tilespmem:s13], [sflag:$0x2] =	stream.indirect_vreg.gather [hbm4b:s10+s29], $0x80, v3, vm0, $0xb8;
	[tilespmem:$0x14200] =	vst v63  }
0x2fa: {  	s17 =	simm.s32 $0x7A00  }
0x2fb: {  	[tilespmem:s17], [sflag:$0x2] =	stream.indirect_vreg.gather [hbm4b:s11+s29], $0x80, v3, vm0, $0xb8;
	[tilespmem:$0x14200] =	vst v63  }
0x2fc: {  	_ =	swait.ge [sflag:s25], $0x4000  }
0x2fd: {  	[sflag:s25] =	ssyncset.done $0x0  }
0x2fe: {  	s30 =	simm.s32 $0x0;
	s31 =	simm.s32 $0x0;
	[sflag:s25] =	ssyncadd.s32 $0xFFFFC000  }
.LBB2_38:
0x2ff: {  	s0 =	sshll.u32 s30, $0x2;
	s6 =	sand.u32 $0x7, s29  }
0x300: {  	s0 =	sand.u32 $0xFFFF8000, s0;
	s6 =	sshll.u32 s6, $0x9  }
0x301: {  	s0 =	sor.u32 s6, s0  }
0x302: {  	s6 =	sshrl.u32 s0, $0x2  }
0x303: {  	s0 =	sadd.s32 $0x240, s6  }
0x304: {  	s13 =	sadd.s32 $0xC240, s6;
	v4 =	vld [tilespmem:s0+$0x30]  }
0x305: {  	v5 =	vld [tilespmem:s13+$0x30]  }
0x306: {  	v3 =	vld [tilespmem:s13+$0xFFFFFFC0]  }
0x307: {  	v6 =	vld [tilespmem:s0+$0xFFFFFFD0]  }
0x308: {  	v7 =	vld [tilespmem:s13+$0xFFFFFFD0]  }
0x309: {  	v8 =	vld [tilespmem:s0+$0xFFFFFFE0]  }
0x30a: {  	v9 =	vld [tilespmem:s13+$0xFFFFFFE0]  }
0x30b: {  	v10 =	vld [tilespmem:s0+$0xFFFFFFF0]  }
0x30c: {  	v11 =	vld [tilespmem:s13+$0xFFFFFFF0]  }
0x30d: {  	v12 =	vld [tilespmem:s0+$0x0]  }
0x30e: {  	v13 =	vld [tilespmem:s13+$0x0];
	v5 =	vadd.f32 v5, v4  }
0x30f: {  	v7 =	vadd.f32 v7, v6;
	v4 =	vld [tilespmem:s0+$0x10]  }
0x310: {  	v8 =	vadd.f32 v9, v8;
	v6 =	vld [tilespmem:s13+$0x10];
	[tilespmem:s0+$0x30] =	vst v5  }
0x311: {  	v9 =	vadd.f32 v11, v10;
	[tilespmem:s0+$0xFFFFFFD0] =	vst v7;
	v5 =	vld [tilespmem:s0+$0x20]  }
0x312: {  	[tilespmem:s0+$0xFFFFFFE0] =	vst v8;
	v8 =	vld [tilespmem:s13+$0x20]  }
0x313: {  	s17 =	simm.s32 $0x0;
	s6 =	sadd.s32 $0x400, s0;
	v7 =	vld [tilespmem:s0+$0xFFFFFFC0];
	[tilespmem:s0+$0xFFFFFFF0] =	vst v9;
	v9 =	vadd.f32 v13, v12  }
.LBB2_39:
0x314: {  	v10 =	vld [tilespmem:s6+$0x30];
	s13 =	sadd.s32 $0x400, s13  }
0x315: {  	s17 =	sadd.s32 $0x80, s17;
	v11 =	vld [tilespmem:s13+$0x30];
	[tilespmem:s0+$0x0] =	vst v9;
	v4 =	vadd.f32 v6, v4  }
0x316: {  	p0 =	slt.u32 s17, $0x380;
	v6 =	vld [tilespmem:s13+$0xFFFFFFC0]  }
0x317: {  	v9 =	vld [tilespmem:s6+$0xFFFFFFD0];
	[tilespmem:s0+$0x10] =	vst v4;
	v4 =	vadd.f32 v8, v5  }
0x318: {  	v5 =	vld [tilespmem:s13+$0xFFFFFFD0];
	v12 =	vadd.f32 v3, v7  }
0x319: {  	v7 =	vld [tilespmem:s6+$0xFFFFFFE0];
	[tilespmem:s0+$0x20] =	vst v4  }
0x31a: {  	v4 =	vld [tilespmem:s13+$0xFFFFFFE0];
	v8 =	vadd.f32 v11, v10;
	[tilespmem:s0+$0xFFFFFFC0] =	vst v12;
	s0 =	smov.u32 s6  }
0x31b: {  	v10 =	vld [tilespmem:s6+$0xFFFFFFF0];
	v3 =	vmov v6  }
0x31c: {  	v11 =	vld [tilespmem:s13+$0xFFFFFFF0];
	[tilespmem:s6+$0x30] =	vst v8  }
0x31d: {  	v5 =	vadd.f32 v5, v9;
	v9 =	vld [tilespmem:s6+$0x0]  }
0x31e: {  	v12 =	vld [tilespmem:s13+$0x0]  }
.Ltmp18:
0x31f: {  	[tilespmem:s6+$0xFFFFFFD0] =	vst v5;
	v5 =	vadd.f32 v4, v7;
	v4 =	vld [tilespmem:s6+$0x10];
	(pc) =	sbr.rel @p0 .LBB2_39-.Ltmp18, $4  }
0x320: {  	v6 =	vld [tilespmem:s13+$0x10]  }
0x321: {  	[tilespmem:s6+$0xFFFFFFE0] =	vst v5;
	v10 =	vadd.f32 v11, v10;
	v5 =	vld [tilespmem:s6+$0x20]  }
0x322: {  	v8 =	vld [tilespmem:s13+$0x20]  }
0x323: {  	s6 =	sadd.s32 $0x400, s6;
	v7 =	vld [tilespmem:s0+$0xFFFFFFC0];
	[tilespmem:s0+$0xFFFFFFF0] =	vst v10;
	v9 =	vadd.f32 v12, v9  }
0x324: {  	s31 =	sadd.s32 $0x1, s31  }
0x325: {  	p0 =	sne.s32 s31, $0x10  }
.Ltmp19:
0x326: {  	v4 =	vadd.f32 v6, v4;
	(pc) =	sbr.rel @p0 .LBB2_38-.Ltmp19, $4  }
0x327: {  	[tilespmem:s0+$0x0] =	vst v9;
	v5 =	vadd.f32 v8, v5  }
0x328: {  	[tilespmem:s0+$0x10] =	vst v4;
	v3 =	vadd.f32 v3, v7  }
0x329: {  	[tilespmem:s0+$0x20] =	vst v5  }
0x32a: {  	s30 =	sadd.s32 $0x400, s30;
	s29 =	sadd.s32 $0x1, s29;
	[tilespmem:s0+$0xFFFFFFC0] =	vst v3  }
0x32b: {  	s29 =	simm.s32 $0x0;
	s0 =	rddreg [dreg:$0x18]  }
0x32c: {  	[hbm4b:s0+s29] =	stream.linear.scatter [tilespmem:s5], [sflag:$0x4], $0x4000, $0x38;
	[tilespmem:$0x14200] =	vst v63  }
0x32d: {  	_ =	swait.ge [sflag:s22], $0x4000  }
0x32e: {  	[sflag:s22] =	ssyncset.done $0x0  }
0x32f: {  	[sflag:s22] =	ssyncadd.s32 $0xFFFFC000  }
0x330: {  	v3 =	vld [tilespmem:$0x1A0];
	_ =	sdelay $0x4  }
0x331: {  	v4 =	vshll.u32 v3, $0x3  }
0x332: {  	v3 =	vand.u32 $0x7, v3;
	v4 =	vand.u32 $0xFFFFFFC0, v4  }
0x333: {  	v3 =	vor.u32 v3, v4  }
0x334: {  	v4 =	vperm.xlane v3, v0;
	_ =	sdelay $0x1  }
0x335: {  	v4 =	vadd.s32 v1, v4;
	_ =	sdelay $0x4  }
0x336: {  	[tilespmem:s26], [sflag:$0x3] =	stream.indirect_vreg.gather [hbm4b:s1+s29], $0x80, v4, vm0, $0xb8;
	[tilespmem:$0x14200] =	vst v63  }
0x337: {  	s17 =	simm.s32 $0x8A00;
	v3 =	vperm.xlane v3, v2  }
0x338: {  	[tilespmem:s17], [sflag:$0x3] =	stream.indirect_vreg.gather [hbm4b:s9+s29], $0x80, v4, vm0, $0xb8;
	[tilespmem:$0x14200] =	vst v63  }
0x339: {  	s6 =	simm.s32 $0x9200;
	v3 =	vadd.s32 v1, v3  }
0x33a: {  	[tilespmem:s6], [sflag:$0x3] =	stream.indirect_vreg.gather [hbm4b:s10+s29], $0x80, v4, vm0, $0xb8;
	[tilespmem:$0x14200] =	vst v63  }
0x33b: {  	s13 =	simm.s32 $0x9A00  }
0x33c: {  	[tilespmem:s13], [sflag:$0x3] =	stream.indirect_vreg.gather [hbm4b:s11+s29], $0x80, v4, vm0, $0xb8;
	[tilespmem:$0x14200] =	vst v63  }
0x33d: {  	s17 =	simm.s32 $0xA200  }
0x33e: {  	[tilespmem:s17], [sflag:$0x3] =	stream.indirect_vreg.gather [hbm4b:s1+s29], $0x80, v3, vm0, $0xb8;
	[tilespmem:$0x14200] =	vst v63  }
0x33f: {  	s6 =	simm.s32 $0xAA00  }
0x340: {  	[tilespmem:s6], [sflag:$0x3] =	stream.indirect_vreg.gather [hbm4b:s9+s29], $0x80, v3, vm0, $0xb8;
	[tilespmem:$0x14200] =	vst v63  }
0x341: {  	s13 =	simm.s32 $0xB200  }
0x342: {  	[tilespmem:s13], [sflag:$0x3] =	stream.indirect_vreg.gather [hbm4b:s10+s29], $0x80, v3, vm0, $0xb8;
	[tilespmem:$0x14200] =	vst v63  }
0x343: {  	s17 =	simm.s32 $0xBA00  }
0x344: {  	[tilespmem:s17], [sflag:$0x3] =	stream.indirect_vreg.gather [hbm4b:s11+s29], $0x80, v3, vm0, $0xb8;
	[tilespmem:$0x14200] =	vst v63  }
0x345: {  	_ =	swait.ge [sflag:s18], $0x4000  }
0x346: {  	[sflag:s18] =	ssyncset.done $0x0  }
0x347: {  	s30 =	simm.s32 $0x0;
	s31 =	simm.s32 $0x0;
	[sflag:s18] =	ssyncadd.s32 $0xFFFFC000  }
.LBB2_42:
0x348: {  	s0 =	sshll.u32 s30, $0x2;
	s6 =	sand.u32 $0x7, s29  }
0x349: {  	s0 =	sand.u32 $0xFFFF8000, s0;
	s6 =	sshll.u32 s6, $0x9  }
0x34a: {  	s0 =	sor.u32 s6, s0  }
0x34b: {  	s6 =	sshrl.u32 s0, $0x2  }
0x34c: {  	s0 =	sadd.s32 $0x4240, s6  }
0x34d: {  	s13 =	sadd.s32 $0xC240, s6;
	v4 =	vld [tilespmem:s0+$0x30]  }
0x34e: {  	v5 =	vld [tilespmem:s13+$0x30]  }
0x34f: {  	v3 =	vld [tilespmem:s13+$0xFFFFFFC0]  }
0x350: {  	v6 =	vld [tilespmem:s0+$0xFFFFFFD0]  }
0x351: {  	v7 =	vld [tilespmem:s13+$0xFFFFFFD0]  }
0x352: {  	v8 =	vld [tilespmem:s0+$0xFFFFFFE0]  }
0x353: {  	v9 =	vld [tilespmem:s13+$0xFFFFFFE0]  }
0x354: {  	v10 =	vld [tilespmem:s0+$0xFFFFFFF0]  }
0x355: {  	v11 =	vld [tilespmem:s13+$0xFFFFFFF0]  }
0x356: {  	v12 =	vld [tilespmem:s0+$0x0]  }
0x357: {  	v13 =	vld [tilespmem:s13+$0x0];
	v5 =	vadd.f32 v5, v4  }
0x358: {  	v7 =	vadd.f32 v7, v6;
	v4 =	vld [tilespmem:s0+$0x10]  }
0x359: {  	v8 =	vadd.f32 v9, v8;
	v6 =	vld [tilespmem:s13+$0x10];
	[tilespmem:s0+$0x30] =	vst v5  }
0x35a: {  	v9 =	vadd.f32 v11, v10;
	[tilespmem:s0+$0xFFFFFFD0] =	vst v7;
	v5 =	vld [tilespmem:s0+$0x20]  }
0x35b: {  	[tilespmem:s0+$0xFFFFFFE0] =	vst v8;
	v8 =	vld [tilespmem:s13+$0x20]  }
0x35c: {  	s17 =	simm.s32 $0x0;
	s6 =	sadd.s32 $0x400, s0;
	v7 =	vld [tilespmem:s0+$0xFFFFFFC0];
	[tilespmem:s0+$0xFFFFFFF0] =	vst v9;
	v9 =	vadd.f32 v13, v12  }
.LBB2_43:
0x35d: {  	v10 =	vld [tilespmem:s6+$0x30];
	s13 =	sadd.s32 $0x400, s13  }
0x35e: {  	s17 =	sadd.s32 $0x80, s17;
	v11 =	vld [tilespmem:s13+$0x30];
	[tilespmem:s0+$0x0] =	vst v9;
	v4 =	vadd.f32 v6, v4  }
0x35f: {  	p0 =	slt.u32 s17, $0x380;
	v6 =	vld [tilespmem:s13+$0xFFFFFFC0]  }
0x360: {  	v9 =	vld [tilespmem:s6+$0xFFFFFFD0];
	[tilespmem:s0+$0x10] =	vst v4;
	v4 =	vadd.f32 v8, v5  }
0x361: {  	v5 =	vld [tilespmem:s13+$0xFFFFFFD0];
	v12 =	vadd.f32 v3, v7  }
0x362: {  	v7 =	vld [tilespmem:s6+$0xFFFFFFE0];
	[tilespmem:s0+$0x20] =	vst v4  }
0x363: {  	v4 =	vld [tilespmem:s13+$0xFFFFFFE0];
	v8 =	vadd.f32 v11, v10;
	[tilespmem:s0+$0xFFFFFFC0] =	vst v12;
	s0 =	smov.u32 s6  }
0x364: {  	v10 =	vld [tilespmem:s6+$0xFFFFFFF0];
	v3 =	vmov v6  }
0x365: {  	v11 =	vld [tilespmem:s13+$0xFFFFFFF0];
	[tilespmem:s6+$0x30] =	vst v8  }
0x366: {  	v5 =	vadd.f32 v5, v9;
	v9 =	vld [tilespmem:s6+$0x0]  }
0x367: {  	v12 =	vld [tilespmem:s13+$0x0]  }
.Ltmp20:
0x368: {  	[tilespmem:s6+$0xFFFFFFD0] =	vst v5;
	v5 =	vadd.f32 v4, v7;
	v4 =	vld [tilespmem:s6+$0x10];
	(pc) =	sbr.rel @p0 .LBB2_43-.Ltmp20, $4  }
0x369: {  	v6 =	vld [tilespmem:s13+$0x10]  }
0x36a: {  	[tilespmem:s6+$0xFFFFFFE0] =	vst v5;
	v10 =	vadd.f32 v11, v10;
	v5 =	vld [tilespmem:s6+$0x20]  }
0x36b: {  	v8 =	vld [tilespmem:s13+$0x20]  }
0x36c: {  	s6 =	sadd.s32 $0x400, s6;
	v7 =	vld [tilespmem:s0+$0xFFFFFFC0];
	[tilespmem:s0+$0xFFFFFFF0] =	vst v10;
	v9 =	vadd.f32 v12, v9  }
0x36d: {  	s31 =	sadd.s32 $0x1, s31  }
0x36e: {  	p0 =	sne.s32 s31, $0x10  }
.Ltmp21:
0x36f: {  	v4 =	vadd.f32 v6, v4;
	(pc) =	sbr.rel @p0 .LBB2_42-.Ltmp21, $4  }
0x370: {  	[tilespmem:s0+$0x0] =	vst v9;
	v5 =	vadd.f32 v8, v5  }
0x371: {  	[tilespmem:s0+$0x10] =	vst v4;
	v3 =	vadd.f32 v3, v7  }
0x372: {  	[tilespmem:s0+$0x20] =	vst v5  }
0x373: {  	s30 =	sadd.s32 $0x400, s30;
	s29 =	sadd.s32 $0x1, s29;
	[tilespmem:s0+$0xFFFFFFC0] =	vst v3  }
0x374: {  	s29 =	simm.s32 $0x0;
	s0 =	rddreg [dreg:$0x19]  }
0x375: {  	[hbm4b:s0+s29] =	stream.linear.scatter [tilespmem:s16], [sflag:$0x5], $0x4000, $0x38;
	[tilespmem:$0x14200] =	vst v63  }
0x376: {  	_ =	swait.ge [sflag:s19], $0x4000  }
0x377: {  	[sflag:s19] =	ssyncset.done $0x0  }
0x378: {  	[sflag:s19] =	ssyncadd.s32 $0xFFFFC000  }
0x379: {  	v3 =	vld [tilespmem:$0x30];
	_ =	sdelay $0x4  }
0x37a: {  	v4 =	vshll.u32 v3, $0x3  }
0x37b: {  	v3 =	vand.u32 $0x7, v3;
	v4 =	vand.u32 $0xFFFFFFC0, v4  }
0x37c: {  	v3 =	vor.u32 v3, v4  }
0x37d: {  	v4 =	vperm.xlane v3, v0;
	_ =	sdelay $0x1  }
0x37e: {  	v4 =	vadd.s32 v1, v4;
	_ =	sdelay $0x4  }
0x37f: {  	[tilespmem:s5], [sflag:$0x1] =	stream.indirect_vreg.gather [hbm4b:s1+s29], $0x80, v4, vm0, $0xb8;
	[tilespmem:$0x14200] =	vst v63  }
0x380: {  	s17 =	simm.s32 $0xA00;
	v3 =	vperm.xlane v3, v2  }
0x381: {  	[tilespmem:s17], [sflag:$0x1] =	stream.indirect_vreg.gather [hbm4b:s9+s29], $0x80, v4, vm0, $0xb8;
	[tilespmem:$0x14200] =	vst v63  }
0x382: {  	v3 =	vadd.s32 v1, v3  }
0x383: {  	[tilespmem:s7], [sflag:$0x1] =	stream.indirect_vreg.gather [hbm4b:s10+s29], $0x80, v4, vm0, $0xb8;
	[tilespmem:$0x14200] =	vst v63  }
0x384: {  	_ = 	snop  }
0x385: {  	[tilespmem:s4], [sflag:$0x1] =	stream.indirect_vreg.gather [hbm4b:s11+s29], $0x80, v4, vm0, $0xb8;
	[tilespmem:$0x14200] =	vst v63  }
0x386: {  	_ = 	snop  }
0x387: {  	[tilespmem:s8], [sflag:$0x1] =	stream.indirect_vreg.gather [hbm4b:s1+s29], $0x80, v3, vm0, $0xb8;
	[tilespmem:$0x14200] =	vst v63  }
0x388: {  	_ = 	snop  }
0x389: {  	[tilespmem:s12], [sflag:$0x1] =	stream.indirect_vreg.gather [hbm4b:s9+s29], $0x80, v3, vm0, $0xb8;
	[tilespmem:$0x14200] =	vst v63  }
0x38a: {  	_ = 	snop  }
0x38b: {  	[tilespmem:s14], [sflag:$0x1] =	stream.indirect_vreg.gather [hbm4b:s10+s29], $0x80, v3, vm0, $0xb8;
	[tilespmem:$0x14200] =	vst v63  }
0x38c: {  	_ = 	snop  }
0x38d: {  	[tilespmem:s15], [sflag:$0x1] =	stream.indirect_vreg.gather [hbm4b:s11+s29], $0x80, v3, vm0, $0xb8;
	[tilespmem:$0x14200] =	vst v63  }
0x38e: {  	_ =	swait.ge [sflag:s20], $0x4000  }
0x38f: {  	[sflag:s20] =	ssyncset.done $0x0  }
0x390: {  	s30 =	simm.s32 $0x0;
	s31 =	simm.s32 $0x0;
	[sflag:s20] =	ssyncadd.s32 $0xFFFFC000  }
.LBB2_46:
0x391: {  	s0 =	sshll.u32 s30, $0x2;
	s6 =	sand.u32 $0x7, s29  }
0x392: {  	s0 =	sand.u32 $0xFFFF8000, s0;
	s6 =	sshll.u32 s6, $0x9  }
0x393: {  	s0 =	sor.u32 s6, s0  }
0x394: {  	s6 =	sshrl.u32 s0, $0x2  }
0x395: {  	s0 =	sadd.s32 $0x8240, s6  }
0x396: {  	s13 =	sadd.s32 $0xC240, s6;
	v4 =	vld [tilespmem:s0+$0x30]  }
0x397: {  	v5 =	vld [tilespmem:s13+$0x30]  }
0x398: {  	v3 =	vld [tilespmem:s13+$0xFFFFFFC0]  }
0x399: {  	v6 =	vld [tilespmem:s0+$0xFFFFFFD0]  }
0x39a: {  	v7 =	vld [tilespmem:s13+$0xFFFFFFD0]  }
0x39b: {  	v8 =	vld [tilespmem:s0+$0xFFFFFFE0]  }
0x39c: {  	v9 =	vld [tilespmem:s13+$0xFFFFFFE0]  }
0x39d: {  	v10 =	vld [tilespmem:s0+$0xFFFFFFF0]  }
0x39e: {  	v11 =	vld [tilespmem:s13+$0xFFFFFFF0]  }
0x39f: {  	v12 =	vld [tilespmem:s0+$0x0]  }
0x3a0: {  	v13 =	vld [tilespmem:s13+$0x0];
	v5 =	vadd.f32 v5, v4  }
0x3a1: {  	v7 =	vadd.f32 v7, v6;
	v4 =	vld [tilespmem:s0+$0x10]  }
0x3a2: {  	v8 =	vadd.f32 v9, v8;
	v6 =	vld [tilespmem:s13+$0x10];
	[tilespmem:s0+$0x30] =	vst v5  }
0x3a3: {  	v9 =	vadd.f32 v11, v10;
	[tilespmem:s0+$0xFFFFFFD0] =	vst v7;
	v5 =	vld [tilespmem:s0+$0x20]  }
0x3a4: {  	[tilespmem:s0+$0xFFFFFFE0] =	vst v8;
	v8 =	vld [tilespmem:s13+$0x20]  }
0x3a5: {  	s17 =	simm.s32 $0x0;
	s6 =	sadd.s32 $0x400, s0;
	v7 =	vld [tilespmem:s0+$0xFFFFFFC0];
	[tilespmem:s0+$0xFFFFFFF0] =	vst v9;
	v9 =	vadd.f32 v13, v12  }
.LBB2_47:
0x3a6: {  	v10 =	vld [tilespmem:s6+$0x30];
	s13 =	sadd.s32 $0x400, s13  }
0x3a7: {  	s17 =	sadd.s32 $0x80, s17;
	v11 =	vld [tilespmem:s13+$0x30];
	[tilespmem:s0+$0x0] =	vst v9;
	v4 =	vadd.f32 v6, v4  }
0x3a8: {  	p0 =	slt.u32 s17, $0x380;
	v6 =	vld [tilespmem:s13+$0xFFFFFFC0]  }
0x3a9: {  	v9 =	vld [tilespmem:s6+$0xFFFFFFD0];
	[tilespmem:s0+$0x10] =	vst v4;
	v4 =	vadd.f32 v8, v5  }
0x3aa: {  	v5 =	vld [tilespmem:s13+$0xFFFFFFD0];
	v12 =	vadd.f32 v3, v7  }
0x3ab: {  	v7 =	vld [tilespmem:s6+$0xFFFFFFE0];
	[tilespmem:s0+$0x20] =	vst v4  }
0x3ac: {  	v4 =	vld [tilespmem:s13+$0xFFFFFFE0];
	v8 =	vadd.f32 v11, v10;
	[tilespmem:s0+$0xFFFFFFC0] =	vst v12;
	s0 =	smov.u32 s6  }
0x3ad: {  	v10 =	vld [tilespmem:s6+$0xFFFFFFF0];
	v3 =	vmov v6  }
0x3ae: {  	v11 =	vld [tilespmem:s13+$0xFFFFFFF0];
	[tilespmem:s6+$0x30] =	vst v8  }
0x3af: {  	v5 =	vadd.f32 v5, v9;
	v9 =	vld [tilespmem:s6+$0x0]  }
0x3b0: {  	v12 =	vld [tilespmem:s13+$0x0]  }
.Ltmp22:
0x3b1: {  	[tilespmem:s6+$0xFFFFFFD0] =	vst v5;
	v5 =	vadd.f32 v4, v7;
	v4 =	vld [tilespmem:s6+$0x10];
	(pc) =	sbr.rel @p0 .LBB2_47-.Ltmp22, $4  }
0x3b2: {  	v6 =	vld [tilespmem:s13+$0x10]  }
0x3b3: {  	[tilespmem:s6+$0xFFFFFFE0] =	vst v5;
	v10 =	vadd.f32 v11, v10;
	v5 =	vld [tilespmem:s6+$0x20]  }
0x3b4: {  	v8 =	vld [tilespmem:s13+$0x20]  }
0x3b5: {  	s6 =	sadd.s32 $0x400, s6;
	v7 =	vld [tilespmem:s0+$0xFFFFFFC0];
	[tilespmem:s0+$0xFFFFFFF0] =	vst v10;
	v9 =	vadd.f32 v12, v9  }
0x3b6: {  	s31 =	sadd.s32 $0x1, s31  }
0x3b7: {  	p0 =	sne.s32 s31, $0x10  }
.Ltmp23:
0x3b8: {  	v4 =	vadd.f32 v6, v4;
	(pc) =	sbr.rel @p0 .LBB2_46-.Ltmp23, $4  }
0x3b9: {  	[tilespmem:s0+$0x0] =	vst v9;
	v5 =	vadd.f32 v8, v5  }
0x3ba: {  	[tilespmem:s0+$0x10] =	vst v4;
	v3 =	vadd.f32 v3, v7  }
0x3bb: {  	[tilespmem:s0+$0x20] =	vst v5  }
0x3bc: {  	s30 =	sadd.s32 $0x400, s30;
	s29 =	sadd.s32 $0x1, s29;
	[tilespmem:s0+$0xFFFFFFC0] =	vst v3  }
0x3bd: {  	s29 =	simm.s32 $0x0;
	s0 =	rddreg [dreg:$0x1a]  }
0x3be: {  	[hbm4b:s0+s29] =	stream.linear.scatter [tilespmem:s26], [sflag:$0x6], $0x4000, $0x38;
	[tilespmem:$0x14200] =	vst v63  }
0x3bf: {  	_ =	swait.ge [sflag:s21], $0x4000  }
0x3c0: {  	[sflag:s21] =	ssyncset.done $0x0  }
0x3c1: {  	[sflag:s21] =	ssyncadd.s32 $0xFFFFC000  }
0x3c2: {  	v3 =	vld [tilespmem:$0xB0];
	_ =	sdelay $0x4  }
0x3c3: {  	v4 =	vshll.u32 v3, $0x3  }
0x3c4: {  	v3 =	vand.u32 $0x7, v3;
	v4 =	vand.u32 $0xFFFFFFC0, v4  }
0x3c5: {  	v3 =	vor.u32 v3, v4  }
0x3c6: {  	v4 =	vperm.xlane v3, v0;
	_ =	sdelay $0x1  }
0x3c7: {  	v4 =	vadd.s32 v1, v4;
	_ =	sdelay $0x4  }
0x3c8: {  	[tilespmem:s16], [sflag:$0x2] =	stream.indirect_vreg.gather [hbm4b:s1+s29], $0x80, v4, vm0, $0xb8;
	[tilespmem:$0x14200] =	vst v63  }
0x3c9: {  	s17 =	simm.s32 $0x4A00;
	v3 =	vperm.xlane v3, v2  }
0x3ca: {  	[tilespmem:s17], [sflag:$0x2] =	stream.indirect_vreg.gather [hbm4b:s9+s29], $0x80, v4, vm0, $0xb8;
	[tilespmem:$0x14200] =	vst v63  }
0x3cb: {  	s6 =	simm.s32 $0x5200;
	v3 =	vadd.s32 v1, v3  }
0x3cc: {  	[tilespmem:s6], [sflag:$0x2] =	stream.indirect_vreg.gather [hbm4b:s10+s29], $0x80, v4, vm0, $0xb8;
	[tilespmem:$0x14200] =	vst v63  }
0x3cd: {  	s13 =	simm.s32 $0x5A00  }
0x3ce: {  	[tilespmem:s13], [sflag:$0x2] =	stream.indirect_vreg.gather [hbm4b:s11+s29], $0x80, v4, vm0, $0xb8;
	[tilespmem:$0x14200] =	vst v63  }
0x3cf: {  	s17 =	simm.s32 $0x6200  }
0x3d0: {  	[tilespmem:s17], [sflag:$0x2] =	stream.indirect_vreg.gather [hbm4b:s1+s29], $0x80, v3, vm0, $0xb8;
	[tilespmem:$0x14200] =	vst v63  }
0x3d1: {  	s6 =	simm.s32 $0x6A00  }
0x3d2: {  	[tilespmem:s6], [sflag:$0x2] =	stream.indirect_vreg.gather [hbm4b:s9+s29], $0x80, v3, vm0, $0xb8;
	[tilespmem:$0x14200] =	vst v63  }
0x3d3: {  	s13 =	simm.s32 $0x7200  }
0x3d4: {  	[tilespmem:s13], [sflag:$0x2] =	stream.indirect_vreg.gather [hbm4b:s10+s29], $0x80, v3, vm0, $0xb8;
	[tilespmem:$0x14200] =	vst v63  }
0x3d5: {  	s17 =	simm.s32 $0x7A00  }
0x3d6: {  	[tilespmem:s17], [sflag:$0x2] =	stream.indirect_vreg.gather [hbm4b:s11+s29], $0x80, v3, vm0, $0xb8;
	[tilespmem:$0x14200] =	vst v63  }
0x3d7: {  	_ =	swait.ge [sflag:s23], $0x4000  }
0x3d8: {  	[sflag:s23] =	ssyncset.done $0x0  }
0x3d9: {  	[sflag:s23] =	ssyncadd.s32 $0xFFFFC000  }
0x3da: {  	_ =	swait.ge [sflag:s25], $0x4000  }
0x3db: {  	[sflag:s25] =	ssyncset.done $0x0  }
0x3dc: {  	s30 =	simm.s32 $0x0;
	s31 =	simm.s32 $0x0;
	[sflag:s25] =	ssyncadd.s32 $0xFFFFC000  }
.LBB2_50:
0x3dd: {  	s0 =	sshll.u32 s30, $0x2;
	s6 =	sand.u32 $0x7, s29  }
0x3de: {  	s0 =	sand.u32 $0xFFFF8000, s0;
	s6 =	sshll.u32 s6, $0x9  }
0x3df: {  	s0 =	sor.u32 s6, s0  }
0x3e0: {  	s6 =	sshrl.u32 s0, $0x2  }
0x3e1: {  	s0 =	sadd.s32 $0x240, s6  }
0x3e2: {  	s13 =	sadd.s32 $0x10240, s6;
	v4 =	vld [tilespmem:s0+$0x30]  }
0x3e3: {  	v5 =	vld [tilespmem:s13+$0x30]  }
0x3e4: {  	v3 =	vld [tilespmem:s13+$0xFFFFFFC0]  }
0x3e5: {  	v6 =	vld [tilespmem:s0+$0xFFFFFFD0]  }
0x3e6: {  	v7 =	vld [tilespmem:s13+$0xFFFFFFD0]  }
0x3e7: {  	v8 =	vld [tilespmem:s0+$0xFFFFFFE0]  }
0x3e8: {  	v9 =	vld [tilespmem:s13+$0xFFFFFFE0]  }
0x3e9: {  	v10 =	vld [tilespmem:s0+$0xFFFFFFF0]  }
0x3ea: {  	v11 =	vld [tilespmem:s13+$0xFFFFFFF0]  }
0x3eb: {  	v12 =	vld [tilespmem:s0+$0x0]  }
0x3ec: {  	v13 =	vld [tilespmem:s13+$0x0];
	v5 =	vadd.f32 v5, v4  }
0x3ed: {  	v7 =	vadd.f32 v7, v6;
	v4 =	vld [tilespmem:s0+$0x10]  }
0x3ee: {  	v8 =	vadd.f32 v9, v8;
	v6 =	vld [tilespmem:s13+$0x10];
	[tilespmem:s0+$0x30] =	vst v5  }
0x3ef: {  	v9 =	vadd.f32 v11, v10;
	[tilespmem:s0+$0xFFFFFFD0] =	vst v7;
	v5 =	vld [tilespmem:s0+$0x20]  }
0x3f0: {  	[tilespmem:s0+$0xFFFFFFE0] =	vst v8;
	v8 =	vld [tilespmem:s13+$0x20]  }
0x3f1: {  	s17 =	simm.s32 $0x0;
	s6 =	sadd.s32 $0x400, s0;
	v7 =	vld [tilespmem:s0+$0xFFFFFFC0];
	[tilespmem:s0+$0xFFFFFFF0] =	vst v9;
	v9 =	vadd.f32 v13, v12  }
.LBB2_51:
0x3f2: {  	v10 =	vld [tilespmem:s6+$0x30];
	s13 =	sadd.s32 $0x400, s13  }
0x3f3: {  	s17 =	sadd.s32 $0x80, s17;
	v11 =	vld [tilespmem:s13+$0x30];
	[tilespmem:s0+$0x0] =	vst v9;
	v4 =	vadd.f32 v6, v4  }
0x3f4: {  	p0 =	slt.u32 s17, $0x380;
	v6 =	vld [tilespmem:s13+$0xFFFFFFC0]  }
0x3f5: {  	v9 =	vld [tilespmem:s6+$0xFFFFFFD0];
	[tilespmem:s0+$0x10] =	vst v4;
	v4 =	vadd.f32 v8, v5  }
0x3f6: {  	v5 =	vld [tilespmem:s13+$0xFFFFFFD0];
	v12 =	vadd.f32 v3, v7  }
0x3f7: {  	v7 =	vld [tilespmem:s6+$0xFFFFFFE0];
	[tilespmem:s0+$0x20] =	vst v4  }
0x3f8: {  	v4 =	vld [tilespmem:s13+$0xFFFFFFE0];
	v8 =	vadd.f32 v11, v10;
	[tilespmem:s0+$0xFFFFFFC0] =	vst v12;
	s0 =	smov.u32 s6  }
0x3f9: {  	v10 =	vld [tilespmem:s6+$0xFFFFFFF0];
	v3 =	vmov v6  }
0x3fa: {  	v11 =	vld [tilespmem:s13+$0xFFFFFFF0];
	[tilespmem:s6+$0x30] =	vst v8  }
0x3fb: {  	v5 =	vadd.f32 v5, v9;
	v9 =	vld [tilespmem:s6+$0x0]  }
0x3fc: {  	v12 =	vld [tilespmem:s13+$0x0]  }
.Ltmp24:
0x3fd: {  	[tilespmem:s6+$0xFFFFFFD0] =	vst v5;
	v5 =	vadd.f32 v4, v7;
	v4 =	vld [tilespmem:s6+$0x10];
	(pc) =	sbr.rel @p0 .LBB2_51-.Ltmp24, $4  }
0x3fe: {  	v6 =	vld [tilespmem:s13+$0x10]  }
0x3ff: {  	[tilespmem:s6+$0xFFFFFFE0] =	vst v5;
	v10 =	vadd.f32 v11, v10;
	v5 =	vld [tilespmem:s6+$0x20]  }
0x400: {  	v8 =	vld [tilespmem:s13+$0x20]  }
0x401: {  	s6 =	sadd.s32 $0x400, s6;
	v7 =	vld [tilespmem:s0+$0xFFFFFFC0];
	[tilespmem:s0+$0xFFFFFFF0] =	vst v10;
	v9 =	vadd.f32 v12, v9  }
0x402: {  	s31 =	sadd.s32 $0x1, s31  }
0x403: {  	p0 =	sne.s32 s31, $0x10  }
.Ltmp25:
0x404: {  	v4 =	vadd.f32 v6, v4;
	(pc) =	sbr.rel @p0 .LBB2_50-.Ltmp25, $4  }
0x405: {  	[tilespmem:s0+$0x0] =	vst v9;
	v5 =	vadd.f32 v8, v5  }
0x406: {  	[tilespmem:s0+$0x10] =	vst v4;
	v3 =	vadd.f32 v3, v7  }
0x407: {  	[tilespmem:s0+$0x20] =	vst v5  }
0x408: {  	s30 =	sadd.s32 $0x400, s30;
	s29 =	sadd.s32 $0x1, s29;
	[tilespmem:s0+$0xFFFFFFC0] =	vst v3  }
0x409: {  	s29 =	simm.s32 $0x0;
	s0 =	rddreg [dreg:$0x15]  }
0x40a: {  	[hbm4b:s0+s29] =	stream.linear.scatter [tilespmem:s5], [sflag:$0x4], $0x4000, $0x38;
	[tilespmem:$0x14200] =	vst v63  }
0x40b: {  	_ =	swait.ge [sflag:s22], $0x4000  }
0x40c: {  	[sflag:s22] =	ssyncset.done $0x0  }
0x40d: {  	[sflag:s22] =	ssyncadd.s32 $0xFFFFC000  }
0x40e: {  	v3 =	vld [tilespmem:$0x130];
	_ =	sdelay $0x4  }
0x40f: {  	v4 =	vshll.u32 v3, $0x3  }
0x410: {  	v3 =	vand.u32 $0x7, v3;
	v4 =	vand.u32 $0xFFFFFFC0, v4  }
0x411: {  	v3 =	vor.u32 v3, v4  }
0x412: {  	v4 =	vperm.xlane v3, v0;
	_ =	sdelay $0x1  }
0x413: {  	v4 =	vadd.s32 v1, v4;
	_ =	sdelay $0x4  }
0x414: {  	[tilespmem:s26], [sflag:$0x3] =	stream.indirect_vreg.gather [hbm4b:s1+s29], $0x80, v4, vm0, $0xb8;
	[tilespmem:$0x14200] =	vst v63  }
0x415: {  	s17 =	simm.s32 $0x8A00;
	v3 =	vperm.xlane v3, v2  }
0x416: {  	[tilespmem:s17], [sflag:$0x3] =	stream.indirect_vreg.gather [hbm4b:s9+s29], $0x80, v4, vm0, $0xb8;
	[tilespmem:$0x14200] =	vst v63  }
0x417: {  	s6 =	simm.s32 $0x9200;
	v3 =	vadd.s32 v1, v3  }
0x418: {  	[tilespmem:s6], [sflag:$0x3] =	stream.indirect_vreg.gather [hbm4b:s10+s29], $0x80, v4, vm0, $0xb8;
	[tilespmem:$0x14200] =	vst v63  }
0x419: {  	s13 =	simm.s32 $0x9A00  }
0x41a: {  	[tilespmem:s13], [sflag:$0x3] =	stream.indirect_vreg.gather [hbm4b:s11+s29], $0x80, v4, vm0, $0xb8;
	[tilespmem:$0x14200] =	vst v63  }
0x41b: {  	s17 =	simm.s32 $0xA200  }
0x41c: {  	[tilespmem:s17], [sflag:$0x3] =	stream.indirect_vreg.gather [hbm4b:s1+s29], $0x80, v3, vm0, $0xb8;
	[tilespmem:$0x14200] =	vst v63  }
0x41d: {  	s6 =	simm.s32 $0xAA00  }
0x41e: {  	[tilespmem:s6], [sflag:$0x3] =	stream.indirect_vreg.gather [hbm4b:s9+s29], $0x80, v3, vm0, $0xb8;
	[tilespmem:$0x14200] =	vst v63  }
0x41f: {  	s13 =	simm.s32 $0xB200  }
0x420: {  	[tilespmem:s13], [sflag:$0x3] =	stream.indirect_vreg.gather [hbm4b:s10+s29], $0x80, v3, vm0, $0xb8;
	[tilespmem:$0x14200] =	vst v63  }
0x421: {  	s17 =	simm.s32 $0xBA00  }
0x422: {  	[tilespmem:s17], [sflag:$0x3] =	stream.indirect_vreg.gather [hbm4b:s11+s29], $0x80, v3, vm0, $0xb8;
	[tilespmem:$0x14200] =	vst v63  }
0x423: {  	_ =	swait.ge [sflag:s18], $0x4000  }
0x424: {  	[sflag:s18] =	ssyncset.done $0x0  }
0x425: {  	s30 =	simm.s32 $0x0;
	s31 =	simm.s32 $0x0;
	[sflag:s18] =	ssyncadd.s32 $0xFFFFC000  }
.LBB2_54:
0x426: {  	s0 =	sshll.u32 s30, $0x2;
	s6 =	sand.u32 $0x7, s29  }
0x427: {  	s0 =	sand.u32 $0xFFFF8000, s0;
	s6 =	sshll.u32 s6, $0x9  }
0x428: {  	s0 =	sor.u32 s6, s0  }
0x429: {  	s6 =	sshrl.u32 s0, $0x2  }
0x42a: {  	s0 =	sadd.s32 $0x4240, s6  }
0x42b: {  	s13 =	sadd.s32 $0x10240, s6;
	v4 =	vld [tilespmem:s0+$0x30]  }
0x42c: {  	v5 =	vld [tilespmem:s13+$0x30]  }
0x42d: {  	v3 =	vld [tilespmem:s13+$0xFFFFFFC0]  }
0x42e: {  	v6 =	vld [tilespmem:s0+$0xFFFFFFD0]  }
0x42f: {  	v7 =	vld [tilespmem:s13+$0xFFFFFFD0]  }
0x430: {  	v8 =	vld [tilespmem:s0+$0xFFFFFFE0]  }
0x431: {  	v9 =	vld [tilespmem:s13+$0xFFFFFFE0]  }
0x432: {  	v10 =	vld [tilespmem:s0+$0xFFFFFFF0]  }
0x433: {  	v11 =	vld [tilespmem:s13+$0xFFFFFFF0]  }
0x434: {  	v12 =	vld [tilespmem:s0+$0x0]  }
0x435: {  	v13 =	vld [tilespmem:s13+$0x0];
	v5 =	vadd.f32 v5, v4  }
0x436: {  	v7 =	vadd.f32 v7, v6;
	v4 =	vld [tilespmem:s0+$0x10]  }
0x437: {  	v8 =	vadd.f32 v9, v8;
	v6 =	vld [tilespmem:s13+$0x10];
	[tilespmem:s0+$0x30] =	vst v5  }
0x438: {  	v9 =	vadd.f32 v11, v10;
	[tilespmem:s0+$0xFFFFFFD0] =	vst v7;
	v5 =	vld [tilespmem:s0+$0x20]  }
0x439: {  	[tilespmem:s0+$0xFFFFFFE0] =	vst v8;
	v8 =	vld [tilespmem:s13+$0x20]  }
0x43a: {  	s17 =	simm.s32 $0x0;
	s6 =	sadd.s32 $0x400, s0;
	v7 =	vld [tilespmem:s0+$0xFFFFFFC0];
	[tilespmem:s0+$0xFFFFFFF0] =	vst v9;
	v9 =	vadd.f32 v13, v12  }
.LBB2_55:
0x43b: {  	v10 =	vld [tilespmem:s6+$0x30];
	s13 =	sadd.s32 $0x400, s13  }
0x43c: {  	s17 =	sadd.s32 $0x80, s17;
	v11 =	vld [tilespmem:s13+$0x30];
	[tilespmem:s0+$0x0] =	vst v9;
	v4 =	vadd.f32 v6, v4  }
0x43d: {  	p0 =	slt.u32 s17, $0x380;
	v6 =	vld [tilespmem:s13+$0xFFFFFFC0]  }
0x43e: {  	v9 =	vld [tilespmem:s6+$0xFFFFFFD0];
	[tilespmem:s0+$0x10] =	vst v4;
	v4 =	vadd.f32 v8, v5  }
0x43f: {  	v5 =	vld [tilespmem:s13+$0xFFFFFFD0];
	v12 =	vadd.f32 v3, v7  }
0x440: {  	v7 =	vld [tilespmem:s6+$0xFFFFFFE0];
	[tilespmem:s0+$0x20] =	vst v4  }
0x441: {  	v4 =	vld [tilespmem:s13+$0xFFFFFFE0];
	v8 =	vadd.f32 v11, v10;
	[tilespmem:s0+$0xFFFFFFC0] =	vst v12;
	s0 =	smov.u32 s6  }
0x442: {  	v10 =	vld [tilespmem:s6+$0xFFFFFFF0];
	v3 =	vmov v6  }
0x443: {  	v11 =	vld [tilespmem:s13+$0xFFFFFFF0];
	[tilespmem:s6+$0x30] =	vst v8  }
0x444: {  	v5 =	vadd.f32 v5, v9;
	v9 =	vld [tilespmem:s6+$0x0]  }
0x445: {  	v12 =	vld [tilespmem:s13+$0x0]  }
.Ltmp26:
0x446: {  	[tilespmem:s6+$0xFFFFFFD0] =	vst v5;
	v5 =	vadd.f32 v4, v7;
	v4 =	vld [tilespmem:s6+$0x10];
	(pc) =	sbr.rel @p0 .LBB2_55-.Ltmp26, $4  }
0x447: {  	v6 =	vld [tilespmem:s13+$0x10]  }
0x448: {  	[tilespmem:s6+$0xFFFFFFE0] =	vst v5;
	v10 =	vadd.f32 v11, v10;
	v5 =	vld [tilespmem:s6+$0x20]  }
0x449: {  	v8 =	vld [tilespmem:s13+$0x20]  }
0x44a: {  	s6 =	sadd.s32 $0x400, s6;
	v7 =	vld [tilespmem:s0+$0xFFFFFFC0];
	[tilespmem:s0+$0xFFFFFFF0] =	vst v10;
	v9 =	vadd.f32 v12, v9  }
0x44b: {  	s31 =	sadd.s32 $0x1, s31  }
0x44c: {  	p0 =	sne.s32 s31, $0x10  }
.Ltmp27:
0x44d: {  	v4 =	vadd.f32 v6, v4;
	(pc) =	sbr.rel @p0 .LBB2_54-.Ltmp27, $4  }
0x44e: {  	[tilespmem:s0+$0x0] =	vst v9;
	v5 =	vadd.f32 v8, v5  }
0x44f: {  	[tilespmem:s0+$0x10] =	vst v4;
	v3 =	vadd.f32 v3, v7  }
0x450: {  	[tilespmem:s0+$0x20] =	vst v5  }
0x451: {  	s30 =	sadd.s32 $0x400, s30;
	s29 =	sadd.s32 $0x1, s29;
	[tilespmem:s0+$0xFFFFFFC0] =	vst v3  }
0x452: {  	s29 =	simm.s32 $0x0;
	s0 =	rddreg [dreg:$0x1b]  }
0x453: {  	[hbm4b:s0+s29] =	stream.linear.scatter [tilespmem:s16], [sflag:$0x5], $0x4000, $0x38;
	[tilespmem:$0x14200] =	vst v63  }
0x454: {  	_ =	swait.ge [sflag:s19], $0x4000  }
0x455: {  	[sflag:s19] =	ssyncset.done $0x0  }
0x456: {  	[sflag:s19] =	ssyncadd.s32 $0xFFFFC000  }
0x457: {  	v3 =	vld [tilespmem:$0x1B0];
	_ =	sdelay $0x4  }
0x458: {  	v4 =	vshll.u32 v3, $0x3  }
0x459: {  	v3 =	vand.u32 $0x7, v3;
	v4 =	vand.u32 $0xFFFFFFC0, v4  }
0x45a: {  	v3 =	vor.u32 v3, v4  }
0x45b: {  	v4 =	vperm.xlane v3, v0;
	_ =	sdelay $0x1  }
0x45c: {  	v4 =	vadd.s32 v1, v4;
	_ =	sdelay $0x4  }
0x45d: {  	[tilespmem:s5], [sflag:$0x1] =	stream.indirect_vreg.gather [hbm4b:s1+s29], $0x80, v4, vm0, $0xb8;
	[tilespmem:$0x14200] =	vst v63  }
0x45e: {  	s17 =	simm.s32 $0xA00;
	v3 =	vperm.xlane v3, v2  }
0x45f: {  	[tilespmem:s17], [sflag:$0x1] =	stream.indirect_vreg.gather [hbm4b:s9+s29], $0x80, v4, vm0, $0xb8;
	[tilespmem:$0x14200] =	vst v63  }
0x460: {  	v3 =	vadd.s32 v1, v3  }
0x461: {  	[tilespmem:s7], [sflag:$0x1] =	stream.indirect_vreg.gather [hbm4b:s10+s29], $0x80, v4, vm0, $0xb8;
	[tilespmem:$0x14200] =	vst v63  }
0x462: {  	_ = 	snop  }
0x463: {  	[tilespmem:s4], [sflag:$0x1] =	stream.indirect_vreg.gather [hbm4b:s11+s29], $0x80, v4, vm0, $0xb8;
	[tilespmem:$0x14200] =	vst v63  }
0x464: {  	_ = 	snop  }
0x465: {  	[tilespmem:s8], [sflag:$0x1] =	stream.indirect_vreg.gather [hbm4b:s1+s29], $0x80, v3, vm0, $0xb8;
	[tilespmem:$0x14200] =	vst v63  }
0x466: {  	_ = 	snop  }
0x467: {  	[tilespmem:s12], [sflag:$0x1] =	stream.indirect_vreg.gather [hbm4b:s9+s29], $0x80, v3, vm0, $0xb8;
	[tilespmem:$0x14200] =	vst v63  }
0x468: {  	_ = 	snop  }
0x469: {  	[tilespmem:s14], [sflag:$0x1] =	stream.indirect_vreg.gather [hbm4b:s10+s29], $0x80, v3, vm0, $0xb8;
	[tilespmem:$0x14200] =	vst v63  }
0x46a: {  	_ = 	snop  }
0x46b: {  	[tilespmem:s15], [sflag:$0x1] =	stream.indirect_vreg.gather [hbm4b:s11+s29], $0x80, v3, vm0, $0xb8;
	[tilespmem:$0x14200] =	vst v63  }
0x46c: {  	_ =	swait.ge [sflag:s20], $0x4000  }
0x46d: {  	[sflag:s20] =	ssyncset.done $0x0  }
0x46e: {  	s30 =	simm.s32 $0x0;
	s31 =	simm.s32 $0x0;
	[sflag:s20] =	ssyncadd.s32 $0xFFFFC000  }
.LBB2_58:
0x46f: {  	s0 =	sshll.u32 s30, $0x2;
	s6 =	sand.u32 $0x7, s29  }
0x470: {  	s0 =	sand.u32 $0xFFFF8000, s0;
	s6 =	sshll.u32 s6, $0x9  }
0x471: {  	s0 =	sor.u32 s6, s0  }
0x472: {  	s6 =	sshrl.u32 s0, $0x2  }
0x473: {  	s0 =	sadd.s32 $0x8240, s6  }
0x474: {  	s13 =	sadd.s32 $0x10240, s6;
	v4 =	vld [tilespmem:s0+$0x30]  }
0x475: {  	v5 =	vld [tilespmem:s13+$0x30]  }
0x476: {  	v3 =	vld [tilespmem:s13+$0xFFFFFFC0]  }
0x477: {  	v6 =	vld [tilespmem:s0+$0xFFFFFFD0]  }
0x478: {  	v7 =	vld [tilespmem:s13+$0xFFFFFFD0]  }
0x479: {  	v8 =	vld [tilespmem:s0+$0xFFFFFFE0]  }
0x47a: {  	v9 =	vld [tilespmem:s13+$0xFFFFFFE0]  }
0x47b: {  	v10 =	vld [tilespmem:s0+$0xFFFFFFF0]  }
0x47c: {  	v11 =	vld [tilespmem:s13+$0xFFFFFFF0]  }
0x47d: {  	v12 =	vld [tilespmem:s0+$0x0]  }
0x47e: {  	v13 =	vld [tilespmem:s13+$0x0];
	v5 =	vadd.f32 v5, v4  }
0x47f: {  	v7 =	vadd.f32 v7, v6;
	v4 =	vld [tilespmem:s0+$0x10]  }
0x480: {  	v8 =	vadd.f32 v9, v8;
	v6 =	vld [tilespmem:s13+$0x10];
	[tilespmem:s0+$0x30] =	vst v5  }
0x481: {  	v9 =	vadd.f32 v11, v10;
	[tilespmem:s0+$0xFFFFFFD0] =	vst v7;
	v5 =	vld [tilespmem:s0+$0x20]  }
0x482: {  	[tilespmem:s0+$0xFFFFFFE0] =	vst v8;
	v8 =	vld [tilespmem:s13+$0x20]  }
0x483: {  	s17 =	simm.s32 $0x0;
	s6 =	sadd.s32 $0x400, s0;
	v7 =	vld [tilespmem:s0+$0xFFFFFFC0];
	[tilespmem:s0+$0xFFFFFFF0] =	vst v9;
	v9 =	vadd.f32 v13, v12  }
.LBB2_59:
0x484: {  	v10 =	vld [tilespmem:s6+$0x30];
	s13 =	sadd.s32 $0x400, s13  }
0x485: {  	s17 =	sadd.s32 $0x80, s17;
	v11 =	vld [tilespmem:s13+$0x30];
	[tilespmem:s0+$0x0] =	vst v9;
	v4 =	vadd.f32 v6, v4  }
0x486: {  	p0 =	slt.u32 s17, $0x380;
	v6 =	vld [tilespmem:s13+$0xFFFFFFC0]  }
0x487: {  	v9 =	vld [tilespmem:s6+$0xFFFFFFD0];
	[tilespmem:s0+$0x10] =	vst v4;
	v4 =	vadd.f32 v8, v5  }
0x488: {  	v5 =	vld [tilespmem:s13+$0xFFFFFFD0];
	v12 =	vadd.f32 v3, v7  }
0x489: {  	v7 =	vld [tilespmem:s6+$0xFFFFFFE0];
	[tilespmem:s0+$0x20] =	vst v4  }
0x48a: {  	v4 =	vld [tilespmem:s13+$0xFFFFFFE0];
	v8 =	vadd.f32 v11, v10;
	[tilespmem:s0+$0xFFFFFFC0] =	vst v12;
	s0 =	smov.u32 s6  }
0x48b: {  	v10 =	vld [tilespmem:s6+$0xFFFFFFF0];
	v3 =	vmov v6  }
0x48c: {  	v11 =	vld [tilespmem:s13+$0xFFFFFFF0];
	[tilespmem:s6+$0x30] =	vst v8  }
0x48d: {  	v5 =	vadd.f32 v5, v9;
	v9 =	vld [tilespmem:s6+$0x0]  }
0x48e: {  	v12 =	vld [tilespmem:s13+$0x0]  }
.Ltmp28:
0x48f: {  	[tilespmem:s6+$0xFFFFFFD0] =	vst v5;
	v5 =	vadd.f32 v4, v7;
	v4 =	vld [tilespmem:s6+$0x10];
	(pc) =	sbr.rel @p0 .LBB2_59-.Ltmp28, $4  }
0x490: {  	v6 =	vld [tilespmem:s13+$0x10]  }
0x491: {  	[tilespmem:s6+$0xFFFFFFE0] =	vst v5;
	v10 =	vadd.f32 v11, v10;
	v5 =	vld [tilespmem:s6+$0x20]  }
0x492: {  	v8 =	vld [tilespmem:s13+$0x20]  }
0x493: {  	s6 =	sadd.s32 $0x400, s6;
	v7 =	vld [tilespmem:s0+$0xFFFFFFC0];
	[tilespmem:s0+$0xFFFFFFF0] =	vst v10;
	v9 =	vadd.f32 v12, v9  }
0x494: {  	s31 =	sadd.s32 $0x1, s31  }
0x495: {  	p0 =	sne.s32 s31, $0x10  }
.Ltmp29:
0x496: {  	v4 =	vadd.f32 v6, v4;
	(pc) =	sbr.rel @p0 .LBB2_58-.Ltmp29, $4  }
0x497: {  	[tilespmem:s0+$0x0] =	vst v9;
	v5 =	vadd.f32 v8, v5  }
0x498: {  	[tilespmem:s0+$0x10] =	vst v4;
	v3 =	vadd.f32 v3, v7  }
0x499: {  	[tilespmem:s0+$0x20] =	vst v5  }
0x49a: {  	s30 =	sadd.s32 $0x400, s30;
	s29 =	sadd.s32 $0x1, s29;
	[tilespmem:s0+$0xFFFFFFC0] =	vst v3  }
0x49b: {  	s29 =	simm.s32 $0x0;
	s0 =	rddreg [dreg:$0x1c]  }
0x49c: {  	[hbm4b:s0+s29] =	stream.linear.scatter [tilespmem:s26], [sflag:$0x6], $0x4000, $0x38;
	[tilespmem:$0x14200] =	vst v63  }
0x49d: {  	_ =	swait.ge [sflag:s25], $0x4000  }
0x49e: {  	[sflag:s25] =	ssyncset.done $0x0  }
0x49f: {  	s30 =	simm.s32 $0x0;
	s31 =	simm.s32 $0x0;
	[sflag:s25] =	ssyncadd.s32 $0xFFFFC000  }
.LBB2_62:
0x4a0: {  	s0 =	sshll.u32 s30, $0x2;
	s6 =	sand.u32 $0x7, s29  }
0x4a1: {  	s0 =	sand.u32 $0xFFFF8000, s0;
	s6 =	sshll.u32 s6, $0x9  }
0x4a2: {  	s0 =	sor.u32 s6, s0  }
0x4a3: {  	s6 =	sshrl.u32 s0, $0x2  }
0x4a4: {  	s0 =	sadd.s32 $0x240, s6  }
0x4a5: {  	s13 =	sadd.s32 $0x10240, s6;
	v4 =	vld [tilespmem:s0+$0x30]  }
0x4a6: {  	v5 =	vld [tilespmem:s13+$0x30]  }
0x4a7: {  	v3 =	vld [tilespmem:s13+$0xFFFFFFC0]  }
0x4a8: {  	v6 =	vld [tilespmem:s0+$0xFFFFFFD0]  }
0x4a9: {  	v7 =	vld [tilespmem:s13+$0xFFFFFFD0]  }
0x4aa: {  	v8 =	vld [tilespmem:s0+$0xFFFFFFE0]  }
0x4ab: {  	v9 =	vld [tilespmem:s13+$0xFFFFFFE0]  }
0x4ac: {  	v10 =	vld [tilespmem:s0+$0xFFFFFFF0]  }
0x4ad: {  	v11 =	vld [tilespmem:s13+$0xFFFFFFF0]  }
0x4ae: {  	v12 =	vld [tilespmem:s0+$0x0]  }
0x4af: {  	v13 =	vld [tilespmem:s13+$0x0];
	v5 =	vadd.f32 v5, v4  }
0x4b0: {  	v7 =	vadd.f32 v7, v6;
	v4 =	vld [tilespmem:s0+$0x10]  }
0x4b1: {  	v8 =	vadd.f32 v9, v8;
	v6 =	vld [tilespmem:s13+$0x10];
	[tilespmem:s0+$0x30] =	vst v5  }
0x4b2: {  	v9 =	vadd.f32 v11, v10;
	[tilespmem:s0+$0xFFFFFFD0] =	vst v7;
	v5 =	vld [tilespmem:s0+$0x20]  }
0x4b3: {  	[tilespmem:s0+$0xFFFFFFE0] =	vst v8;
	v8 =	vld [tilespmem:s13+$0x20]  }
0x4b4: {  	s17 =	simm.s32 $0x0;
	s6 =	sadd.s32 $0x400, s0;
	v7 =	vld [tilespmem:s0+$0xFFFFFFC0];
	[tilespmem:s0+$0xFFFFFFF0] =	vst v9;
	v9 =	vadd.f32 v13, v12  }
.LBB2_63:
0x4b5: {  	v10 =	vld [tilespmem:s6+$0x30];
	s13 =	sadd.s32 $0x400, s13  }
0x4b6: {  	s17 =	sadd.s32 $0x80, s17;
	v11 =	vld [tilespmem:s13+$0x30];
	[tilespmem:s0+$0x0] =	vst v9;
	v4 =	vadd.f32 v6, v4  }
0x4b7: {  	p0 =	slt.u32 s17, $0x380;
	v6 =	vld [tilespmem:s13+$0xFFFFFFC0]  }
0x4b8: {  	v9 =	vld [tilespmem:s6+$0xFFFFFFD0];
	[tilespmem:s0+$0x10] =	vst v4;
	v4 =	vadd.f32 v8, v5  }
0x4b9: {  	v5 =	vld [tilespmem:s13+$0xFFFFFFD0];
	v12 =	vadd.f32 v3, v7  }
0x4ba: {  	v7 =	vld [tilespmem:s6+$0xFFFFFFE0];
	[tilespmem:s0+$0x20] =	vst v4  }
0x4bb: {  	v4 =	vld [tilespmem:s13+$0xFFFFFFE0];
	v8 =	vadd.f32 v11, v10;
	[tilespmem:s0+$0xFFFFFFC0] =	vst v12;
	s0 =	smov.u32 s6  }
0x4bc: {  	v10 =	vld [tilespmem:s6+$0xFFFFFFF0];
	v3 =	vmov v6  }
0x4bd: {  	v11 =	vld [tilespmem:s13+$0xFFFFFFF0];
	[tilespmem:s6+$0x30] =	vst v8  }
0x4be: {  	v5 =	vadd.f32 v5, v9;
	v9 =	vld [tilespmem:s6+$0x0]  }
0x4bf: {  	v12 =	vld [tilespmem:s13+$0x0]  }
.Ltmp30:
0x4c0: {  	[tilespmem:s6+$0xFFFFFFD0] =	vst v5;
	v5 =	vadd.f32 v4, v7;
	v4 =	vld [tilespmem:s6+$0x10];
	(pc) =	sbr.rel @p0 .LBB2_63-.Ltmp30, $4  }
0x4c1: {  	v6 =	vld [tilespmem:s13+$0x10]  }
0x4c2: {  	[tilespmem:s6+$0xFFFFFFE0] =	vst v5;
	v10 =	vadd.f32 v11, v10;
	v5 =	vld [tilespmem:s6+$0x20]  }
0x4c3: {  	v8 =	vld [tilespmem:s13+$0x20]  }
0x4c4: {  	s6 =	sadd.s32 $0x400, s6;
	v7 =	vld [tilespmem:s0+$0xFFFFFFC0];
	[tilespmem:s0+$0xFFFFFFF0] =	vst v10;
	v9 =	vadd.f32 v12, v9  }
0x4c5: {  	s31 =	sadd.s32 $0x1, s31  }
0x4c6: {  	p0 =	sne.s32 s31, $0x10  }
.Ltmp31:
0x4c7: {  	v4 =	vadd.f32 v6, v4;
	(pc) =	sbr.rel @p0 .LBB2_62-.Ltmp31, $4  }
0x4c8: {  	[tilespmem:s0+$0x0] =	vst v9;
	v5 =	vadd.f32 v8, v5  }
0x4c9: {  	[tilespmem:s0+$0x10] =	vst v4;
	v3 =	vadd.f32 v3, v7  }
0x4ca: {  	[tilespmem:s0+$0x20] =	vst v5  }
0x4cb: {  	s30 =	sadd.s32 $0x400, s30;
	s29 =	sadd.s32 $0x1, s29;
	[tilespmem:s0+$0xFFFFFFC0] =	vst v3  }
0x4cc: {  	s0 =	rddreg [dreg:$0x1d]  }
0x4cd: {  	[hbm4b:s0+s3] =	stream.linear.scatter [tilespmem:s5], [sflag:$0x4], $0x4000, $0x38;
	[tilespmem:$0x14200] =	vst v63  }
0x4ce: {  	_ =	swait.ge [sflag:s21], $0x4000  }
0x4cf: {  	[sflag:s21] =	ssyncset.done $0x0  }
0x4d0: {  	[sflag:s21] =	ssyncadd.s32 $0xFFFFC000  }
0x4d1: {  	_ =	swait.ge [sflag:s22], $0x4000  }
0x4d2: {  	[sflag:s22] =	ssyncset.done $0x0  }
0x4d3: {  	[sflag:s22] =	ssyncadd.s32 $0xFFFFC000  }
0x4d4: {  	_ =	swait.ge [sflag:s19], $0x4000  }
0x4d5: {  	s28 =	sadd.s32 $0x1, s28;
	s31 =	rddreg [dreg:$0x17]  }
0x4d6: {  	p0 =	sne.s32 s28, s31  }
.Ltmp32:
0x4d7: {  	_ = 	snop;
	(pc) =	sbr.rel @p0 .LBB2_1-.Ltmp32, $3  }
0x4d8: {  	_ =	sdelay $0x1  }
0x4d9: {  	[sflag:s19] =	ssyncset.done $0x0  }
0x4da: {  	[sflag:s19] =	ssyncadd.s32 $0xFFFFC000  }
0x4db: {  	_ =	sfence.sel $0x180000  }
0x4dc: {  	[bflag:$0x0] =	sbarrier.arrive $0xFFFF  }
0x4dd: {  	_ =	strace $0x90000047  }
0x4de: {  	s0 =	stileid.u32;
	[bflag:$0x2] =	sbarrier.arrive $0xFFFF  }
0x4df: {  	p0 =	sne.s32 s0, $0x0;
	s0 =	rddreg [dreg:$0x4]  }
0x4e0: {  	s0 =	sadd.s32 @!p0 $0x100000, s0  }
0x4e1: {  	[sflag:s0] =	ssyncadd.tile.s32 @!p0 $0x1;
	_ =	shalt  }
.Lfunc_end2:
_tile_overlayer_lowered:
.L_overlay_start_2:
0x4e2: {  	(tag) =	ssettag $0x2  }
0x4e3: {  	s0 =	rddreg [dreg:$0x0];
	s2 =	stileid.u32  }
0x4e4: {  	s1 =	rddreg [dreg:$0x1];
	p0 =	sne.s32 s2, $0x0  }
0x4e5: {  	s3 =	rddreg [dreg:$0x2];
	[bflag:$0x3] =	sbarrier.arrive $0xFFFF;
	s2 =	simm.s32 @!p0 $0x1C09  }
0x4e6: {  	[timem:s3], [sflag:s2] =	dma.local @!p0 [hbm:s0], s1  }
0x4e7: {  	s0 =	simm.s32 @!p0 $0x9  }
0x4e8: {  	_ =	swait.ge @!p0 [sflag:s0], s1  }
0x4e9: {  	s1 =	ssub.s32 @!p0 $0x0, s1;
	[sflag:s0] =	ssyncset.done @!p0 $0x0  }
0x4ea: {  	[sflag:s0] =	ssyncadd.s32 @!p0 s1  }
0x4eb: {  	[bflag:$0x3] =	sbarrier.arrive $0xFFFF  }
0x4ec: {  	_ =	shalt  }

</sc_bundles>
